<compile_context>
chip_gen: v7x
topology: tpu7x:2x2x1
jax: 0.10.2.dev20260603
libtpu: 0.0.44.dev20260713+nightly
codegen_flags: <defaults>
</compile_context>

<pallas_src>
import functools

import jax
import jax.numpy as jnp
from jax import lax
from jax.experimental import pallas as pl
from jax.experimental.pallas import tpu as pltpu
from jax.experimental.pallas import tpu_sc as plsc

N = 10000
E = 320000
D = 128
BN_EPS = 1e-5

NC = 2
NS = 16
NW = NC * NS
EPW = E // NW
CH = 40
NCHUNK = EPW // CH
R0 = (N // NS) // 8 * 8
RTAIL = N - NS * R0

_sc_mesh = plsc.VectorSubcoreMesh(
    core_axis_name="c", subcore_axis_name="s", num_cores=NC, num_subcores=NS
)


def _deg_body(pk_hbm, zeros_hbm, out_hbm, pkf, idx_v, ones_v, sdeg, dsem):
    c = lax.axis_index("c")
    s = lax.axis_index("s")
    w = c * NS + s
    pltpu.sync_copy(pk_hbm.at[pl.ds(pl.multiple_of(w * EPW, 8), EPW)], pkf)

    _offs = list(range(0, CH - 15, 16)) + ([CH - 16] if CH % 16 else [])

    def stage(j, carry):
        for off in _offs:
            idx_v[j, pl.ds(off, 16)] = lax.shift_right_logical(
                pkf[pl.ds(j * CH + off, 16)], 14)
        return carry

    lax.fori_loop(0, NCHUNK, stage, 0)

    for off in _offs:
        ones_v[pl.ds(off, 16)] = jnp.ones((16,), jnp.float32)

    @pl.when(s == 0)
    def _zero():
        pltpu.sync_copy(zeros_hbm, sdeg)

    plsc.subcore_barrier()

    def acc(j, carry):
        pltpu.async_copy(ones_v, sdeg.at[idx_v.at[j]], dsem, add=True)
        return carry

    lax.fori_loop(0, NCHUNK, acc, 0)

    def drain(j, carry):
        pltpu.make_async_copy(ones_v, sdeg.at[idx_v.at[0]], dsem).wait()
        return carry

    lax.fori_loop(0, NCHUNK, drain, 0)
    plsc.subcore_barrier()

    @pl.when(s == 0)
    def _out():
        pltpu.sync_copy(sdeg, out_hbm.at[c])


_deg_call = pl.kernel(
    _deg_body,
    out_type=jax.ShapeDtypeStruct((NC, N), jnp.float32),
    mesh=_sc_mesh,
    scratch_types=[
        pltpu.VMEM((EPW,), jnp.int32),
        pltpu.VMEM((NCHUNK, CH), jnp.int32),
        pltpu.VMEM((CH,), jnp.float32),
        pltpu.VMEM_SHARED((N,), jnp.float32),
        pltpu.SemaphoreType.DMA,
    ],
)


NSLOT = 6


def _agg_body(hp_hbm, pidx_hbm, out_hbm, pidx, si, di, bufs, acc_sh,
              gs0, gs1, gs2, gs3, gs4, gs5, ss0, ss1, ss2, ss3, ss4, ss5):
    c = lax.axis_index("c")
    s = lax.axis_index("s")
    w = c * NS + s
    gsems = (gs0, gs1, gs2, gs3, gs4, gs5)
    ssems = (ss0, ss1, ss2, ss3, ss4, ss5)
    pltpu.sync_copy(pidx_hbm.at[pl.ds(pl.multiple_of(w * EPW, 8), EPW)], pidx)
    base = pl.multiple_of(s * R0, 8)
    myhp = hp_hbm
    pltpu.sync_copy(myhp.at[pl.ds(base, R0)], acc_sh.at[pl.ds(base, R0)])

    @pl.when(s == NS - 1)
    def _init_tail():
        pltpu.sync_copy(myhp.at[pl.ds(NS * R0, RTAIL)], acc_sh.at[pl.ds(NS * R0, RTAIL)])

    plsc.subcore_barrier()

    def unpack(j, r):
        for off in list(range(0, CH - 15, 16)) + ([CH - 16] if CH % 16 else []):
            p = pidx[pl.ds(j * CH + off, 16)]
            si[r, pl.ds(off, 16)] = lax.bitwise_and(p, 0x3FFF)
            di[r, pl.ds(off, 16)] = lax.shift_right_logical(p, 14)

    def fire_gather(r):
        pltpu.async_copy(myhp.at[si.at[r]], bufs.at[r], gsems[r])

    def wait_gather(r):
        pltpu.make_async_copy(myhp.at[si.at[r]], bufs.at[r], gsems[r]).wait()

    def fire_scatter(r):
        pltpu.async_copy(bufs.at[r], acc_sh.at[di.at[r]], ssems[r], add=True)

    def wait_scatter(r):
        pltpu.make_async_copy(bufs.at[r], acc_sh.at[di.at[r]], ssems[r]).wait()

    for r in range(NSLOT):
        unpack(r, r)
        fire_gather(r)

    def sstep(i, carry):
        j0 = NSLOT * i
        for r in range(NSLOT):
            wait_gather(r)
            fire_scatter(r)
        for r in range(NSLOT):
            wait_scatter(r)

            @pl.when(j0 + r + NSLOT < NCHUNK)
            def _refill():
                unpack(j0 + r + NSLOT, r)
                fire_gather(r)

        return carry

    lax.fori_loop(0, NCHUNK // NSLOT, sstep, 0)
    for r in range(NCHUNK % NSLOT):
        wait_gather(r)
        fire_scatter(r)
    for r in range(NCHUNK % NSLOT):
        wait_scatter(r)
    plsc.subcore_barrier()
    pltpu.sync_copy(acc_sh.at[pl.ds(base, R0)], out_hbm.at[c].at[pl.ds(base, R0)])

    @pl.when(s == NS - 1)
    def _out_tail():
        pltpu.sync_copy(
            acc_sh.at[pl.ds(NS * R0, RTAIL)], out_hbm.at[c].at[pl.ds(NS * R0, RTAIL)]
        )


_agg_call = pl.kernel(
    _agg_body,
    out_type=jax.ShapeDtypeStruct((NC, N, D), jnp.float32),
    mesh=_sc_mesh,
    scratch_types=[
        pltpu.VMEM((EPW,), jnp.int32),
        pltpu.VMEM((NSLOT, CH), jnp.int32),
        pltpu.VMEM((NSLOT, CH), jnp.int32),
        pltpu.VMEM((NSLOT, CH, D), jnp.float32),
        pltpu.VMEM_SHARED((N, D), jnp.float32),
        pltpu.SemaphoreType.DMA,
        pltpu.SemaphoreType.DMA,
        pltpu.SemaphoreType.DMA,
        pltpu.SemaphoreType.DMA,
        pltpu.SemaphoreType.DMA,
        pltpu.SemaphoreType.DMA,
        pltpu.SemaphoreType.DMA,
        pltpu.SemaphoreType.DMA,
        pltpu.SemaphoreType.DMA,
        pltpu.SemaphoreType.DMA,
        pltpu.SemaphoreType.DMA,
        pltpu.SemaphoreType.DMA,
    ],
)


def _dinv_col(degp):
    deg = lax.dot_general(
        degp, jnp.ones((NC, 1), jnp.float32),
        (((0,), (0,)), ((), ())), preferred_element_type=jnp.float32,
    ) + 1.0
    return lax.rsqrt(jnp.maximum(deg, 1.0))


def _prep_body(x_ref, w_ref, ei_ref, h_ref, pk_ref):
    h_ref[...] = jnp.dot(x_ref[...], w_ref[...], preferred_element_type=jnp.float32)
    pk_ref[...] = lax.bitwise_or(lax.shift_left(ei_ref[1], 14), ei_ref[0])


def _scale_body(h_ref, degp_ref, hp_ref):
    hp_ref[...] = h_ref[...] * _dinv_col(degp_ref[...])


_prep_call = pl.pallas_call(
    _prep_body,
    out_shape=[
        jax.ShapeDtypeStruct((N, D), jnp.float32),
        jax.ShapeDtypeStruct((E,), jnp.int32),
    ],
)

_scale_call = pl.pallas_call(
    _scale_body,
    out_shape=jax.ShapeDtypeStruct((N, D), jnp.float32),
)


def _bn_body(s_ref, hp_ref, degp_ref, b_ref, g_ref, be_ref, z_ref):
    dinv = _dinv_col(degp_ref[...])
    t = (s_ref[0] + s_ref[1] - hp_ref[...]) * dinv + b_ref[...]
    r = jnp.maximum(t, 0.0)
    mean = jnp.mean(r, axis=0, keepdims=True)
    cent = r - mean
    var = jnp.mean(cent * cent, axis=0, keepdims=True)
    z_ref[...] = cent * lax.rsqrt(var + BN_EPS) * g_ref[...] + be_ref[...]


_bn_call = pl.pallas_call(
    _bn_body,
    out_shape=jax.ShapeDtypeStruct((N, D), jnp.float32),
)


@jax.jit
def kernel(x, edge_index, W, b, gamma, beta):
    h_raw, packed = _prep_call(x, W, edge_index)
    degp = _deg_call(packed, jnp.zeros((N,), jnp.float32))
    hp = _scale_call(h_raw, degp)
    s_parts = _agg_call(hp, packed)
    z = _bn_call(
        s_parts, hp, degp,
        b.reshape(1, D), gamma.reshape(1, D), beta.reshape(1, D),
    )
    return z

# --- scband reference (transcript-rebuilt; emitter-appended) ---
"""Pipeline reference for scband-gnnblock-75720273428864 (READ-ONLY COPY).

The authoritative reference and input builder live on the scoring server;
editing this copy changes nothing except your own understanding.
"""

import jax, jax.numpy as jnp
import numpy as np

N = 10000
E = 320000
D_IN = 128
D_OUT = 128
BN_EPS = 1e-5


def setup_inputs(seed: int = 0) -> dict:
    key = jax.random.key(seed)
    k1, k2, k3 = jax.random.split(key, 3)
    x = jax.random.normal(k1, (N, D_IN), dtype=jnp.float32)
    edge_index = jax.random.randint(k2, (2, E), 0, N, dtype=jnp.int32)
    # GCNConv learned parameters (glorot-ish init) + BatchNorm affine params
    W = jax.random.normal(k3, (D_IN, D_OUT), dtype=jnp.float32) * (1.0 / np.sqrt(D_IN))
    b = jnp.zeros((D_OUT,), dtype=jnp.float32)
    gamma = jnp.ones((D_OUT,), dtype=jnp.float32)
    beta = jnp.zeros((D_OUT,), dtype=jnp.float32)
    return {"x": x, "edge_index": edge_index, "W": W, "b": b, "gamma": gamma, "beta": beta}


def _gcn_conv(x, edge_index, W, b):
    n = x.shape[0]
    src = edge_index[0]
    dst = edge_index[1]
    # add self-loops (PyG GCNConv default add_self_loops=True)
    loop = jnp.arange(n, dtype=src.dtype)
    src = jnp.concatenate([src, loop], axis=0)
    dst = jnp.concatenate([dst, loop], axis=0)
    # symmetric normalization D^{-1/2} A_hat D^{-1/2}
    deg = jnp.zeros((n,), dtype=x.dtype).at[dst].add(1.0)
    dinv = jax.lax.rsqrt(jnp.maximum(deg, 1.0))
    norm = dinv[src] * dinv[dst]
    # linear transform first, then gather / scale / scatter-add
    h = x @ W
    msg = jnp.take(h, src, axis=0) * norm[:, None]
    out = jnp.zeros((n, W.shape[1]), dtype=x.dtype).at[dst].add(msg)
    return out + b


def _batch_norm(z, gamma, beta):
    mean = jnp.mean(z, axis=0)
    var = jnp.var(z, axis=0)
    zn = (z - mean) * jax.lax.rsqrt(var + BN_EPS)
    return zn * gamma + beta


def reference(x, edge_index, W, b, gamma, beta):
    z = _gcn_conv(x, edge_index, W, b)
    z = jax.nn.relu(z)
    z = _batch_norm(z, gamma, beta)
    # F.dropout(z, p, training=self.training): identity in eval mode (deterministic reference)
    return z.astype(x.dtype)

if __name__ == "__main__":
    import jax
    _d = setup_inputs()
    print(jax.jit(kernel)(*tuple(_d.values())))

</pallas_src>

<mosaic_0001>
#map = affine_map<(d0, d1) -> (0)>
#map1 = affine_map<(d0, d1) -> (0, 0)>
module attributes {stable_mosaic.version = 14 : i64} {
  func.func @_deg_body(%arg0: i32, %arg1: i32, %arg2: memref<320000xi32, #tpu.memory_space<hbm>>, %arg3: memref<10000xf32, #tpu.memory_space<hbm>>, %arg4: memref<2x10000xf32, #tpu.memory_space<hbm>>, %arg5: memref<10000xi32, #tpu.memory_space<vmem>>, %arg6: memref<250x40xi32, #tpu.memory_space<vmem>>, %arg7: memref<40xf32, #tpu.memory_space<vmem>>, %arg8: memref<10000xf32, #tpu.memory_space<vmem_shared>>, %arg9: memref<!tpu.dma_semaphore, #tpu.memory_space<semaphore_mem>>) attributes {dimension_semantics = [#tpu.dimension_semantics<core_parallel>, #tpu.dimension_semantics<subcore_parallel>], iteration_bounds = array<i64: 2, 16>, scalar_prefetch = 0 : i64, scratch_operands = 5 : i64, tpu.core_type = #tpu.core_type<sc_vector_subcore>, window_params = [{transform_indices = #map}, {transform_indices = #map}, {transform_indices = #map1}]} {
    %mul3A = arith.constant 16 : i32
    %mul3A_0 = arith.muli %arg0, %mul3A : i32
    %add3A = arith.addi %mul3A_0, %arg1 : i32
    %mul3A_1 = arith.constant 10000 : i32
    %mul3A_2 = arith.muli %add3A, %mul3A_1 : i32
    %multiple_of3A = tpu.assume_multiple %mul3A_2, 8 : i32
    "tpu.region"() ({
      %run_scoped3A = tpu.sem_alloc : memref<!tpu.dma_semaphore, #tpu.memory_space<semaphore_mem>>
      %dma_start3A = tpu.memref_slice %arg2[%multiple_of3A] : memref<320000xi32, #tpu.memory_space<hbm>> -> memref<10000xi32, #tpu.memory_space<hbm>>
      %dma_start3A_44 = tpu.memref_slice %arg2[%multiple_of3A] : memref<320000xi32, #tpu.memory_space<hbm>> -> memref<10000xi32, #tpu.memory_space<hbm>>
      tpu.enqueue_dma source(%dma_start3A_44 : memref<10000xi32, #tpu.memory_space<hbm>>) target(%arg5 : memref<10000xi32, #tpu.memory_space<vmem>>) target_semaphore(%run_scoped3A : memref<!tpu.dma_semaphore, #tpu.memory_space<semaphore_mem>>)
      %dma_wait3A = tpu.memref_slice %arg2[%multiple_of3A] : memref<320000xi32, #tpu.memory_space<hbm>> -> memref<10000xi32, #tpu.memory_space<hbm>>
      %dma_wait3A_45 = tpu.memref_slice %arg2[%multiple_of3A] : memref<320000xi32, #tpu.memory_space<hbm>> -> memref<10000xi32, #tpu.memory_space<hbm>>
      tpu.wait_dma2 semaphore(%run_scoped3A : memref<!tpu.dma_semaphore, #tpu.memory_space<semaphore_mem>>) src(%dma_wait3A_45 : memref<10000xi32, #tpu.memory_space<hbm>>) dst(%arg5 : memref<10000xi32, #tpu.memory_space<vmem>>)
      tpu.yield
    }) : () -> ()
    %scan3A = arith.constant 0 : i32
    %scan3A_3 = arith.constant 0 : i32
    %scan3A_4 = arith.constant 250 : i32
    %scan3A_5 = arith.addi %scan3A_3, %scan3A_4 : i32
    %scan3A_6 = arith.constant 1 : i32
    scf.for %scan3A_44 = %scan3A_3 to %scan3A_5 step %scan3A_6  : i32 {
      %mul3A_45 = arith.constant 40 : i32
      %mul3A_46 = arith.muli %scan3A_44, %mul3A_45 : i32
      %add3A_47 = arith.constant 0 : i32
      %add3A_48 = arith.addi %mul3A_46, %add3A_47 : i32
      %get3A = arith.index_cast %add3A_48 : i32 to index
      %get3A_49 = tpu.vector_load %arg5[%get3A] {strides = array<i32>} : memref<10000xi32, #tpu.memory_space<vmem>>, vector<16xi32>,
      %get3A_50 = vector.shape_cast %get3A_49 : vector<16xi32> to vector<16xi32>
      %shift_right_logical3A = arith.constant 14 : i32
      %shift_right_logical3A_51 = vector.broadcast %shift_right_logical3A : i32 to vector<16xi32>
      %shift_right_logical3A_52 = arith.shrui %get3A_50, %shift_right_logical3A_51 : vector<16xi32>
      %swap3A_53 = arith.index_cast %scan3A_44 : i32 to index
      %swap3A_54 = arith.constant 0 : index
      %swap3A_55 = tpu.vector_load %arg6[%swap3A_53, %swap3A_54] {strides = array<i32>} : memref<250x40xi32, #tpu.memory_space<vmem>>, vector<1x16xi32>,
      %swap3A_56 = vector.shape_cast %swap3A_55 : vector<1x16xi32> to vector<16xi32>
      %swap3A_57 = vector.shape_cast %shift_right_logical3A_52 : vector<16xi32> to vector<1x16xi32>
      tpu.vector_store %arg6[%swap3A_53, %swap3A_54], %swap3A_57 {strides = array<i32>} : memref<250x40xi32, #tpu.memory_space<vmem>>, vector<1x16xi32>,
      %mul3A_58 = arith.constant 40 : i32
      %mul3A_59 = arith.muli %scan3A_44, %mul3A_58 : i32
      %add3A_60 = arith.constant 16 : i32
      %add3A_61 = arith.addi %mul3A_59, %add3A_60 : i32
      %get3A_62 = arith.index_cast %add3A_61 : i32 to index
      %get3A_63 = tpu.vector_load %arg5[%get3A_62] {strides = array<i32>} : memref<10000xi32, #tpu.memory_space<vmem>>, vector<16xi32>,
      %get3A_64 = vector.shape_cast %get3A_63 : vector<16xi32> to vector<16xi32>
      %shift_right_logical3A_65 = arith.constant 14 : i32
      %shift_right_logical3A_66 = vector.broadcast %shift_right_logical3A_65 : i32 to vector<16xi32>
      %shift_right_logical3A_67 = arith.shrui %get3A_64, %shift_right_logical3A_66 : vector<16xi32>
      %swap3A_68 = arith.index_cast %scan3A_44 : i32 to index
      %swap3A_69 = arith.constant 16 : index
      %swap3A_70 = tpu.vector_load %arg6[%swap3A_68, %swap3A_69] {strides = array<i32>} : memref<250x40xi32, #tpu.memory_space<vmem>>, vector<1x16xi32>,
      %swap3A_71 = vector.shape_cast %swap3A_70 : vector<1x16xi32> to vector<16xi32>
      %swap3A_72 = vector.shape_cast %shift_right_logical3A_67 : vector<16xi32> to vector<1x16xi32>
      tpu.vector_store %arg6[%swap3A_68, %swap3A_69], %swap3A_72 {strides = array<i32>} : memref<250x40xi32, #tpu.memory_space<vmem>>, vector<1x16xi32>,
      %mul3A_73 = arith.constant 40 : i32
      %mul3A_74 = arith.muli %scan3A_44, %mul3A_73 : i32
      %add3A_75 = arith.constant 24 : i32
      %add3A_76 = arith.addi %mul3A_74, %add3A_75 : i32
      %get3A_77 = arith.index_cast %add3A_76 : i32 to index
      %get3A_78 = tpu.vector_load %arg5[%get3A_77] {strides = array<i32>} : memref<10000xi32, #tpu.memory_space<vmem>>, vector<16xi32>,
      %get3A_79 = vector.shape_cast %get3A_78 : vector<16xi32> to vector<16xi32>
      %shift_right_logical3A_80 = arith.constant 14 : i32
      %shift_right_logical3A_81 = vector.broadcast %shift_right_logical3A_80 : i32 to vector<16xi32>
      %shift_right_logical3A_82 = arith.shrui %get3A_79, %shift_right_logical3A_81 : vector<16xi32>
      %swap3A_83 = arith.index_cast %scan3A_44 : i32 to index
      %swap3A_84 = arith.constant 24 : index
      %swap3A_85 = tpu.vector_load %arg6[%swap3A_83, %swap3A_84] {strides = array<i32>} : memref<250x40xi32, #tpu.memory_space<vmem>>, vector<1x16xi32>,
      %swap3A_86 = vector.shape_cast %swap3A_85 : vector<1x16xi32> to vector<16xi32>
      %swap3A_87 = vector.shape_cast %shift_right_logical3A_82 : vector<16xi32> to vector<1x16xi32>
      tpu.vector_store %arg6[%swap3A_83, %swap3A_84], %swap3A_87 {strides = array<i32>} : memref<250x40xi32, #tpu.memory_space<vmem>>, vector<1x16xi32>,
    }
    %scan3A_7 = arith.constant 250 : i32
    %broadcast_in_dim3A = arith.constant 1.000000e+00 : f32
    %broadcast_in_dim3A_8 = vector.broadcast %broadcast_in_dim3A : f32 to vector<16xf32>
    %swap3A = arith.constant 0 : index
    %swap3A_9 = tpu.vector_load %arg7[%swap3A] {strides = array<i32>} : memref<40xf32, #tpu.memory_space<vmem>>, vector<16xf32>,
    %swap3A_10 = vector.shape_cast %swap3A_9 : vector<16xf32> to vector<16xf32>
    %swap3A_11 = vector.shape_cast %broadcast_in_dim3A_8 : vector<16xf32> to vector<16xf32>
    tpu.vector_store %arg7[%swap3A], %swap3A_11 {strides = array<i32>} : memref<40xf32, #tpu.memory_space<vmem>>, vector<16xf32>,
    %broadcast_in_dim3A_12 = arith.constant 1.000000e+00 : f32
    %broadcast_in_dim3A_13 = vector.broadcast %broadcast_in_dim3A_12 : f32 to vector<16xf32>
    %swap3A_14 = arith.constant 16 : index
    %swap3A_15 = tpu.vector_load %arg7[%swap3A_14] {strides = array<i32>} : memref<40xf32, #tpu.memory_space<vmem>>, vector<16xf32>,
    %swap3A_16 = vector.shape_cast %swap3A_15 : vector<16xf32> to vector<16xf32>
    %swap3A_17 = vector.shape_cast %broadcast_in_dim3A_13 : vector<16xf32> to vector<16xf32>
    tpu.vector_store %arg7[%swap3A_14], %swap3A_17 {strides = array<i32>} : memref<40xf32, #tpu.memory_space<vmem>>, vector<16xf32>,
    %broadcast_in_dim3A_18 = arith.constant 1.000000e+00 : f32
    %broadcast_in_dim3A_19 = vector.broadcast %broadcast_in_dim3A_18 : f32 to vector<16xf32>
    %swap3A_20 = arith.constant 24 : index
    %swap3A_21 = tpu.vector_load %arg7[%swap3A_20] {strides = array<i32>} : memref<40xf32, #tpu.memory_space<vmem>>, vector<16xf32>,
    %swap3A_22 = vector.shape_cast %swap3A_21 : vector<16xf32> to vector<16xf32>
    %swap3A_23 = vector.shape_cast %broadcast_in_dim3A_19 : vector<16xf32> to vector<16xf32>
    tpu.vector_store %arg7[%swap3A_20], %swap3A_23 {strides = array<i32>} : memref<40xf32, #tpu.memory_space<vmem>>, vector<16xf32>,
    %eq3A = arith.constant 0 : i32
    %eq3A_24 = arith.cmpi eq, %arg1, %eq3A : i32
    %convert_element_type3A = arith.extui %eq3A_24 : i1 to i32
    %cond3A = arith.constant 0 : i32
    %cond3A_25 = arith.cmpi ne, %convert_element_type3A, %cond3A : i32
    scf.if %cond3A_25 {
      "tpu.region"() ({
        %run_scoped3A = tpu.sem_alloc : memref<!tpu.dma_semaphore, #tpu.memory_space<semaphore_mem>>
        tpu.enqueue_dma source(%arg3 : memref<10000xf32, #tpu.memory_space<hbm>>) target(%arg8 : memref<10000xf32, #tpu.memory_space<vmem_shared>>) target_semaphore(%run_scoped3A : memref<!tpu.dma_semaphore, #tpu.memory_space<semaphore_mem>>)
        tpu.wait_dma2 semaphore(%run_scoped3A : memref<!tpu.dma_semaphore, #tpu.memory_space<semaphore_mem>>) src(%arg3 : memref<10000xf32, #tpu.memory_space<hbm>>) dst(%arg8 : memref<10000xf32, #tpu.memory_space<vmem_shared>>)
        tpu.yield
      }) : () -> ()
    } else {
    }
    %barrier3A = arith.constant 0 : index
    tpu.barrier barrier_id(%barrier3A)
    %scan3A_26 = arith.constant 0 : i32
    %scan3A_27 = arith.constant 0 : i32
    %scan3A_28 = arith.constant 250 : i32
    %scan3A_29 = arith.addi %scan3A_27, %scan3A_28 : i32
    %scan3A_30 = arith.constant 1 : i32
    scf.for %scan3A_44 = %scan3A_27 to %scan3A_29 step %scan3A_30  : i32 {
      %dma_start3A = arith.constant 0 : i32
      %dma_start3A_45 = tpu.memref_slice %arg6[%scan3A_44, %dma_start3A] : memref<250x40xi32, #tpu.memory_space<vmem>> -> memref<1x40xi32, #tpu.memory_space<vmem>>
      %dma_start3A_46 = tpu.memref_squeeze %dma_start3A_45 : memref<1x40xi32, #tpu.memory_space<vmem>> -> memref<40xi32, #tpu.memory_space<vmem>>
      %dma_start3A_47 = arith.constant 0 : i32
      %dma_start3A_48 = tpu.memref_slice %arg8[%dma_start3A_47] : memref<10000xf32, #tpu.memory_space<vmem_shared>> -> memref<10000xf32, #tpu.memory_space<vmem_shared>>
      tpu.enqueue_indirect_dma source(%arg7 : memref<40xf32, #tpu.memory_space<vmem>>) target(%dma_start3A_48 : memref<10000xf32, #tpu.memory_space<vmem_shared>>) offsets(%dma_start3A_46 : memref<40xi32, #tpu.memory_space<vmem>>) semaphore(%arg9 : memref<!tpu.dma_semaphore, #tpu.memory_space<semaphore_mem>>) {add = true}
    }
    %scan3A_31 = arith.constant 250 : i32
    %scan3A_32 = arith.constant 0 : i32
    %scan3A_33 = arith.constant 0 : i32
    %scan3A_34 = arith.constant 250 : i32
    %scan3A_35 = arith.addi %scan3A_33, %scan3A_34 : i32
    %scan3A_36 = arith.constant 1 : i32
    scf.for %scan3A_44 = %scan3A_33 to %scan3A_35 step %scan3A_36  : i32 {
      %dma_wait3A = arith.constant 0 : i32
      %dma_wait3A_45 = arith.constant 0 : i32
      %dma_wait3A_46 = tpu.memref_slice %arg6[%dma_wait3A, %dma_wait3A_45] : memref<250x40xi32, #tpu.memory_space<vmem>> -> memref<1x40xi32, #tpu.memory_space<vmem>>
      %dma_wait3A_47 = tpu.memref_squeeze %dma_wait3A_46 : memref<1x40xi32, #tpu.memory_space<vmem>> -> memref<40xi32, #tpu.memory_space<vmem>>
      %dma_wait3A_48 = arith.constant 0 : i32
      %dma_wait3A_49 = tpu.memref_slice %arg8[%dma_wait3A_48] : memref<10000xf32, #tpu.memory_space<vmem_shared>> -> memref<10000xf32, #tpu.memory_space<vmem_shared>>
      tpu.wait_indirect_dma semaphore(%arg9 : memref<!tpu.dma_semaphore, #tpu.memory_space<semaphore_mem>>) src(%arg7 : memref<40xf32, #tpu.memory_space<vmem>>) dst(%dma_wait3A_49 : memref<10000xf32, #tpu.memory_space<vmem_shared>>)
    }
    %scan3A_37 = arith.constant 250 : i32
    %barrier3A_38 = arith.constant 0 : index
    tpu.barrier barrier_id(%barrier3A_38)
    %eq3A_39 = arith.constant 0 : i32
    %eq3A_40 = arith.cmpi eq, %arg1, %eq3A_39 : i32
    %convert_element_type3A_41 = arith.extui %eq3A_40 : i1 to i32
    %cond3A_42 = arith.constant 0 : i32
    %cond3A_43 = arith.cmpi ne, %convert_element_type3A_41, %cond3A_42 : i32
    scf.if %cond3A_43 {
      "tpu.region"() ({
        %run_scoped3A = tpu.sem_alloc : memref<!tpu.dma_semaphore, #tpu.memory_space<semaphore_mem>>
        %dma_start3A = arith.constant 0 : i32
        %dma_start3A_44 = tpu.memref_slice %arg4[%arg0, %dma_start3A] : memref<2x10000xf32, #tpu.memory_space<hbm>> -> memref<1x10000xf32, #tpu.memory_space<hbm>>
        %dma_start3A_45 = tpu.memref_squeeze %dma_start3A_44 : memref<1x10000xf32, #tpu.memory_space<hbm>> -> memref<10000xf32, #tpu.memory_space<hbm>>
        tpu.enqueue_dma source(%arg8 : memref<10000xf32, #tpu.memory_space<vmem_shared>>) target(%dma_start3A_45 : memref<10000xf32, #tpu.memory_space<hbm>>) target_semaphore(%run_scoped3A : memref<!tpu.dma_semaphore, #tpu.memory_space<semaphore_mem>>)
        %dma_wait3A = arith.constant 0 : i32
        %dma_wait3A_46 = tpu.memref_slice %arg4[%arg0, %dma_wait3A] : memref<2x10000xf32, #tpu.memory_space<hbm>> -> memref<1x10000xf32, #tpu.memory_space<hbm>>
        %dma_wait3A_47 = tpu.memref_squeeze %dma_wait3A_46 : memref<1x10000xf32, #tpu.memory_space<hbm>> -> memref<10000xf32, #tpu.memory_space<hbm>>
        tpu.wait_dma2 semaphore(%run_scoped3A : memref<!tpu.dma_semaphore, #tpu.memory_space<semaphore_mem>>) src(%arg8 : memref<10000xf32, #tpu.memory_space<vmem_shared>>) dst(%dma_wait3A_47 : memref<10000xf32, #tpu.memory_space<hbm>>)
        tpu.yield
      }) : () -> ()
    } else {
    }
    return
  }
}

#map = affine_map<(d0, d1) -> (0, 0)>
#map1 = affine_map<(d0, d1) -> (0)>
#map2 = affine_map<(d0, d1) -> (0, 0, 0)>
module attributes {stable_mosaic.version = 14 : i64} {
  func.func @_agg_body(%arg0: i32, %arg1: i32, %arg2: memref<10000x128xf32, #tpu.memory_space<hbm>>, %arg3: memref<320000xi32, #tpu.memory_space<hbm>>, %arg4: memref<2x10000x128xf32, #tpu.memory_space<hbm>>, %arg5: memref<10000xi32, #tpu.memory_space<vmem>>, %arg6: memref<6x40xi32, #tpu.memory_space<vmem>>, %arg7: memref<6x40xi32, #tpu.memory_space<vmem>>, %arg8: memref<6x40x128xf32, #tpu.memory_space<vmem>>, %arg9: memref<10000x128xf32, #tpu.memory_space<vmem_shared>>, %arg10: memref<!tpu.dma_semaphore, #tpu.memory_space<semaphore_mem>>, %arg11: memref<!tpu.dma_semaphore, #tpu.memory_space<semaphore_mem>>, %arg12: memref<!tpu.dma_semaphore, #tpu.memory_space<semaphore_mem>>, %arg13: memref<!tpu.dma_semaphore, #tpu.memory_space<semaphore_mem>>, %arg14: memref<!tpu.dma_semaphore, #tpu.memory_space<semaphore_mem>>, %arg15: memref<!tpu.dma_semaphore, #tpu.memory_space<semaphore_mem>>, %arg16: memref<!tpu.dma_semaphore, #tpu.memory_space<semaphore_mem>>, %arg17: memref<!tpu.dma_semaphore, #tpu.memory_space<semaphore_mem>>, %arg18: memref<!tpu.dma_semaphore, #tpu.memory_space<semaphore_mem>>, %arg19: memref<!tpu.dma_semaphore, #tpu.memory_space<semaphore_mem>>, %arg20: memref<!tpu.dma_semaphore, #tpu.memory_space<semaphore_mem>>, %arg21: memref<!tpu.dma_semaphore, #tpu.memory_space<semaphore_mem>>) attributes {dimension_semantics = [#tpu.dimension_semantics<core_parallel>, #tpu.dimension_semantics<subcore_parallel>], iteration_bounds = array<i64: 2, 16>, scalar_prefetch = 0 : i64, scratch_operands = 17 : i64, tpu.core_type = #tpu.core_type<sc_vector_subcore>, window_params = [{transform_indices = #map}, {transform_indices = #map1}, {transform_indices = #map2}]} {
    %mul3A = arith.constant 16 : i32
    %mul3A_0 = arith.muli %arg0, %mul3A : i32
    %add3A = arith.addi %mul3A_0, %arg1 : i32
    %mul3A_1 = arith.constant 10000 : i32
    %mul3A_2 = arith.muli %add3A, %mul3A_1 : i32
    %multiple_of3A = tpu.assume_multiple %mul3A_2, 8 : i32
    "tpu.region"() ({
      %run_scoped3A = tpu.sem_alloc : memref<!tpu.dma_semaphore, #tpu.memory_space<semaphore_mem>>
      %dma_start3A_607 = tpu.memref_slice %arg3[%multiple_of3A] : memref<320000xi32, #tpu.memory_space<hbm>> -> memref<10000xi32, #tpu.memory_space<hbm>>
      %dma_start3A_608 = tpu.memref_slice %arg3[%multiple_of3A] : memref<320000xi32, #tpu.memory_space<hbm>> -> memref<10000xi32, #tpu.memory_space<hbm>>
      tpu.enqueue_dma source(%dma_start3A_608 : memref<10000xi32, #tpu.memory_space<hbm>>) target(%arg5 : memref<10000xi32, #tpu.memory_space<vmem>>) target_semaphore(%run_scoped3A : memref<!tpu.dma_semaphore, #tpu.memory_space<semaphore_mem>>)
      %dma_wait3A_609 = tpu.memref_slice %arg3[%multiple_of3A] : memref<320000xi32, #tpu.memory_space<hbm>> -> memref<10000xi32, #tpu.memory_space<hbm>>
      %dma_wait3A_610 = tpu.memref_slice %arg3[%multiple_of3A] : memref<320000xi32, #tpu.memory_space<hbm>> -> memref<10000xi32, #tpu.memory_space<hbm>>
      tpu.wait_dma2 semaphore(%run_scoped3A : memref<!tpu.dma_semaphore, #tpu.memory_space<semaphore_mem>>) src(%dma_wait3A_610 : memref<10000xi32, #tpu.memory_space<hbm>>) dst(%arg5 : memref<10000xi32, #tpu.memory_space<vmem>>)
      tpu.yield
    }) : () -> ()
    %mul3A_3 = arith.constant 624 : i32
    %mul3A_4 = arith.muli %arg1, %mul3A_3 : i32
    %multiple_of3A_5 = tpu.assume_multiple %mul3A_4, 8 : i32
    "tpu.region"() ({
      %run_scoped3A = tpu.sem_alloc : memref<!tpu.dma_semaphore, #tpu.memory_space<semaphore_mem>>
      %dma_start3A_607 = arith.constant 0 : i32
      %dma_start3A_608 = tpu.memref_slice %arg9[%multiple_of3A_5, %dma_start3A_607] : memref<10000x128xf32, #tpu.memory_space<vmem_shared>> -> memref<624x128xf32, #tpu.memory_space<vmem_shared>>
      %dma_start3A_609 = arith.constant 0 : i32
      %dma_start3A_610 = tpu.memref_slice %arg2[%multiple_of3A_5, %dma_start3A_609] : memref<10000x128xf32, #tpu.memory_space<hbm>> -> memref<624x128xf32, #tpu.memory_space<hbm>>
      tpu.enqueue_dma source(%dma_start3A_610 : memref<624x128xf32, #tpu.memory_space<hbm>>) target(%dma_start3A_608 : memref<624x128xf32, #tpu.memory_space<vmem_shared>>) target_semaphore(%run_scoped3A : memref<!tpu.dma_semaphore, #tpu.memory_space<semaphore_mem>>)
      %dma_wait3A_611 = arith.constant 0 : i32
      %dma_wait3A_612 = tpu.memref_slice %arg9[%multiple_of3A_5, %dma_wait3A_611] : memref<10000x128xf32, #tpu.memory_space<vmem_shared>> -> memref<624x128xf32, #tpu.memory_space<vmem_shared>>
      %dma_wait3A_613 = arith.constant 0 : i32
      %dma_wait3A_614 = tpu.memref_slice %arg2[%multiple_of3A_5, %dma_wait3A_613] : memref<10000x128xf32, #tpu.memory_space<hbm>> -> memref<624x128xf32, #tpu.memory_space<hbm>>
      tpu.wait_dma2 semaphore(%run_scoped3A : memref<!tpu.dma_semaphore, #tpu.memory_space<semaphore_mem>>) src(%dma_wait3A_614 : memref<624x128xf32, #tpu.memory_space<hbm>>) dst(%dma_wait3A_612 : memref<624x128xf32, #tpu.memory_space<vmem_shared>>)
      tpu.yield
    }) : () -> ()
    %eq3A = arith.constant 15 : i32
    %eq3A_6 = arith.cmpi eq, %arg1, %eq3A : i32
    %convert_element_type3A = arith.extui %eq3A_6 : i1 to i32
    %cond3A = arith.constant 0 : i32
    %cond3A_7 = arith.cmpi ne, %convert_element_type3A, %cond3A : i32
    scf.if %cond3A_7 {
      "tpu.region"() ({
        %run_scoped3A = tpu.sem_alloc : memref<!tpu.dma_semaphore, #tpu.memory_space<semaphore_mem>>
        %dma_start3A_607 = arith.constant 9984 : i32
        %dma_start3A_608 = arith.constant 0 : i32
        %dma_start3A_609 = tpu.memref_slice %arg9[%dma_start3A_607, %dma_start3A_608] : memref<10000x128xf32, #tpu.memory_space<vmem_shared>> -> memref<16x128xf32, #tpu.memory_space<vmem_shared>>
        %dma_start3A_610 = arith.constant 9984 : i32
        %dma_start3A_611 = arith.constant 0 : i32
        %dma_start3A_612 = tpu.memref_slice %arg2[%dma_start3A_610, %dma_start3A_611] : memref<10000x128xf32, #tpu.memory_space<hbm>> -> memref<16x128xf32, #tpu.memory_space<hbm>>
        tpu.enqueue_dma source(%dma_start3A_612 : memref<16x128xf32, #tpu.memory_space<hbm>>) target(%dma_start3A_609 : memref<16x128xf32, #tpu.memory_space<vmem_shared>>) target_semaphore(%run_scoped3A : memref<!tpu.dma_semaphore, #tpu.memory_space<semaphore_mem>>)
        %dma_wait3A_613 = arith.constant 9984 : i32
        %dma_wait3A_614 = arith.constant 0 : i32
        %dma_wait3A_615 = tpu.memref_slice %arg9[%dma_wait3A_613, %dma_wait3A_614] : memref<10000x128xf32, #tpu.memory_space<vmem_shared>> -> memref<16x128xf32, #tpu.memory_space<vmem_shared>>
        %dma_wait3A_616 = arith.constant 9984 : i32
        %dma_wait3A_617 = arith.constant 0 : i32
        %dma_wait3A_618 = tpu.memref_slice %arg2[%dma_wait3A_616, %dma_wait3A_617] : memref<10000x128xf32, #tpu.memory_space<hbm>> -> memref<16x128xf32, #tpu.memory_space<hbm>>
        tpu.wait_dma2 semaphore(%run_scoped3A : memref<!tpu.dma_semaphore, #tpu.memory_space<semaphore_mem>>) src(%dma_wait3A_618 : memref<16x128xf32, #tpu.memory_space<hbm>>) dst(%dma_wait3A_615 : memref<16x128xf32, #tpu.memory_space<vmem_shared>>)
        tpu.yield
      }) : () -> ()
    } else {
    }
    %barrier3A = arith.constant 0 : index
    tpu.barrier barrier_id(%barrier3A)
    %get3A = arith.constant 0 : index
    %get3A_8 = tpu.vector_load %arg5[%get3A] {strides = array<i32>} : memref<10000xi32, #tpu.memory_space<vmem>>, vector<16xi32>,
    %get3A_9 = vector.shape_cast %get3A_8 : vector<16xi32> to vector<16xi32>
    %and3A = arith.constant 16383 : i32
    %and3A_10 = vector.broadcast %and3A : i32 to vector<16xi32>
    %and3A_11 = arith.andi %get3A_9, %and3A_10 : vector<16xi32>
    %swap3A = arith.constant 0 : i32
    %swap3A_12 = arith.index_cast %swap3A : i32 to index
    %swap3A_13 = arith.constant 0 : index
    %swap3A_14 = tpu.vector_load %arg6[%swap3A_12, %swap3A_13] {strides = array<i32>} : memref<6x40xi32, #tpu.memory_space<vmem>>, vector<1x16xi32>,
    %swap3A_15 = vector.shape_cast %swap3A_14 : vector<1x16xi32> to vector<16xi32>
    %swap3A_16 = vector.shape_cast %and3A_11 : vector<16xi32> to vector<1x16xi32>
    tpu.vector_store %arg6[%swap3A_12, %swap3A_13], %swap3A_16 {strides = array<i32>} : memref<6x40xi32, #tpu.memory_space<vmem>>, vector<1x16xi32>,
    %shift_right_logical3A = arith.constant 14 : i32
    %shift_right_logical3A_17 = vector.broadcast %shift_right_logical3A : i32 to vector<16xi32>
    %shift_right_logical3A_18 = arith.shrui %get3A_9, %shift_right_logical3A_17 : vector<16xi32>
    %swap3A_19 = arith.constant 0 : i32
    %swap3A_20 = arith.index_cast %swap3A_19 : i32 to index
    %swap3A_21 = arith.constant 0 : index
    %swap3A_22 = tpu.vector_load %arg7[%swap3A_20, %swap3A_21] {strides = array<i32>} : memref<6x40xi32, #tpu.memory_space<vmem>>, vector<1x16xi32>,
    %swap3A_23 = vector.shape_cast %swap3A_22 : vector<1x16xi32> to vector<16xi32>
    %swap3A_24 = vector.shape_cast %shift_right_logical3A_18 : vector<16xi32> to vector<1x16xi32>
    tpu.vector_store %arg7[%swap3A_20, %swap3A_21], %swap3A_24 {strides = array<i32>} : memref<6x40xi32, #tpu.memory_space<vmem>>, vector<1x16xi32>,
    %get3A_25 = arith.constant 16 : index
    %get3A_26 = tpu.vector_load %arg5[%get3A_25] {strides = array<i32>} : memref<10000xi32, #tpu.memory_space<vmem>>, vector<16xi32>,
    %get3A_27 = vector.shape_cast %get3A_26 : vector<16xi32> to vector<16xi32>
    %and3A_28 = arith.constant 16383 : i32
    %and3A_29 = vector.broadcast %and3A_28 : i32 to vector<16xi32>
    %and3A_30 = arith.andi %get3A_27, %and3A_29 : vector<16xi32>
    %swap3A_31 = arith.constant 0 : i32
    %swap3A_32 = arith.index_cast %swap3A_31 : i32 to index
    %swap3A_33 = arith.constant 16 : index
    %swap3A_34 = tpu.vector_load %arg6[%swap3A_32, %swap3A_33] {strides = array<i32>} : memref<6x40xi32, #tpu.memory_space<vmem>>, vector<1x16xi32>,
    %swap3A_35 = vector.shape_cast %swap3A_34 : vector<1x16xi32> to vector<16xi32>
    %swap3A_36 = vector.shape_cast %and3A_30 : vector<16xi32> to vector<1x16xi32>
    tpu.vector_store %arg6[%swap3A_32, %swap3A_33], %swap3A_36 {strides = array<i32>} : memref<6x40xi32, #tpu.memory_space<vmem>>, vector<1x16xi32>,
    %shift_right_logical3A_37 = arith.constant 14 : i32
    %shift_right_logical3A_38 = vector.broadcast %shift_right_logical3A_37 : i32 to vector<16xi32>
    %shift_right_logical3A_39 = arith.shrui %get3A_27, %shift_right_logical3A_38 : vector<16xi32>
    %swap3A_40 = arith.constant 0 : i32
    %swap3A_41 = arith.index_cast %swap3A_40 : i32 to index
    %swap3A_42 = arith.constant 16 : index
    %swap3A_43 = tpu.vector_load %arg7[%swap3A_41, %swap3A_42] {strides = array<i32>} : memref<6x40xi32, #tpu.memory_space<vmem>>, vector<1x16xi32>,
    %swap3A_44 = vector.shape_cast %swap3A_43 : vector<1x16xi32> to vector<16xi32>
    %swap3A_45 = vector.shape_cast %shift_right_logical3A_39 : vector<16xi32> to vector<1x16xi32>
    tpu.vector_store %arg7[%swap3A_41, %swap3A_42], %swap3A_45 {strides = array<i32>} : memref<6x40xi32, #tpu.memory_space<vmem>>, vector<1x16xi32>,
    %get3A_46 = arith.constant 24 : index
    %get3A_47 = tpu.vector_load %arg5[%get3A_46] {strides = array<i32>} : memref<10000xi32, #tpu.memory_space<vmem>>, vector<16xi32>,
    %get3A_48 = vector.shape_cast %get3A_47 : vector<16xi32> to vector<16xi32>
    %and3A_49 = arith.constant 16383 : i32
    %and3A_50 = vector.broadcast %and3A_49 : i32 to vector<16xi32>
    %and3A_51 = arith.andi %get3A_48, %and3A_50 : vector<16xi32>
    %swap3A_52 = arith.constant 0 : i32
    %swap3A_53 = arith.index_cast %swap3A_52 : i32 to index
    %swap3A_54 = arith.constant 24 : index
    %swap3A_55 = tpu.vector_load %arg6[%swap3A_53, %swap3A_54] {strides = array<i32>} : memref<6x40xi32, #tpu.memory_space<vmem>>, vector<1x16xi32>,
    %swap3A_56 = vector.shape_cast %swap3A_55 : vector<1x16xi32> to vector<16xi32>
    %swap3A_57 = vector.shape_cast %and3A_51 : vector<16xi32> to vector<1x16xi32>
    tpu.vector_store %arg6[%swap3A_53, %swap3A_54], %swap3A_57 {strides = array<i32>} : memref<6x40xi32, #tpu.memory_space<vmem>>, vector<1x16xi32>,
    %shift_right_logical3A_58 = arith.constant 14 : i32
    %shift_right_logical3A_59 = vector.broadcast %shift_right_logical3A_58 : i32 to vector<16xi32>
    %shift_right_logical3A_60 = arith.shrui %get3A_48, %shift_right_logical3A_59 : vector<16xi32>
    %swap3A_61 = arith.constant 0 : i32
    %swap3A_62 = arith.index_cast %swap3A_61 : i32 to index
    %swap3A_63 = arith.constant 24 : index
    %swap3A_64 = tpu.vector_load %arg7[%swap3A_62, %swap3A_63] {strides = array<i32>} : memref<6x40xi32, #tpu.memory_space<vmem>>, vector<1x16xi32>,
    %swap3A_65 = vector.shape_cast %swap3A_64 : vector<1x16xi32> to vector<16xi32>
    %swap3A_66 = vector.shape_cast %shift_right_logical3A_60 : vector<16xi32> to vector<1x16xi32>
    tpu.vector_store %arg7[%swap3A_62, %swap3A_63], %swap3A_66 {strides = array<i32>} : memref<6x40xi32, #tpu.memory_space<vmem>>, vector<1x16xi32>,
    %dma_start3A = arith.constant 0 : i32
    %dma_start3A_67 = arith.constant 0 : i32
    %dma_start3A_68 = arith.constant 0 : i32
    %dma_start3A_69 = arith.constant 0 : i32
    %dma_start3A_70 = tpu.memref_slice %arg8[%dma_start3A_67, %dma_start3A_68, %dma_start3A_69] : memref<6x40x128xf32, #tpu.memory_space<vmem>> -> memref<1x40x128xf32, #tpu.memory_space<vmem>>
    %dma_start3A_71 = tpu.memref_squeeze %dma_start3A_70 : memref<1x40x128xf32, #tpu.memory_space<vmem>> -> memref<40x128xf32, #tpu.memory_space<vmem>>
    %dma_start3A_72 = arith.constant 0 : i32
    %dma_start3A_73 = tpu.memref_slice %arg6[%dma_start3A, %dma_start3A_72] : memref<6x40xi32, #tpu.memory_space<vmem>> -> memref<1x40xi32, #tpu.memory_space<vmem>>
    %dma_start3A_74 = tpu.memref_squeeze %dma_start3A_73 : memref<1x40xi32, #tpu.memory_space<vmem>> -> memref<40xi32, #tpu.memory_space<vmem>>
    %dma_start3A_75 = arith.constant 0 : i32
    %dma_start3A_76 = arith.constant 0 : i32
    %dma_start3A_77 = tpu.memref_slice %arg2[%dma_start3A_75, %dma_start3A_76] : memref<10000x128xf32, #tpu.memory_space<hbm>> -> memref<10000x128xf32, #tpu.memory_space<hbm>>
    tpu.enqueue_indirect_dma source(%dma_start3A_77 : memref<10000x128xf32, #tpu.memory_space<hbm>>) target(%dma_start3A_71 : memref<40x128xf32, #tpu.memory_space<vmem>>) offsets(%dma_start3A_74 : memref<40xi32, #tpu.memory_space<vmem>>) semaphore(%arg10 : memref<!tpu.dma_semaphore, #tpu.memory_space<semaphore_mem>>)
    %get3A_78 = arith.constant 40 : index
    %get3A_79 = tpu.vector_load %arg5[%get3A_78] {strides = array<i32>} : memref<10000xi32, #tpu.memory_space<vmem>>, vector<16xi32>,
    %get3A_80 = vector.shape_cast %get3A_79 : vector<16xi32> to vector<16xi32>
    %and3A_81 = arith.constant 16383 : i32
    %and3A_82 = vector.broadcast %and3A_81 : i32 to vector<16xi32>
    %and3A_83 = arith.andi %get3A_80, %and3A_82 : vector<16xi32>
    %swap3A_84 = arith.constant 1 : i32
    %swap3A_85 = arith.index_cast %swap3A_84 : i32 to index
    %swap3A_86 = arith.constant 0 : index
    %swap3A_87 = tpu.vector_load %arg6[%swap3A_85, %swap3A_86] {strides = array<i32>} : memref<6x40xi32, #tpu.memory_space<vmem>>, vector<1x16xi32>,
    %swap3A_88 = vector.shape_cast %swap3A_87 : vector<1x16xi32> to vector<16xi32>
    %swap3A_89 = vector.shape_cast %and3A_83 : vector<16xi32> to vector<1x16xi32>
    tpu.vector_store %arg6[%swap3A_85, %swap3A_86], %swap3A_89 {strides = array<i32>} : memref<6x40xi32, #tpu.memory_space<vmem>>, vector<1x16xi32>,
    %shift_right_logical3A_90 = arith.constant 14 : i32
    %shift_right_logical3A_91 = vector.broadcast %shift_right_logical3A_90 : i32 to vector<16xi32>
    %shift_right_logical3A_92 = arith.shrui %get3A_80, %shift_right_logical3A_91 : vector<16xi32>
    %swap3A_93 = arith.constant 1 : i32
    %swap3A_94 = arith.index_cast %swap3A_93 : i32 to index
    %swap3A_95 = arith.constant 0 : index
    %swap3A_96 = tpu.vector_load %arg7[%swap3A_94, %swap3A_95] {strides = array<i32>} : memref<6x40xi32, #tpu.memory_space<vmem>>, vector<1x16xi32>,
    %swap3A_97 = vector.shape_cast %swap3A_96 : vector<1x16xi32> to vector<16xi32>
    %swap3A_98 = vector.shape_cast %shift_right_logical3A_92 : vector<16xi32> to vector<1x16xi32>
    tpu.vector_store %arg7[%swap3A_94, %swap3A_95], %swap3A_98 {strides = array<i32>} : memref<6x40xi32, #tpu.memory_space<vmem>>, vector<1x16xi32>,
    %get3A_99 = arith.constant 56 : index
    %get3A_100 = tpu.vector_load %arg5[%get3A_99] {strides = array<i32>} : memref<10000xi32, #tpu.memory_space<vmem>>, vector<16xi32>,
    %get3A_101 = vector.shape_cast %get3A_100 : vector<16xi32> to vector<16xi32>
    %and3A_102 = arith.constant 16383 : i32
    %and3A_103 = vector.broadcast %and3A_102 : i32 to vector<16xi32>
    %and3A_104 = arith.andi %get3A_101, %and3A_103 : vector<16xi32>
    %swap3A_105 = arith.constant 1 : i32
    %swap3A_106 = arith.index_cast %swap3A_105 : i32 to index
    %swap3A_107 = arith.constant 16 : index
    %swap3A_108 = tpu.vector_load %arg6[%swap3A_106, %swap3A_107] {strides = array<i32>} : memref<6x40xi32, #tpu.memory_space<vmem>>, vector<1x16xi32>,
    %swap3A_109 = vector.shape_cast %swap3A_108 : vector<1x16xi32> to vector<16xi32>
    %swap3A_110 = vector.shape_cast %and3A_104 : vector<16xi32> to vector<1x16xi32>
    tpu.vector_store %arg6[%swap3A_106, %swap3A_107], %swap3A_110 {strides = array<i32>} : memref<6x40xi32, #tpu.memory_space<vmem>>, vector<1x16xi32>,
    %shift_right_logical3A_111 = arith.constant 14 : i32
    %shift_right_logical3A_112 = vector.broadcast %shift_right_logical3A_111 : i32 to vector<16xi32>
    %shift_right_logical3A_113 = arith.shrui %get3A_101, %shift_right_logical3A_112 : vector<16xi32>
    %swap3A_114 = arith.constant 1 : i32
    %swap3A_115 = arith.index_cast %swap3A_114 : i32 to index
    %swap3A_116 = arith.constant 16 : index
    %swap3A_117 = tpu.vector_load %arg7[%swap3A_115, %swap3A_116] {strides = array<i32>} : memref<6x40xi32, #tpu.memory_space<vmem>>, vector<1x16xi32>,
    %swap3A_118 = vector.shape_cast %swap3A_117 : vector<1x16xi32> to vector<16xi32>
    %swap3A_119 = vector.shape_cast %shift_right_logical3A_113 : vector<16xi32> to vector<1x16xi32>
    tpu.vector_store %arg7[%swap3A_115, %swap3A_116], %swap3A_119 {strides = array<i32>} : memref<6x40xi32, #tpu.memory_space<vmem>>, vector<1x16xi32>,
    %get3A_120 = arith.constant 64 : index
    %get3A_121 = tpu.vector_load %arg5[%get3A_120] {strides = array<i32>} : memref<10000xi32, #tpu.memory_space<vmem>>, vector<16xi32>,
    %get3A_122 = vector.shape_cast %get3A_121 : vector<16xi32> to vector<16xi32>
    %and3A_123 = arith.constant 16383 : i32
    %and3A_124 = vector.broadcast %and3A_123 : i32 to vector<16xi32>
    %and3A_125 = arith.andi %get3A_122, %and3A_124 : vector<16xi32>
    %swap3A_126 = arith.constant 1 : i32
    %swap3A_127 = arith.index_cast %swap3A_126 : i32 to index
    %swap3A_128 = arith.constant 24 : index
    %swap3A_129 = tpu.vector_load %arg6[%swap3A_127, %swap3A_128] {strides = array<i32>} : memref<6x40xi32, #tpu.memory_space<vmem>>, vector<1x16xi32>,
    %swap3A_130 = vector.shape_cast %swap3A_129 : vector<1x16xi32> to vector<16xi32>
    %swap3A_131 = vector.shape_cast %and3A_125 : vector<16xi32> to vector<1x16xi32>
    tpu.vector_store %arg6[%swap3A_127, %swap3A_128], %swap3A_131 {strides = array<i32>} : memref<6x40xi32, #tpu.memory_space<vmem>>, vector<1x16xi32>,
    %shift_right_logical3A_132 = arith.constant 14 : i32
    %shift_right_logical3A_133 = vector.broadcast %shift_right_logical3A_132 : i32 to vector<16xi32>
    %shift_right_logical3A_134 = arith.shrui %get3A_122, %shift_right_logical3A_133 : vector<16xi32>
    %swap3A_135 = arith.constant 1 : i32
    %swap3A_136 = arith.index_cast %swap3A_135 : i32 to index
    %swap3A_137 = arith.constant 24 : index
    %swap3A_138 = tpu.vector_load %arg7[%swap3A_136, %swap3A_137] {strides = array<i32>} : memref<6x40xi32, #tpu.memory_space<vmem>>, vector<1x16xi32>,
    %swap3A_139 = vector.shape_cast %swap3A_138 : vector<1x16xi32> to vector<16xi32>
    %swap3A_140 = vector.shape_cast %shift_right_logical3A_134 : vector<16xi32> to vector<1x16xi32>
    tpu.vector_store %arg7[%swap3A_136, %swap3A_137], %swap3A_140 {strides = array<i32>} : memref<6x40xi32, #tpu.memory_space<vmem>>, vector<1x16xi32>,
    %dma_start3A_141 = arith.constant 1 : i32
    %dma_start3A_142 = arith.constant 1 : i32
    %dma_start3A_143 = arith.constant 0 : i32
    %dma_start3A_144 = arith.constant 0 : i32
    %dma_start3A_145 = tpu.memref_slice %arg8[%dma_start3A_142, %dma_start3A_143, %dma_start3A_144] : memref<6x40x128xf32, #tpu.memory_space<vmem>> -> memref<1x40x128xf32, #tpu.memory_space<vmem>>
    %dma_start3A_146 = tpu.memref_squeeze %dma_start3A_145 : memref<1x40x128xf32, #tpu.memory_space<vmem>> -> memref<40x128xf32, #tpu.memory_space<vmem>>
    %dma_start3A_147 = arith.constant 0 : i32
    %dma_start3A_148 = tpu.memref_slice %arg6[%dma_start3A_141, %dma_start3A_147] : memref<6x40xi32, #tpu.memory_space<vmem>> -> memref<1x40xi32, #tpu.memory_space<vmem>>
    %dma_start3A_149 = tpu.memref_squeeze %dma_start3A_148 : memref<1x40xi32, #tpu.memory_space<vmem>> -> memref<40xi32, #tpu.memory_space<vmem>>
    %dma_start3A_150 = arith.constant 0 : i32
    %dma_start3A_151 = arith.constant 0 : i32
    %dma_start3A_152 = tpu.memref_slice %arg2[%dma_start3A_150, %dma_start3A_151] : memref<10000x128xf32, #tpu.memory_space<hbm>> -> memref<10000x128xf32, #tpu.memory_space<hbm>>
    tpu.enqueue_indirect_dma source(%dma_start3A_152 : memref<10000x128xf32, #tpu.memory_space<hbm>>) target(%dma_start3A_146 : memref<40x128xf32, #tpu.memory_space<vmem>>) offsets(%dma_start3A_149 : memref<40xi32, #tpu.memory_space<vmem>>) semaphore(%arg11 : memref<!tpu.dma_semaphore, #tpu.memory_space<semaphore_mem>>)
    %get3A_153 = arith.constant 80 : index
    %get3A_154 = tpu.vector_load %arg5[%get3A_153] {strides = array<i32>} : memref<10000xi32, #tpu.memory_space<vmem>>, vector<16xi32>,
    %get3A_155 = vector.shape_cast %get3A_154 : vector<16xi32> to vector<16xi32>
    %and3A_156 = arith.constant 16383 : i32
    %and3A_157 = vector.broadcast %and3A_156 : i32 to vector<16xi32>
    %and3A_158 = arith.andi %get3A_155, %and3A_157 : vector<16xi32>
    %swap3A_159 = arith.constant 2 : i32
    %swap3A_160 = arith.index_cast %swap3A_159 : i32 to index
    %swap3A_161 = arith.constant 0 : index
    %swap3A_162 = tpu.vector_load %arg6[%swap3A_160, %swap3A_161] {strides = array<i32>} : memref<6x40xi32, #tpu.memory_space<vmem>>, vector<1x16xi32>,
    %swap3A_163 = vector.shape_cast %swap3A_162 : vector<1x16xi32> to vector<16xi32>
    %swap3A_164 = vector.shape_cast %and3A_158 : vector<16xi32> to vector<1x16xi32>
    tpu.vector_store %arg6[%swap3A_160, %swap3A_161], %swap3A_164 {strides = array<i32>} : memref<6x40xi32, #tpu.memory_space<vmem>>, vector<1x16xi32>,
    %shift_right_logical3A_165 = arith.constant 14 : i32
    %shift_right_logical3A_166 = vector.broadcast %shift_right_logical3A_165 : i32 to vector<16xi32>
    %shift_right_logical3A_167 = arith.shrui %get3A_155, %shift_right_logical3A_166 : vector<16xi32>
    %swap3A_168 = arith.constant 2 : i32
    %swap3A_169 = arith.index_cast %swap3A_168 : i32 to index
    %swap3A_170 = arith.constant 0 : index
    %swap3A_171 = tpu.vector_load %arg7[%swap3A_169, %swap3A_170] {strides = array<i32>} : memref<6x40xi32, #tpu.memory_space<vmem>>, vector<1x16xi32>,
    %swap3A_172 = vector.shape_cast %swap3A_171 : vector<1x16xi32> to vector<16xi32>
    %swap3A_173 = vector.shape_cast %shift_right_logical3A_167 : vector<16xi32> to vector<1x16xi32>
    tpu.vector_store %arg7[%swap3A_169, %swap3A_170], %swap3A_173 {strides = array<i32>} : memref<6x40xi32, #tpu.memory_space<vmem>>, vector<1x16xi32>,
    %get3A_174 = arith.constant 96 : index
    %get3A_175 = tpu.vector_load %arg5[%get3A_174] {strides = array<i32>} : memref<10000xi32, #tpu.memory_space<vmem>>, vector<16xi32>,
    %get3A_176 = vector.shape_cast %get3A_175 : vector<16xi32> to vector<16xi32>
    %and3A_177 = arith.constant 16383 : i32
    %and3A_178 = vector.broadcast %and3A_177 : i32 to vector<16xi32>
    %and3A_179 = arith.andi %get3A_176, %and3A_178 : vector<16xi32>
    %swap3A_180 = arith.constant 2 : i32
    %swap3A_181 = arith.index_cast %swap3A_180 : i32 to index
    %swap3A_182 = arith.constant 16 : index
    %swap3A_183 = tpu.vector_load %arg6[%swap3A_181, %swap3A_182] {strides = array<i32>} : memref<6x40xi32, #tpu.memory_space<vmem>>, vector<1x16xi32>,
    %swap3A_184 = vector.shape_cast %swap3A_183 : vector<1x16xi32> to vector<16xi32>
    %swap3A_185 = vector.shape_cast %and3A_179 : vector<16xi32> to vector<1x16xi32>
    tpu.vector_store %arg6[%swap3A_181, %swap3A_182], %swap3A_185 {strides = array<i32>} : memref<6x40xi32, #tpu.memory_space<vmem>>, vector<1x16xi32>,
    %shift_right_logical3A_186 = arith.constant 14 : i32
    %shift_right_logical3A_187 = vector.broadcast %shift_right_logical3A_186 : i32 to vector<16xi32>
    %shift_right_logical3A_188 = arith.shrui %get3A_176, %shift_right_logical3A_187 : vector<16xi32>
    %swap3A_189 = arith.constant 2 : i32
    %swap3A_190 = arith.index_cast %swap3A_189 : i32 to index
    %swap3A_191 = arith.constant 16 : index
    %swap3A_192 = tpu.vector_load %arg7[%swap3A_190, %swap3A_191] {strides = array<i32>} : memref<6x40xi32, #tpu.memory_space<vmem>>, vector<1x16xi32>,
    %swap3A_193 = vector.shape_cast %swap3A_192 : vector<1x16xi32> to vector<16xi32>
    %swap3A_194 = vector.shape_cast %shift_right_logical3A_188 : vector<16xi32> to vector<1x16xi32>
    tpu.vector_store %arg7[%swap3A_190, %swap3A_191], %swap3A_194 {strides = array<i32>} : memref<6x40xi32, #tpu.memory_space<vmem>>, vector<1x16xi32>,
    %get3A_195 = arith.constant 104 : index
    %get3A_196 = tpu.vector_load %arg5[%get3A_195] {strides = array<i32>} : memref<10000xi32, #tpu.memory_space<vmem>>, vector<16xi32>,
    %get3A_197 = vector.shape_cast %get3A_196 : vector<16xi32> to vector<16xi32>
    %and3A_198 = arith.constant 16383 : i32
    %and3A_199 = vector.broadcast %and3A_198 : i32 to vector<16xi32>
    %and3A_200 = arith.andi %get3A_197, %and3A_199 : vector<16xi32>
    %swap3A_201 = arith.constant 2 : i32
    %swap3A_202 = arith.index_cast %swap3A_201 : i32 to index
    %swap3A_203 = arith.constant 24 : index
    %swap3A_204 = tpu.vector_load %arg6[%swap3A_202, %swap3A_203] {strides = array<i32>} : memref<6x40xi32, #tpu.memory_space<vmem>>, vector<1x16xi32>,
    %swap3A_205 = vector.shape_cast %swap3A_204 : vector<1x16xi32> to vector<16xi32>
    %swap3A_206 = vector.shape_cast %and3A_200 : vector<16xi32> to vector<1x16xi32>
    tpu.vector_store %arg6[%swap3A_202, %swap3A_203], %swap3A_206 {strides = array<i32>} : memref<6x40xi32, #tpu.memory_space<vmem>>, vector<1x16xi32>,
    %shift_right_logical3A_207 = arith.constant 14 : i32
    %shift_right_logical3A_208 = vector.broadcast %shift_right_logical3A_207 : i32 to vector<16xi32>
    %shift_right_logical3A_209 = arith.shrui %get3A_197, %shift_right_logical3A_208 : vector<16xi32>
    %swap3A_210 = arith.constant 2 : i32
    %swap3A_211 = arith.index_cast %swap3A_210 : i32 to index
    %swap3A_212 = arith.constant 24 : index
    %swap3A_213 = tpu.vector_load %arg7[%swap3A_211, %swap3A_212] {strides = array<i32>} : memref<6x40xi32, #tpu.memory_space<vmem>>, vector<1x16xi32>,
    %swap3A_214 = vector.shape_cast %swap3A_213 : vector<1x16xi32> to vector<16xi32>
    %swap3A_215 = vector.shape_cast %shift_right_logical3A_209 : vector<16xi32> to vector<1x16xi32>
    tpu.vector_store %arg7[%swap3A_211, %swap3A_212], %swap3A_215 {strides = array<i32>} : memref<6x40xi32, #tpu.memory_space<vmem>>, vector<1x16xi32>,
    %dma_start3A_216 = arith.constant 2 : i32
    %dma_start3A_217 = arith.constant 2 : i32
    %dma_start3A_218 = arith.constant 0 : i32
    %dma_start3A_219 = arith.constant 0 : i32
    %dma_start3A_220 = tpu.memref_slice %arg8[%dma_start3A_217, %dma_start3A_218, %dma_start3A_219] : memref<6x40x128xf32, #tpu.memory_space<vmem>> -> memref<1x40x128xf32, #tpu.memory_space<vmem>>
    %dma_start3A_221 = tpu.memref_squeeze %dma_start3A_220 : memref<1x40x128xf32, #tpu.memory_space<vmem>> -> memref<40x128xf32, #tpu.memory_space<vmem>>
    %dma_start3A_222 = arith.constant 0 : i32
    %dma_start3A_223 = tpu.memref_slice %arg6[%dma_start3A_216, %dma_start3A_222] : memref<6x40xi32, #tpu.memory_space<vmem>> -> memref<1x40xi32, #tpu.memory_space<vmem>>
    %dma_start3A_224 = tpu.memref_squeeze %dma_start3A_223 : memref<1x40xi32, #tpu.memory_space<vmem>> -> memref<40xi32, #tpu.memory_space<vmem>>
    %dma_start3A_225 = arith.constant 0 : i32
    %dma_start3A_226 = arith.constant 0 : i32
    %dma_start3A_227 = tpu.memref_slice %arg2[%dma_start3A_225, %dma_start3A_226] : memref<10000x128xf32, #tpu.memory_space<hbm>> -> memref<10000x128xf32, #tpu.memory_space<hbm>>
    tpu.enqueue_indirect_dma source(%dma_start3A_227 : memref<10000x128xf32, #tpu.memory_space<hbm>>) target(%dma_start3A_221 : memref<40x128xf32, #tpu.memory_space<vmem>>) offsets(%dma_start3A_224 : memref<40xi32, #tpu.memory_space<vmem>>) semaphore(%arg12 : memref<!tpu.dma_semaphore, #tpu.memory_space<semaphore_mem>>)
    %get3A_228 = arith.constant 120 : index
    %get3A_229 = tpu.vector_load %arg5[%get3A_228] {strides = array<i32>} : memref<10000xi32, #tpu.memory_space<vmem>>, vector<16xi32>,
    %get3A_230 = vector.shape_cast %get3A_229 : vector<16xi32> to vector<16xi32>
    %and3A_231 = arith.constant 16383 : i32
    %and3A_232 = vector.broadcast %and3A_231 : i32 to vector<16xi32>
    %and3A_233 = arith.andi %get3A_230, %and3A_232 : vector<16xi32>
    %swap3A_234 = arith.constant 3 : i32
    %swap3A_235 = arith.index_cast %swap3A_234 : i32 to index
    %swap3A_236 = arith.constant 0 : index
    %swap3A_237 = tpu.vector_load %arg6[%swap3A_235, %swap3A_236] {strides = array<i32>} : memref<6x40xi32, #tpu.memory_space<vmem>>, vector<1x16xi32>,
    %swap3A_238 = vector.shape_cast %swap3A_237 : vector<1x16xi32> to vector<16xi32>
    %swap3A_239 = vector.shape_cast %and3A_233 : vector<16xi32> to vector<1x16xi32>
    tpu.vector_store %arg6[%swap3A_235, %swap3A_236], %swap3A_239 {strides = array<i32>} : memref<6x40xi32, #tpu.memory_space<vmem>>, vector<1x16xi32>,
    %shift_right_logical3A_240 = arith.constant 14 : i32
    %shift_right_logical3A_241 = vector.broadcast %shift_right_logical3A_240 : i32 to vector<16xi32>
    %shift_right_logical3A_242 = arith.shrui %get3A_230, %shift_right_logical3A_241 : vector<16xi32>
    %swap3A_243 = arith.constant 3 : i32
    %swap3A_244 = arith.index_cast %swap3A_243 : i32 to index
    %swap3A_245 = arith.constant 0 : index
    %swap3A_246 = tpu.vector_load %arg7[%swap3A_244, %swap3A_245] {strides = array<i32>} : memref<6x40xi32, #tpu.memory_space<vmem>>, vector<1x16xi32>,
    %swap3A_247 = vector.shape_cast %swap3A_246 : vector<1x16xi32> to vector<16xi32>
    %swap3A_248 = vector.shape_cast %shift_right_logical3A_242 : vector<16xi32> to vector<1x16xi32>
    tpu.vector_store %arg7[%swap3A_244, %swap3A_245], %swap3A_248 {strides = array<i32>} : memref<6x40xi32, #tpu.memory_space<vmem>>, vector<1x16xi32>,
    %get3A_249 = arith.constant 136 : index
    %get3A_250 = tpu.vector_load %arg5[%get3A_249] {strides = array<i32>} : memref<10000xi32, #tpu.memory_space<vmem>>, vector<16xi32>,
    %get3A_251 = vector.shape_cast %get3A_250 : vector<16xi32> to vector<16xi32>
    %and3A_252 = arith.constant 16383 : i32
    %and3A_253 = vector.broadcast %and3A_252 : i32 to vector<16xi32>
    %and3A_254 = arith.andi %get3A_251, %and3A_253 : vector<16xi32>
    %swap3A_255 = arith.constant 3 : i32
    %swap3A_256 = arith.index_cast %swap3A_255 : i32 to index
    %swap3A_257 = arith.constant 16 : index
    %swap3A_258 = tpu.vector_load %arg6[%swap3A_256, %swap3A_257] {strides = array<i32>} : memref<6x40xi32, #tpu.memory_space<vmem>>, vector<1x16xi32>,
    %swap3A_259 = vector.shape_cast %swap3A_258 : vector<1x16xi32> to vector<16xi32>
    %swap3A_260 = vector.shape_cast %and3A_254 : vector<16xi32> to vector<1x16xi32>
    tpu.vector_store %arg6[%swap3A_256, %swap3A_257], %swap3A_260 {strides = array<i32>} : memref<6x40xi32, #tpu.memory_space<vmem>>, vector<1x16xi32>,
    %shift_right_logical3A_261 = arith.constant 14 : i32
    %shift_right_logical3A_262 = vector.broadcast %shift_right_logical3A_261 : i32 to vector<16xi32>
    %shift_right_logical3A_263 = arith.shrui %get3A_251, %shift_right_logical3A_262 : vector<16xi32>
    %swap3A_264 = arith.constant 3 : i32
    %swap3A_265 = arith.index_cast %swap3A_264 : i32 to index
    %swap3A_266 = arith.constant 16 : index
    %swap3A_267 = tpu.vector_load %arg7[%swap3A_265, %swap3A_266] {strides = array<i32>} : memref<6x40xi32, #tpu.memory_space<vmem>>, vector<1x16xi32>,
    %swap3A_268 = vector.shape_cast %swap3A_267 : vector<1x16xi32> to vector<16xi32>
    %swap3A_269 = vector.shape_cast %shift_right_logical3A_263 : vector<16xi32> to vector<1x16xi32>
    tpu.vector_store %arg7[%swap3A_265, %swap3A_266], %swap3A_269 {strides = array<i32>} : memref<6x40xi32, #tpu.memory_space<vmem>>, vector<1x16xi32>,
    %get3A_270 = arith.constant 144 : index
    %get3A_271 = tpu.vector_load %arg5[%get3A_270] {strides = array<i32>} : memref<10000xi32, #tpu.memory_space<vmem>>, vector<16xi32>,
    %get3A_272 = vector.shape_cast %get3A_271 : vector<16xi32> to vector<16xi32>
    %and3A_273 = arith.constant 16383 : i32
    %and3A_274 = vector.broadcast %and3A_273 : i32 to vector<16xi32>
    %and3A_275 = arith.andi %get3A_272, %and3A_274 : vector<16xi32>
    %swap3A_276 = arith.constant 3 : i32
    %swap3A_277 = arith.index_cast %swap3A_276 : i32 to index
    %swap3A_278 = arith.constant 24 : index
    %swap3A_279 = tpu.vector_load %arg6[%swap3A_277, %swap3A_278] {strides = array<i32>} : memref<6x40xi32, #tpu.memory_space<vmem>>, vector<1x16xi32>,
    %swap3A_280 = vector.shape_cast %swap3A_279 : vector<1x16xi32> to vector<16xi32>
    %swap3A_281 = vector.shape_cast %and3A_275 : vector<16xi32> to vector<1x16xi32>
    tpu.vector_store %arg6[%swap3A_277, %swap3A_278], %swap3A_281 {strides = array<i32>} : memref<6x40xi32, #tpu.memory_space<vmem>>, vector<1x16xi32>,
    %shift_right_logical3A_282 = arith.constant 14 : i32
    %shift_right_logical3A_283 = vector.broadcast %shift_right_logical3A_282 : i32 to vector<16xi32>
    %shift_right_logical3A_284 = arith.shrui %get3A_272, %shift_right_logical3A_283 : vector<16xi32>
    %swap3A_285 = arith.constant 3 : i32
    %swap3A_286 = arith.index_cast %swap3A_285 : i32 to index
    %swap3A_287 = arith.constant 24 : index
    %swap3A_288 = tpu.vector_load %arg7[%swap3A_286, %swap3A_287] {strides = array<i32>} : memref<6x40xi32, #tpu.memory_space<vmem>>, vector<1x16xi32>,
    %swap3A_289 = vector.shape_cast %swap3A_288 : vector<1x16xi32> to vector<16xi32>
    %swap3A_290 = vector.shape_cast %shift_right_logical3A_284 : vector<16xi32> to vector<1x16xi32>
    tpu.vector_store %arg7[%swap3A_286, %swap3A_287], %swap3A_290 {strides = array<i32>} : memref<6x40xi32, #tpu.memory_space<vmem>>, vector<1x16xi32>,
    %dma_start3A_291 = arith.constant 3 : i32
    %dma_start3A_292 = arith.constant 3 : i32
    %dma_start3A_293 = arith.constant 0 : i32
    %dma_start3A_294 = arith.constant 0 : i32
    %dma_start3A_295 = tpu.memref_slice %arg8[%dma_start3A_292, %dma_start3A_293, %dma_start3A_294] : memref<6x40x128xf32, #tpu.memory_space<vmem>> -> memref<1x40x128xf32, #tpu.memory_space<vmem>>
    %dma_start3A_296 = tpu.memref_squeeze %dma_start3A_295 : memref<1x40x128xf32, #tpu.memory_space<vmem>> -> memref<40x128xf32, #tpu.memory_space<vmem>>
    %dma_start3A_297 = arith.constant 0 : i32
    %dma_start3A_298 = tpu.memref_slice %arg6[%dma_start3A_291, %dma_start3A_297] : memref<6x40xi32, #tpu.memory_space<vmem>> -> memref<1x40xi32, #tpu.memory_space<vmem>>
    %dma_start3A_299 = tpu.memref_squeeze %dma_start3A_298 : memref<1x40xi32, #tpu.memory_space<vmem>> -> memref<40xi32, #tpu.memory_space<vmem>>
    %dma_start3A_300 = arith.constant 0 : i32
    %dma_start3A_301 = arith.constant 0 : i32
    %dma_start3A_302 = tpu.memref_slice %arg2[%dma_start3A_300, %dma_start3A_301] : memref<10000x128xf32, #tpu.memory_space<hbm>> -> memref<10000x128xf32, #tpu.memory_space<hbm>>
    tpu.enqueue_indirect_dma source(%dma_start3A_302 : memref<10000x128xf32, #tpu.memory_space<hbm>>) target(%dma_start3A_296 : memref<40x128xf32, #tpu.memory_space<vmem>>) offsets(%dma_start3A_299 : memref<40xi32, #tpu.memory_space<vmem>>) semaphore(%arg13 : memref<!tpu.dma_semaphore, #tpu.memory_space<semaphore_mem>>)
    %get3A_303 = arith.constant 160 : index
    %get3A_304 = tpu.vector_load %arg5[%get3A_303] {strides = array<i32>} : memref<10000xi32, #tpu.memory_space<vmem>>, vector<16xi32>,
    %get3A_305 = vector.shape_cast %get3A_304 : vector<16xi32> to vector<16xi32>
    %and3A_306 = arith.constant 16383 : i32
    %and3A_307 = vector.broadcast %and3A_306 : i32 to vector<16xi32>
    %and3A_308 = arith.andi %get3A_305, %and3A_307 : vector<16xi32>
    %swap3A_309 = arith.constant 4 : i32
    %swap3A_310 = arith.index_cast %swap3A_309 : i32 to index
    %swap3A_311 = arith.constant 0 : index
    %swap3A_312 = tpu.vector_load %arg6[%swap3A_310, %swap3A_311] {strides = array<i32>} : memref<6x40xi32, #tpu.memory_space<vmem>>, vector<1x16xi32>,
    %swap3A_313 = vector.shape_cast %swap3A_312 : vector<1x16xi32> to vector<16xi32>
    %swap3A_314 = vector.shape_cast %and3A_308 : vector<16xi32> to vector<1x16xi32>
    tpu.vector_store %arg6[%swap3A_310, %swap3A_311], %swap3A_314 {strides = array<i32>} : memref<6x40xi32, #tpu.memory_space<vmem>>, vector<1x16xi32>,
    %shift_right_logical3A_315 = arith.constant 14 : i32
    %shift_right_logical3A_316 = vector.broadcast %shift_right_logical3A_315 : i32 to vector<16xi32>
    %shift_right_logical3A_317 = arith.shrui %get3A_305, %shift_right_logical3A_316 : vector<16xi32>
    %swap3A_318 = arith.constant 4 : i32
    %swap3A_319 = arith.index_cast %swap3A_318 : i32 to index
    %swap3A_320 = arith.constant 0 : index
    %swap3A_321 = tpu.vector_load %arg7[%swap3A_319, %swap3A_320] {strides = array<i32>} : memref<6x40xi32, #tpu.memory_space<vmem>>, vector<1x16xi32>,
    %swap3A_322 = vector.shape_cast %swap3A_321 : vector<1x16xi32> to vector<16xi32>
    %swap3A_323 = vector.shape_cast %shift_right_logical3A_317 : vector<16xi32> to vector<1x16xi32>
    tpu.vector_store %arg7[%swap3A_319, %swap3A_320], %swap3A_323 {strides = array<i32>} : memref<6x40xi32, #tpu.memory_space<vmem>>, vector<1x16xi32>,
    %get3A_324 = arith.constant 176 : index
    %get3A_325 = tpu.vector_load %arg5[%get3A_324] {strides = array<i32>} : memref<10000xi32, #tpu.memory_space<vmem>>, vector<16xi32>,
    %get3A_326 = vector.shape_cast %get3A_325 : vector<16xi32> to vector<16xi32>
    %and3A_327 = arith.constant 16383 : i32
    %and3A_328 = vector.broadcast %and3A_327 : i32 to vector<16xi32>
    %and3A_329 = arith.andi %get3A_326, %and3A_328 : vector<16xi32>
    %swap3A_330 = arith.constant 4 : i32
    %swap3A_331 = arith.index_cast %swap3A_330 : i32 to index
    %swap3A_332 = arith.constant 16 : index
    %swap3A_333 = tpu.vector_load %arg6[%swap3A_331, %swap3A_332] {strides = array<i32>} : memref<6x40xi32, #tpu.memory_space<vmem>>, vector<1x16xi32>,
    %swap3A_334 = vector.shape_cast %swap3A_333 : vector<1x16xi32> to vector<16xi32>
    %swap3A_335 = vector.shape_cast %and3A_329 : vector<16xi32> to vector<1x16xi32>
    tpu.vector_store %arg6[%swap3A_331, %swap3A_332], %swap3A_335 {strides = array<i32>} : memref<6x40xi32, #tpu.memory_space<vmem>>, vector<1x16xi32>,
    %shift_right_logical3A_336 = arith.constant 14 : i32
    %shift_right_logical3A_337 = vector.broadcast %shift_right_logical3A_336 : i32 to vector<16xi32>
    %shift_right_logical3A_338 = arith.shrui %get3A_326, %shift_right_logical3A_337 : vector<16xi32>
    %swap3A_339 = arith.constant 4 : i32
    %swap3A_340 = arith.index_cast %swap3A_339 : i32 to index
    %swap3A_341 = arith.constant 16 : index
    %swap3A_342 = tpu.vector_load %arg7[%swap3A_340, %swap3A_341] {strides = array<i32>} : memref<6x40xi32, #tpu.memory_space<vmem>>, vector<1x16xi32>,
    %swap3A_343 = vector.shape_cast %swap3A_342 : vector<1x16xi32> to vector<16xi32>
    %swap3A_344 = vector.shape_cast %shift_right_logical3A_338 : vector<16xi32> to vector<1x16xi32>
    tpu.vector_store %arg7[%swap3A_340, %swap3A_341], %swap3A_344 {strides = array<i32>} : memref<6x40xi32, #tpu.memory_space<vmem>>, vector<1x16xi32>,
    %get3A_345 = arith.constant 184 : index
    %get3A_346 = tpu.vector_load %arg5[%get3A_345] {strides = array<i32>} : memref<10000xi32, #tpu.memory_space<vmem>>, vector<16xi32>,
    %get3A_347 = vector.shape_cast %get3A_346 : vector<16xi32> to vector<16xi32>
    %and3A_348 = arith.constant 16383 : i32
    %and3A_349 = vector.broadcast %and3A_348 : i32 to vector<16xi32>
    %and3A_350 = arith.andi %get3A_347, %and3A_349 : vector<16xi32>
    %swap3A_351 = arith.constant 4 : i32
    %swap3A_352 = arith.index_cast %swap3A_351 : i32 to index
    %swap3A_353 = arith.constant 24 : index
    %swap3A_354 = tpu.vector_load %arg6[%swap3A_352, %swap3A_353] {strides = array<i32>} : memref<6x40xi32, #tpu.memory_space<vmem>>, vector<1x16xi32>,
    %swap3A_355 = vector.shape_cast %swap3A_354 : vector<1x16xi32> to vector<16xi32>
    %swap3A_356 = vector.shape_cast %and3A_350 : vector<16xi32> to vector<1x16xi32>
    tpu.vector_store %arg6[%swap3A_352, %swap3A_353], %swap3A_356 {strides = array<i32>} : memref<6x40xi32, #tpu.memory_space<vmem>>, vector<1x16xi32>,
    %shift_right_logical3A_357 = arith.constant 14 : i32
    %shift_right_logical3A_358 = vector.broadcast %shift_right_logical3A_357 : i32 to vector<16xi32>
    %shift_right_logical3A_359 = arith.shrui %get3A_347, %shift_right_logical3A_358 : vector<16xi32>
    %swap3A_360 = arith.constant 4 : i32
    %swap3A_361 = arith.index_cast %swap3A_360 : i32 to index
    %swap3A_362 = arith.constant 24 : index
    %swap3A_363 = tpu.vector_load %arg7[%swap3A_361, %swap3A_362] {strides = array<i32>} : memref<6x40xi32, #tpu.memory_space<vmem>>, vector<1x16xi32>,
    %swap3A_364 = vector.shape_cast %swap3A_363 : vector<1x16xi32> to vector<16xi32>
    %swap3A_365 = vector.shape_cast %shift_right_logical3A_359 : vector<16xi32> to vector<1x16xi32>
    tpu.vector_store %arg7[%swap3A_361, %swap3A_362], %swap3A_365 {strides = array<i32>} : memref<6x40xi32, #tpu.memory_space<vmem>>, vector<1x16xi32>,
    %dma_start3A_366 = arith.constant 4 : i32
    %dma_start3A_367 = arith.constant 4 : i32
    %dma_start3A_368 = arith.constant 0 : i32
    %dma_start3A_369 = arith.constant 0 : i32
    %dma_start3A_370 = tpu.memref_slice %arg8[%dma_start3A_367, %dma_start3A_368, %dma_start3A_369] : memref<6x40x128xf32, #tpu.memory_space<vmem>> -> memref<1x40x128xf32, #tpu.memory_space<vmem>>
    %dma_start3A_371 = tpu.memref_squeeze %dma_start3A_370 : memref<1x40x128xf32, #tpu.memory_space<vmem>> -> memref<40x128xf32, #tpu.memory_space<vmem>>
    %dma_start3A_372 = arith.constant 0 : i32
    %dma_start3A_373 = tpu.memref_slice %arg6[%dma_start3A_366, %dma_start3A_372] : memref<6x40xi32, #tpu.memory_space<vmem>> -> memref<1x40xi32, #tpu.memory_space<vmem>>
    %dma_start3A_374 = tpu.memref_squeeze %dma_start3A_373 : memref<1x40xi32, #tpu.memory_space<vmem>> -> memref<40xi32, #tpu.memory_space<vmem>>
    %dma_start3A_375 = arith.constant 0 : i32
    %dma_start3A_376 = arith.constant 0 : i32
    %dma_start3A_377 = tpu.memref_slice %arg2[%dma_start3A_375, %dma_start3A_376] : memref<10000x128xf32, #tpu.memory_space<hbm>> -> memref<10000x128xf32, #tpu.memory_space<hbm>>
    tpu.enqueue_indirect_dma source(%dma_start3A_377 : memref<10000x128xf32, #tpu.memory_space<hbm>>) target(%dma_start3A_371 : memref<40x128xf32, #tpu.memory_space<vmem>>) offsets(%dma_start3A_374 : memref<40xi32, #tpu.memory_space<vmem>>) semaphore(%arg14 : memref<!tpu.dma_semaphore, #tpu.memory_space<semaphore_mem>>)
    %get3A_378 = arith.constant 200 : index
    %get3A_379 = tpu.vector_load %arg5[%get3A_378] {strides = array<i32>} : memref<10000xi32, #tpu.memory_space<vmem>>, vector<16xi32>,
    %get3A_380 = vector.shape_cast %get3A_379 : vector<16xi32> to vector<16xi32>
    %and3A_381 = arith.constant 16383 : i32
    %and3A_382 = vector.broadcast %and3A_381 : i32 to vector<16xi32>
    %and3A_383 = arith.andi %get3A_380, %and3A_382 : vector<16xi32>
    %swap3A_384 = arith.constant 5 : i32
    %swap3A_385 = arith.index_cast %swap3A_384 : i32 to index
    %swap3A_386 = arith.constant 0 : index
    %swap3A_387 = tpu.vector_load %arg6[%swap3A_385, %swap3A_386] {strides = array<i32>} : memref<6x40xi32, #tpu.memory_space<vmem>>, vector<1x16xi32>,
    %swap3A_388 = vector.shape_cast %swap3A_387 : vector<1x16xi32> to vector<16xi32>
    %swap3A_389 = vector.shape_cast %and3A_383 : vector<16xi32> to vector<1x16xi32>
    tpu.vector_store %arg6[%swap3A_385, %swap3A_386], %swap3A_389 {strides = array<i32>} : memref<6x40xi32, #tpu.memory_space<vmem>>, vector<1x16xi32>,
    %shift_right_logical3A_390 = arith.constant 14 : i32
    %shift_right_logical3A_391 = vector.broadcast %shift_right_logical3A_390 : i32 to vector<16xi32>
    %shift_right_logical3A_392 = arith.shrui %get3A_380, %shift_right_logical3A_391 : vector<16xi32>
    %swap3A_393 = arith.constant 5 : i32
    %swap3A_394 = arith.index_cast %swap3A_393 : i32 to index
    %swap3A_395 = arith.constant 0 : index
    %swap3A_396 = tpu.vector_load %arg7[%swap3A_394, %swap3A_395] {strides = array<i32>} : memref<6x40xi32, #tpu.memory_space<vmem>>, vector<1x16xi32>,
    %swap3A_397 = vector.shape_cast %swap3A_396 : vector<1x16xi32> to vector<16xi32>
    %swap3A_398 = vector.shape_cast %shift_right_logical3A_392 : vector<16xi32> to vector<1x16xi32>
    tpu.vector_store %arg7[%swap3A_394, %swap3A_395], %swap3A_398 {strides = array<i32>} : memref<6x40xi32, #tpu.memory_space<vmem>>, vector<1x16xi32>,
    %get3A_399 = arith.constant 216 : index
    %get3A_400 = tpu.vector_load %arg5[%get3A_399] {strides = array<i32>} : memref<10000xi32, #tpu.memory_space<vmem>>, vector<16xi32>,
    %get3A_401 = vector.shape_cast %get3A_400 : vector<16xi32> to vector<16xi32>
    %and3A_402 = arith.constant 16383 : i32
    %and3A_403 = vector.broadcast %and3A_402 : i32 to vector<16xi32>
    %and3A_404 = arith.andi %get3A_401, %and3A_403 : vector<16xi32>
    %swap3A_405 = arith.constant 5 : i32
    %swap3A_406 = arith.index_cast %swap3A_405 : i32 to index
    %swap3A_407 = arith.constant 16 : index
    %swap3A_408 = tpu.vector_load %arg6[%swap3A_406, %swap3A_407] {strides = array<i32>} : memref<6x40xi32, #tpu.memory_space<vmem>>, vector<1x16xi32>,
    %swap3A_409 = vector.shape_cast %swap3A_408 : vector<1x16xi32> to vector<16xi32>
    %swap3A_410 = vector.shape_cast %and3A_404 : vector<16xi32> to vector<1x16xi32>
    tpu.vector_store %arg6[%swap3A_406, %swap3A_407], %swap3A_410 {strides = array<i32>} : memref<6x40xi32, #tpu.memory_space<vmem>>, vector<1x16xi32>,
    %shift_right_logical3A_411 = arith.constant 14 : i32
    %shift_right_logical3A_412 = vector.broadcast %shift_right_logical3A_411 : i32 to vector<16xi32>
    %shift_right_logical3A_413 = arith.shrui %get3A_401, %shift_right_logical3A_412 : vector<16xi32>
    %swap3A_414 = arith.constant 5 : i32
    %swap3A_415 = arith.index_cast %swap3A_414 : i32 to index
    %swap3A_416 = arith.constant 16 : index
    %swap3A_417 = tpu.vector_load %arg7[%swap3A_415, %swap3A_416] {strides = array<i32>} : memref<6x40xi32, #tpu.memory_space<vmem>>, vector<1x16xi32>,
    %swap3A_418 = vector.shape_cast %swap3A_417 : vector<1x16xi32> to vector<16xi32>
    %swap3A_419 = vector.shape_cast %shift_right_logical3A_413 : vector<16xi32> to vector<1x16xi32>
    tpu.vector_store %arg7[%swap3A_415, %swap3A_416], %swap3A_419 {strides = array<i32>} : memref<6x40xi32, #tpu.memory_space<vmem>>, vector<1x16xi32>,
    %get3A_420 = arith.constant 224 : index
    %get3A_421 = tpu.vector_load %arg5[%get3A_420] {strides = array<i32>} : memref<10000xi32, #tpu.memory_space<vmem>>, vector<16xi32>,
    %get3A_422 = vector.shape_cast %get3A_421 : vector<16xi32> to vector<16xi32>
    %and3A_423 = arith.constant 16383 : i32
    %and3A_424 = vector.broadcast %and3A_423 : i32 to vector<16xi32>
    %and3A_425 = arith.andi %get3A_422, %and3A_424 : vector<16xi32>
    %swap3A_426 = arith.constant 5 : i32
    %swap3A_427 = arith.index_cast %swap3A_426 : i32 to index
    %swap3A_428 = arith.constant 24 : index
    %swap3A_429 = tpu.vector_load %arg6[%swap3A_427, %swap3A_428] {strides = array<i32>} : memref<6x40xi32, #tpu.memory_space<vmem>>, vector<1x16xi32>,
    %swap3A_430 = vector.shape_cast %swap3A_429 : vector<1x16xi32> to vector<16xi32>
    %swap3A_431 = vector.shape_cast %and3A_425 : vector<16xi32> to vector<1x16xi32>
    tpu.vector_store %arg6[%swap3A_427, %swap3A_428], %swap3A_431 {strides = array<i32>} : memref<6x40xi32, #tpu.memory_space<vmem>>, vector<1x16xi32>,
    %shift_right_logical3A_432 = arith.constant 14 : i32
    %shift_right_logical3A_433 = vector.broadcast %shift_right_logical3A_432 : i32 to vector<16xi32>
    %shift_right_logical3A_434 = arith.shrui %get3A_422, %shift_right_logical3A_433 : vector<16xi32>
    %swap3A_435 = arith.constant 5 : i32
    %swap3A_436 = arith.index_cast %swap3A_435 : i32 to index
    %swap3A_437 = arith.constant 24 : index
    %swap3A_438 = tpu.vector_load %arg7[%swap3A_436, %swap3A_437] {strides = array<i32>} : memref<6x40xi32, #tpu.memory_space<vmem>>, vector<1x16xi32>,
    %swap3A_439 = vector.shape_cast %swap3A_438 : vector<1x16xi32> to vector<16xi32>
    %swap3A_440 = vector.shape_cast %shift_right_logical3A_434 : vector<16xi32> to vector<1x16xi32>
    tpu.vector_store %arg7[%swap3A_436, %swap3A_437], %swap3A_440 {strides = array<i32>} : memref<6x40xi32, #tpu.memory_space<vmem>>, vector<1x16xi32>,
    %dma_start3A_441 = arith.constant 5 : i32
    %dma_start3A_442 = arith.constant 5 : i32
    %dma_start3A_443 = arith.constant 0 : i32
    %dma_start3A_444 = arith.constant 0 : i32
    %dma_start3A_445 = tpu.memref_slice %arg8[%dma_start3A_442, %dma_start3A_443, %dma_start3A_444] : memref<6x40x128xf32, #tpu.memory_space<vmem>> -> memref<1x40x128xf32, #tpu.memory_space<vmem>>
    %dma_start3A_446 = tpu.memref_squeeze %dma_start3A_445 : memref<1x40x128xf32, #tpu.memory_space<vmem>> -> memref<40x128xf32, #tpu.memory_space<vmem>>
    %dma_start3A_447 = arith.constant 0 : i32
    %dma_start3A_448 = tpu.memref_slice %arg6[%dma_start3A_441, %dma_start3A_447] : memref<6x40xi32, #tpu.memory_space<vmem>> -> memref<1x40xi32, #tpu.memory_space<vmem>>
    %dma_start3A_449 = tpu.memref_squeeze %dma_start3A_448 : memref<1x40xi32, #tpu.memory_space<vmem>> -> memref<40xi32, #tpu.memory_space<vmem>>
    %dma_start3A_450 = arith.constant 0 : i32
    %dma_start3A_451 = arith.constant 0 : i32
    %dma_start3A_452 = tpu.memref_slice %arg2[%dma_start3A_450, %dma_start3A_451] : memref<10000x128xf32, #tpu.memory_space<hbm>> -> memref<10000x128xf32, #tpu.memory_space<hbm>>
    tpu.enqueue_indirect_dma source(%dma_start3A_452 : memref<10000x128xf32, #tpu.memory_space<hbm>>) target(%dma_start3A_446 : memref<40x128xf32, #tpu.memory_space<vmem>>) offsets(%dma_start3A_449 : memref<40xi32, #tpu.memory_space<vmem>>) semaphore(%arg15 : memref<!tpu.dma_semaphore, #tpu.memory_space<semaphore_mem>>)
    %scan3A = arith.constant 0 : i32
    %scan3A_453 = arith.constant 0 : i32
    %scan3A_454 = arith.constant 41 : i32
    %scan3A_455 = arith.addi %scan3A_453, %scan3A_454 : i32
    %scan3A_456 = arith.constant 1 : i32
    scf.for %scan3A_607 = %scan3A_453 to %scan3A_455 step %scan3A_456  : i32 {
      %mul3A_608 = arith.constant 6 : i32
      %mul3A_609 = arith.muli %mul3A_608, %scan3A_607 : i32
      %dma_wait3A_610 = arith.constant 0 : i32
      %dma_wait3A_611 = arith.constant 0 : i32
      %dma_wait3A_612 = arith.constant 0 : i32
      %dma_wait3A_613 = arith.constant 0 : i32
      %dma_wait3A_614 = tpu.memref_slice %arg8[%dma_wait3A_611, %dma_wait3A_612, %dma_wait3A_613] : memref<6x40x128xf32, #tpu.memory_space<vmem>> -> memref<1x40x128xf32, #tpu.memory_space<vmem>>
      %dma_wait3A_615 = tpu.memref_squeeze %dma_wait3A_614 : memref<1x40x128xf32, #tpu.memory_space<vmem>> -> memref<40x128xf32, #tpu.memory_space<vmem>>
      %dma_wait3A_616 = arith.constant 0 : i32
      %dma_wait3A_617 = tpu.memref_slice %arg6[%dma_wait3A_610, %dma_wait3A_616] : memref<6x40xi32, #tpu.memory_space<vmem>> -> memref<1x40xi32, #tpu.memory_space<vmem>>
      %dma_wait3A_618 = tpu.memref_squeeze %dma_wait3A_617 : memref<1x40xi32, #tpu.memory_space<vmem>> -> memref<40xi32, #tpu.memory_space<vmem>>
      %dma_wait3A_619 = arith.constant 0 : i32
      %dma_wait3A_620 = arith.constant 0 : i32
      %dma_wait3A_621 = tpu.memref_slice %arg2[%dma_wait3A_619, %dma_wait3A_620] : memref<10000x128xf32, #tpu.memory_space<hbm>> -> memref<10000x128xf32, #tpu.memory_space<hbm>>
      tpu.wait_indirect_dma semaphore(%arg10 : memref<!tpu.dma_semaphore, #tpu.memory_space<semaphore_mem>>) src(%dma_wait3A_621 : memref<10000x128xf32, #tpu.memory_space<hbm>>) dst(%dma_wait3A_615 : memref<40x128xf32, #tpu.memory_space<vmem>>)
      %dma_start3A_622 = arith.constant 0 : i32
      %dma_start3A_623 = arith.constant 0 : i32
      %dma_start3A_624 = arith.constant 0 : i32
      %dma_start3A_625 = arith.constant 0 : i32
      %dma_start3A_626 = tpu.memref_slice %arg8[%dma_start3A_622, %dma_start3A_624, %dma_start3A_625] : memref<6x40x128xf32, #tpu.memory_space<vmem>> -> memref<1x40x128xf32, #tpu.memory_space<vmem>>
      %dma_start3A_627 = tpu.memref_squeeze %dma_start3A_626 : memref<1x40x128xf32, #tpu.memory_space<vmem>> -> memref<40x128xf32, #tpu.memory_space<vmem>>
      %dma_start3A_628 = arith.constant 0 : i32
      %dma_start3A_629 = tpu.memref_slice %arg7[%dma_start3A_623, %dma_start3A_628] : memref<6x40xi32, #tpu.memory_space<vmem>> -> memref<1x40xi32, #tpu.memory_space<vmem>>
      %dma_start3A_630 = tpu.memref_squeeze %dma_start3A_629 : memref<1x40xi32, #tpu.memory_space<vmem>> -> memref<40xi32, #tpu.memory_space<vmem>>
      %dma_start3A_631 = arith.constant 0 : i32
      %dma_start3A_632 = arith.constant 0 : i32
      %dma_start3A_633 = tpu.memref_slice %arg9[%dma_start3A_631, %dma_start3A_632] : memref<10000x128xf32, #tpu.memory_space<vmem_shared>> -> memref<10000x128xf32, #tpu.memory_space<vmem_shared>>
      tpu.enqueue_indirect_dma source(%dma_start3A_627 : memref<40x128xf32, #tpu.memory_space<vmem>>) target(%dma_start3A_633 : memref<10000x128xf32, #tpu.memory_space<vmem_shared>>) offsets(%dma_start3A_630 : memref<40xi32, #tpu.memory_space<vmem>>) semaphore(%arg16 : memref<!tpu.dma_semaphore, #tpu.memory_space<semaphore_mem>>) {add = true}
      %dma_wait3A_634 = arith.constant 1 : i32
      %dma_wait3A_635 = arith.constant 1 : i32
      %dma_wait3A_636 = arith.constant 0 : i32
      %dma_wait3A_637 = arith.constant 0 : i32
      %dma_wait3A_638 = tpu.memref_slice %arg8[%dma_wait3A_635, %dma_wait3A_636, %dma_wait3A_637] : memref<6x40x128xf32, #tpu.memory_space<vmem>> -> memref<1x40x128xf32, #tpu.memory_space<vmem>>
      %dma_wait3A_639 = tpu.memref_squeeze %dma_wait3A_638 : memref<1x40x128xf32, #tpu.memory_space<vmem>> -> memref<40x128xf32, #tpu.memory_space<vmem>>
      %dma_wait3A_640 = arith.constant 0 : i32
      %dma_wait3A_641 = tpu.memref_slice %arg6[%dma_wait3A_634, %dma_wait3A_640] : memref<6x40xi32, #tpu.memory_space<vmem>> -> memref<1x40xi32, #tpu.memory_space<vmem>>
      %dma_wait3A_642 = tpu.memref_squeeze %dma_wait3A_641 : memref<1x40xi32, #tpu.memory_space<vmem>> -> memref<40xi32, #tpu.memory_space<vmem>>
      %dma_wait3A_643 = arith.constant 0 : i32
      %dma_wait3A_644 = arith.constant 0 : i32
      %dma_wait3A_645 = tpu.memref_slice %arg2[%dma_wait3A_643, %dma_wait3A_644] : memref<10000x128xf32, #tpu.memory_space<hbm>> -> memref<10000x128xf32, #tpu.memory_space<hbm>>
      tpu.wait_indirect_dma semaphore(%arg11 : memref<!tpu.dma_semaphore, #tpu.memory_space<semaphore_mem>>) src(%dma_wait3A_645 : memref<10000x128xf32, #tpu.memory_space<hbm>>) dst(%dma_wait3A_639 : memref<40x128xf32, #tpu.memory_space<vmem>>)
      %dma_start3A_646 = arith.constant 1 : i32
      %dma_start3A_647 = arith.constant 1 : i32
      %dma_start3A_648 = arith.constant 0 : i32
      %dma_start3A_649 = arith.constant 0 : i32
      %dma_start3A_650 = tpu.memref_slice %arg8[%dma_start3A_646, %dma_start3A_648, %dma_start3A_649] : memref<6x40x128xf32, #tpu.memory_space<vmem>> -> memref<1x40x128xf32, #tpu.memory_space<vmem>>
      %dma_start3A_651 = tpu.memref_squeeze %dma_start3A_650 : memref<1x40x128xf32, #tpu.memory_space<vmem>> -> memref<40x128xf32, #tpu.memory_space<vmem>>
      %dma_start3A_652 = arith.constant 0 : i32
      %dma_start3A_653 = tpu.memref_slice %arg7[%dma_start3A_647, %dma_start3A_652] : memref<6x40xi32, #tpu.memory_space<vmem>> -> memref<1x40xi32, #tpu.memory_space<vmem>>
      %dma_start3A_654 = tpu.memref_squeeze %dma_start3A_653 : memref<1x40xi32, #tpu.memory_space<vmem>> -> memref<40xi32, #tpu.memory_space<vmem>>
      %dma_start3A_655 = arith.constant 0 : i32
      %dma_start3A_656 = arith.constant 0 : i32
      %dma_start3A_657 = tpu.memref_slice %arg9[%dma_start3A_655, %dma_start3A_656] : memref<10000x128xf32, #tpu.memory_space<vmem_shared>> -> memref<10000x128xf32, #tpu.memory_space<vmem_shared>>
      tpu.enqueue_indirect_dma source(%dma_start3A_651 : memref<40x128xf32, #tpu.memory_space<vmem>>) target(%dma_start3A_657 : memref<10000x128xf32, #tpu.memory_space<vmem_shared>>) offsets(%dma_start3A_654 : memref<40xi32, #tpu.memory_space<vmem>>) semaphore(%arg17 : memref<!tpu.dma_semaphore, #tpu.memory_space<semaphore_mem>>) {add = true}
      %dma_wait3A_658 = arith.constant 2 : i32
      %dma_wait3A_659 = arith.constant 2 : i32
      %dma_wait3A_660 = arith.constant 0 : i32
      %dma_wait3A_661 = arith.constant 0 : i32
      %dma_wait3A_662 = tpu.memref_slice %arg8[%dma_wait3A_659, %dma_wait3A_660, %dma_wait3A_661] : memref<6x40x128xf32, #tpu.memory_space<vmem>> -> memref<1x40x128xf32, #tpu.memory_space<vmem>>
      %dma_wait3A_663 = tpu.memref_squeeze %dma_wait3A_662 : memref<1x40x128xf32, #tpu.memory_space<vmem>> -> memref<40x128xf32, #tpu.memory_space<vmem>>
      %dma_wait3A_664 = arith.constant 0 : i32
      %dma_wait3A_665 = tpu.memref_slice %arg6[%dma_wait3A_658, %dma_wait3A_664] : memref<6x40xi32, #tpu.memory_space<vmem>> -> memref<1x40xi32, #tpu.memory_space<vmem>>
      %dma_wait3A_666 = tpu.memref_squeeze %dma_wait3A_665 : memref<1x40xi32, #tpu.memory_space<vmem>> -> memref<40xi32, #tpu.memory_space<vmem>>
      %dma_wait3A_667 = arith.constant 0 : i32
      %dma_wait3A_668 = arith.constant 0 : i32
      %dma_wait3A_669 = tpu.memref_slice %arg2[%dma_wait3A_667, %dma_wait3A_668] : memref<10000x128xf32, #tpu.memory_space<hbm>> -> memref<10000x128xf32, #tpu.memory_space<hbm>>
      tpu.wait_indirect_dma semaphore(%arg12 : memref<!tpu.dma_semaphore, #tpu.memory_space<semaphore_mem>>) src(%dma_wait3A_669 : memref<10000x128xf32, #tpu.memory_space<hbm>>) dst(%dma_wait3A_663 : memref<40x128xf32, #tpu.memory_space<vmem>>)
      %dma_start3A_670 = arith.constant 2 : i32
      %dma_start3A_671 = arith.constant 2 : i32
      %dma_start3A_672 = arith.constant 0 : i32
      %dma_start3A_673 = arith.constant 0 : i32
      %dma_start3A_674 = tpu.memref_slice %arg8[%dma_start3A_670, %dma_start3A_672, %dma_start3A_673] : memref<6x40x128xf32, #tpu.memory_space<vmem>> -> memref<1x40x128xf32, #tpu.memory_space<vmem>>
      %dma_start3A_675 = tpu.memref_squeeze %dma_start3A_674 : memref<1x40x128xf32, #tpu.memory_space<vmem>> -> memref<40x128xf32, #tpu.memory_space<vmem>>
      %dma_start3A_676 = arith.constant 0 : i32
      %dma_start3A_677 = tpu.memref_slice %arg7[%dma_start3A_671, %dma_start3A_676] : memref<6x40xi32, #tpu.memory_space<vmem>> -> memref<1x40xi32, #tpu.memory_space<vmem>>
      %dma_start3A_678 = tpu.memref_squeeze %dma_start3A_677 : memref<1x40xi32, #tpu.memory_space<vmem>> -> memref<40xi32, #tpu.memory_space<vmem>>
      %dma_start3A_679 = arith.constant 0 : i32
      %dma_start3A_680 = arith.constant 0 : i32
      %dma_start3A_681 = tpu.memref_slice %arg9[%dma_start3A_679, %dma_start3A_680] : memref<10000x128xf32, #tpu.memory_space<vmem_shared>> -> memref<10000x128xf32, #tpu.memory_space<vmem_shared>>
      tpu.enqueue_indirect_dma source(%dma_start3A_675 : memref<40x128xf32, #tpu.memory_space<vmem>>) target(%dma_start3A_681 : memref<10000x128xf32, #tpu.memory_space<vmem_shared>>) offsets(%dma_start3A_678 : memref<40xi32, #tpu.memory_space<vmem>>) semaphore(%arg18 : memref<!tpu.dma_semaphore, #tpu.memory_space<semaphore_mem>>) {add = true}
      %dma_wait3A_682 = arith.constant 3 : i32
      %dma_wait3A_683 = arith.constant 3 : i32
      %dma_wait3A_684 = arith.constant 0 : i32
      %dma_wait3A_685 = arith.constant 0 : i32
      %dma_wait3A_686 = tpu.memref_slice %arg8[%dma_wait3A_683, %dma_wait3A_684, %dma_wait3A_685] : memref<6x40x128xf32, #tpu.memory_space<vmem>> -> memref<1x40x128xf32, #tpu.memory_space<vmem>>
      %dma_wait3A_687 = tpu.memref_squeeze %dma_wait3A_686 : memref<1x40x128xf32, #tpu.memory_space<vmem>> -> memref<40x128xf32, #tpu.memory_space<vmem>>
      %dma_wait3A_688 = arith.constant 0 : i32
      %dma_wait3A_689 = tpu.memref_slice %arg6[%dma_wait3A_682, %dma_wait3A_688] : memref<6x40xi32, #tpu.memory_space<vmem>> -> memref<1x40xi32, #tpu.memory_space<vmem>>
      %dma_wait3A_690 = tpu.memref_squeeze %dma_wait3A_689 : memref<1x40xi32, #tpu.memory_space<vmem>> -> memref<40xi32, #tpu.memory_space<vmem>>
      %dma_wait3A_691 = arith.constant 0 : i32
      %dma_wait3A_692 = arith.constant 0 : i32
      %dma_wait3A_693 = tpu.memref_slice %arg2[%dma_wait3A_691, %dma_wait3A_692] : memref<10000x128xf32, #tpu.memory_space<hbm>> -> memref<10000x128xf32, #tpu.memory_space<hbm>>
      tpu.wait_indirect_dma semaphore(%arg13 : memref<!tpu.dma_semaphore, #tpu.memory_space<semaphore_mem>>) src(%dma_wait3A_693 : memref<10000x128xf32, #tpu.memory_space<hbm>>) dst(%dma_wait3A_687 : memref<40x128xf32, #tpu.memory_space<vmem>>)
      %dma_start3A_694 = arith.constant 3 : i32
      %dma_start3A_695 = arith.constant 3 : i32
      %dma_start3A_696 = arith.constant 0 : i32
      %dma_start3A_697 = arith.constant 0 : i32
      %dma_start3A_698 = tpu.memref_slice %arg8[%dma_start3A_694, %dma_start3A_696, %dma_start3A_697] : memref<6x40x128xf32, #tpu.memory_space<vmem>> -> memref<1x40x128xf32, #tpu.memory_space<vmem>>
      %dma_start3A_699 = tpu.memref_squeeze %dma_start3A_698 : memref<1x40x128xf32, #tpu.memory_space<vmem>> -> memref<40x128xf32, #tpu.memory_space<vmem>>
      %dma_start3A_700 = arith.constant 0 : i32
      %dma_start3A_701 = tpu.memref_slice %arg7[%dma_start3A_695, %dma_start3A_700] : memref<6x40xi32, #tpu.memory_space<vmem>> -> memref<1x40xi32, #tpu.memory_space<vmem>>
      %dma_start3A_702 = tpu.memref_squeeze %dma_start3A_701 : memref<1x40xi32, #tpu.memory_space<vmem>> -> memref<40xi32, #tpu.memory_space<vmem>>
      %dma_start3A_703 = arith.constant 0 : i32
      %dma_start3A_704 = arith.constant 0 : i32
      %dma_start3A_705 = tpu.memref_slice %arg9[%dma_start3A_703, %dma_start3A_704] : memref<10000x128xf32, #tpu.memory_space<vmem_shared>> -> memref<10000x128xf32, #tpu.memory_space<vmem_shared>>
      tpu.enqueue_indirect_dma source(%dma_start3A_699 : memref<40x128xf32, #tpu.memory_space<vmem>>) target(%dma_start3A_705 : memref<10000x128xf32, #tpu.memory_space<vmem_shared>>) offsets(%dma_start3A_702 : memref<40xi32, #tpu.memory_space<vmem>>) semaphore(%arg19 : memref<!tpu.dma_semaphore, #tpu.memory_space<semaphore_mem>>) {add = true}
      %dma_wait3A_706 = arith.constant 4 : i32
      %dma_wait3A_707 = arith.constant 4 : i32
      %dma_wait3A_708 = arith.constant 0 : i32
      %dma_wait3A_709 = arith.constant 0 : i32
      %dma_wait3A_710 = tpu.memref_slice %arg8[%dma_wait3A_707, %dma_wait3A_708, %dma_wait3A_709] : memref<6x40x128xf32, #tpu.memory_space<vmem>> -> memref<1x40x128xf32, #tpu.memory_space<vmem>>
      %dma_wait3A_711 = tpu.memref_squeeze %dma_wait3A_710 : memref<1x40x128xf32, #tpu.memory_space<vmem>> -> memref<40x128xf32, #tpu.memory_space<vmem>>
      %dma_wait3A_712 = arith.constant 0 : i32
      %dma_wait3A_713 = tpu.memref_slice %arg6[%dma_wait3A_706, %dma_wait3A_712] : memref<6x40xi32, #tpu.memory_space<vmem>> -> memref<1x40xi32, #tpu.memory_space<vmem>>
      %dma_wait3A_714 = tpu.memref_squeeze %dma_wait3A_713 : memref<1x40xi32, #tpu.memory_space<vmem>> -> memref<40xi32, #tpu.memory_space<vmem>>
      %dma_wait3A_715 = arith.constant 0 : i32
      %dma_wait3A_716 = arith.constant 0 : i32
      %dma_wait3A_717 = tpu.memref_slice %arg2[%dma_wait3A_715, %dma_wait3A_716] : memref<10000x128xf32, #tpu.memory_space<hbm>> -> memref<10000x128xf32, #tpu.memory_space<hbm>>
      tpu.wait_indirect_dma semaphore(%arg14 : memref<!tpu.dma_semaphore, #tpu.memory_space<semaphore_mem>>) src(%dma_wait3A_717 : memref<10000x128xf32, #tpu.memory_space<hbm>>) dst(%dma_wait3A_711 : memref<40x128xf32, #tpu.memory_space<vmem>>)
      %dma_start3A_718 = arith.constant 4 : i32
      %dma_start3A_719 = arith.constant 4 : i32
      %dma_start3A_720 = arith.constant 0 : i32
      %dma_start3A_721 = arith.constant 0 : i32
      %dma_start3A_722 = tpu.memref_slice %arg8[%dma_start3A_718, %dma_start3A_720, %dma_start3A_721] : memref<6x40x128xf32, #tpu.memory_space<vmem>> -> memref<1x40x128xf32, #tpu.memory_space<vmem>>
      %dma_start3A_723 = tpu.memref_squeeze %dma_start3A_722 : memref<1x40x128xf32, #tpu.memory_space<vmem>> -> memref<40x128xf32, #tpu.memory_space<vmem>>
      %dma_start3A_724 = arith.constant 0 : i32
      %dma_start3A_725 = tpu.memref_slice %arg7[%dma_start3A_719, %dma_start3A_724] : memref<6x40xi32, #tpu.memory_space<vmem>> -> memref<1x40xi32, #tpu.memory_space<vmem>>
      %dma_start3A_726 = tpu.memref_squeeze %dma_start3A_725 : memref<1x40xi32, #tpu.memory_space<vmem>> -> memref<40xi32, #tpu.memory_space<vmem>>
      %dma_start3A_727 = arith.constant 0 : i32
      %dma_start3A_728 = arith.constant 0 : i32
      %dma_start3A_729 = tpu.memref_slice %arg9[%dma_start3A_727, %dma_start3A_728] : memref<10000x128xf32, #tpu.memory_space<vmem_shared>> -> memref<10000x128xf32, #tpu.memory_space<vmem_shared>>
      tpu.enqueue_indirect_dma source(%dma_start3A_723 : memref<40x128xf32, #tpu.memory_space<vmem>>) target(%dma_start3A_729 : memref<10000x128xf32, #tpu.memory_space<vmem_shared>>) offsets(%dma_start3A_726 : memref<40xi32, #tpu.memory_space<vmem>>) semaphore(%arg20 : memref<!tpu.dma_semaphore, #tpu.memory_space<semaphore_mem>>) {add = true}
      %dma_wait3A_730 = arith.constant 5 : i32
      %dma_wait3A_731 = arith.constant 5 : i32
      %dma_wait3A_732 = arith.constant 0 : i32
      %dma_wait3A_733 = arith.constant 0 : i32
      %dma_wait3A_734 = tpu.memref_slice %arg8[%dma_wait3A_731, %dma_wait3A_732, %dma_wait3A_733] : memref<6x40x128xf32, #tpu.memory_space<vmem>> -> memref<1x40x128xf32, #tpu.memory_space<vmem>>
      %dma_wait3A_735 = tpu.memref_squeeze %dma_wait3A_734 : memref<1x40x128xf32, #tpu.memory_space<vmem>> -> memref<40x128xf32, #tpu.memory_space<vmem>>
      %dma_wait3A_736 = arith.constant 0 : i32
      %dma_wait3A_737 = tpu.memref_slice %arg6[%dma_wait3A_730, %dma_wait3A_736] : memref<6x40xi32, #tpu.memory_space<vmem>> -> memref<1x40xi32, #tpu.memory_space<vmem>>
      %dma_wait3A_738 = tpu.memref_squeeze %dma_wait3A_737 : memref<1x40xi32, #tpu.memory_space<vmem>> -> memref<40xi32, #tpu.memory_space<vmem>>
      %dma_wait3A_739 = arith.constant 0 : i32
      %dma_wait3A_740 = arith.constant 0 : i32
      %dma_wait3A_741 = tpu.memref_slice %arg2[%dma_wait3A_739, %dma_wait3A_740] : memref<10000x128xf32, #tpu.memory_space<hbm>> -> memref<10000x128xf32, #tpu.memory_space<hbm>>
      tpu.wait_indirect_dma semaphore(%arg15 : memref<!tpu.dma_semaphore, #tpu.memory_space<semaphore_mem>>) src(%dma_wait3A_741 : memref<10000x128xf32, #tpu.memory_space<hbm>>) dst(%dma_wait3A_735 : memref<40x128xf32, #tpu.memory_space<vmem>>)
      %dma_start3A_742 = arith.constant 5 : i32
      %dma_start3A_743 = arith.constant 5 : i32
      %dma_start3A_744 = arith.constant 0 : i32
      %dma_start3A_745 = arith.constant 0 : i32
      %dma_start3A_746 = tpu.memref_slice %arg8[%dma_start3A_742, %dma_start3A_744, %dma_start3A_745] : memref<6x40x128xf32, #tpu.memory_space<vmem>> -> memref<1x40x128xf32, #tpu.memory_space<vmem>>
      %dma_start3A_747 = tpu.memref_squeeze %dma_start3A_746 : memref<1x40x128xf32, #tpu.memory_space<vmem>> -> memref<40x128xf32, #tpu.memory_space<vmem>>
      %dma_start3A_748 = arith.constant 0 : i32
      %dma_start3A_749 = tpu.memref_slice %arg7[%dma_start3A_743, %dma_start3A_748] : memref<6x40xi32, #tpu.memory_space<vmem>> -> memref<1x40xi32, #tpu.memory_space<vmem>>
      %dma_start3A_750 = tpu.memref_squeeze %dma_start3A_749 : memref<1x40xi32, #tpu.memory_space<vmem>> -> memref<40xi32, #tpu.memory_space<vmem>>
      %dma_start3A_751 = arith.constant 0 : i32
      %dma_start3A_752 = arith.constant 0 : i32
      %dma_start3A_753 = tpu.memref_slice %arg9[%dma_start3A_751, %dma_start3A_752] : memref<10000x128xf32, #tpu.memory_space<vmem_shared>> -> memref<10000x128xf32, #tpu.memory_space<vmem_shared>>
      tpu.enqueue_indirect_dma source(%dma_start3A_747 : memref<40x128xf32, #tpu.memory_space<vmem>>) target(%dma_start3A_753 : memref<10000x128xf32, #tpu.memory_space<vmem_shared>>) offsets(%dma_start3A_750 : memref<40xi32, #tpu.memory_space<vmem>>) semaphore(%arg21 : memref<!tpu.dma_semaphore, #tpu.memory_space<semaphore_mem>>) {add = true}
      %dma_wait3A_754 = arith.constant 0 : i32
      %dma_wait3A_755 = arith.constant 0 : i32
      %dma_wait3A_756 = arith.constant 0 : i32
      %dma_wait3A_757 = arith.constant 0 : i32
      %dma_wait3A_758 = tpu.memref_slice %arg8[%dma_wait3A_754, %dma_wait3A_756, %dma_wait3A_757] : memref<6x40x128xf32, #tpu.memory_space<vmem>> -> memref<1x40x128xf32, #tpu.memory_space<vmem>>
      %dma_wait3A_759 = tpu.memref_squeeze %dma_wait3A_758 : memref<1x40x128xf32, #tpu.memory_space<vmem>> -> memref<40x128xf32, #tpu.memory_space<vmem>>
      %dma_wait3A_760 = arith.constant 0 : i32
      %dma_wait3A_761 = tpu.memref_slice %arg7[%dma_wait3A_755, %dma_wait3A_760] : memref<6x40xi32, #tpu.memory_space<vmem>> -> memref<1x40xi32, #tpu.memory_space<vmem>>
      %dma_wait3A_762 = tpu.memref_squeeze %dma_wait3A_761 : memref<1x40xi32, #tpu.memory_space<vmem>> -> memref<40xi32, #tpu.memory_space<vmem>>
      %dma_wait3A_763 = arith.constant 0 : i32
      %dma_wait3A_764 = arith.constant 0 : i32
      %dma_wait3A_765 = tpu.memref_slice %arg9[%dma_wait3A_763, %dma_wait3A_764] : memref<10000x128xf32, #tpu.memory_space<vmem_shared>> -> memref<10000x128xf32, #tpu.memory_space<vmem_shared>>
      tpu.wait_indirect_dma semaphore(%arg16 : memref<!tpu.dma_semaphore, #tpu.memory_space<semaphore_mem>>) src(%dma_wait3A_759 : memref<40x128xf32, #tpu.memory_space<vmem>>) dst(%dma_wait3A_765 : memref<10000x128xf32, #tpu.memory_space<vmem_shared>>)
      %add3A_766 = arith.constant 0 : i32
      %add3A_767 = arith.addi %mul3A_609, %add3A_766 : i32
      %add3A_768 = arith.constant 6 : i32
      %add3A_769 = arith.addi %add3A_767, %add3A_768 : i32
      %lt3A = arith.constant 250 : i32
      %lt3A_770 = arith.cmpi slt, %add3A_769, %lt3A : i32
      %convert_element_type3A_771 = arith.extui %lt3A_770 : i1 to i32
      %cond3A_772 = arith.constant 0 : i32
      %cond3A_773 = arith.cmpi ne, %convert_element_type3A_771, %cond3A_772 : i32
      scf.if %cond3A_773 {
        %add3A_879 = arith.constant 0 : i32
        %add3A_880 = arith.addi %mul3A_609, %add3A_879 : i32
        %add3A_881 = arith.constant 6 : i32
        %add3A_882 = arith.addi %add3A_880, %add3A_881 : i32
        %mul3A_883 = arith.constant 40 : i32
        %mul3A_884 = arith.muli %add3A_882, %mul3A_883 : i32
        %add3A_885 = arith.constant 0 : i32
        %add3A_886 = arith.addi %mul3A_884, %add3A_885 : i32
        %get3A_887 = arith.index_cast %add3A_886 : i32 to index
        %get3A_888 = tpu.vector_load %arg5[%get3A_887] {strides = array<i32>} : memref<10000xi32, #tpu.memory_space<vmem>>, vector<16xi32>,
        %get3A_889 = vector.shape_cast %get3A_888 : vector<16xi32> to vector<16xi32>
        %and3A_890 = arith.constant 16383 : i32
        %and3A_891 = vector.broadcast %and3A_890 : i32 to vector<16xi32>
        %and3A_892 = arith.andi %get3A_889, %and3A_891 : vector<16xi32>
        %swap3A_893 = arith.constant 0 : i32
        %swap3A_894 = arith.index_cast %swap3A_893 : i32 to index
        %swap3A_895 = arith.constant 0 : index
        %swap3A_896 = tpu.vector_load %arg6[%swap3A_894, %swap3A_895] {strides = array<i32>} : memref<6x40xi32, #tpu.memory_space<vmem>>, vector<1x16xi32>,
        %swap3A_897 = vector.shape_cast %swap3A_896 : vector<1x16xi32> to vector<16xi32>
        %swap3A_898 = vector.shape_cast %and3A_892 : vector<16xi32> to vector<1x16xi32>
        tpu.vector_store %arg6[%swap3A_894, %swap3A_895], %swap3A_898 {strides = array<i32>} : memref<6x40xi32, #tpu.memory_space<vmem>>, vector<1x16xi32>,
        %shift_right_logical3A_899 = arith.constant 14 : i32
        %shift_right_logical3A_900 = vector.broadcast %shift_right_logical3A_899 : i32 to vector<16xi32>
        %shift_right_logical3A_901 = arith.shrui %get3A_889, %shift_right_logical3A_900 : vector<16xi32>
        %swap3A_902 = arith.constant 0 : i32
        %swap3A_903 = arith.index_cast %swap3A_902 : i32 to index
        %swap3A_904 = arith.constant 0 : index
        %swap3A_905 = tpu.vector_load %arg7[%swap3A_903, %swap3A_904] {strides = array<i32>} : memref<6x40xi32, #tpu.memory_space<vmem>>, vector<1x16xi32>,
        %swap3A_906 = vector.shape_cast %swap3A_905 : vector<1x16xi32> to vector<16xi32>
        %swap3A_907 = vector.shape_cast %shift_right_logical3A_901 : vector<16xi32> to vector<1x16xi32>
        tpu.vector_store %arg7[%swap3A_903, %swap3A_904], %swap3A_907 {strides = array<i32>} : memref<6x40xi32, #tpu.memory_space<vmem>>, vector<1x16xi32>,
        %mul3A_908 = arith.constant 40 : i32
        %mul3A_909 = arith.muli %add3A_882, %mul3A_908 : i32
        %add3A_910 = arith.constant 16 : i32
        %add3A_911 = arith.addi %mul3A_909, %add3A_910 : i32
        %get3A_912 = arith.index_cast %add3A_911 : i32 to index
        %get3A_913 = tpu.vector_load %arg5[%get3A_912] {strides = array<i32>} : memref<10000xi32, #tpu.memory_space<vmem>>, vector<16xi32>,
        %get3A_914 = vector.shape_cast %get3A_913 : vector<16xi32> to vector<16xi32>
        %and3A_915 = arith.constant 16383 : i32
        %and3A_916 = vector.broadcast %and3A_915 : i32 to vector<16xi32>
        %and3A_917 = arith.andi %get3A_914, %and3A_916 : vector<16xi32>
        %swap3A_918 = arith.constant 0 : i32
        %swap3A_919 = arith.index_cast %swap3A_918 : i32 to index
        %swap3A_920 = arith.constant 16 : index
        %swap3A_921 = tpu.vector_load %arg6[%swap3A_919, %swap3A_920] {strides = array<i32>} : memref<6x40xi32, #tpu.memory_space<vmem>>, vector<1x16xi32>,
        %swap3A_922 = vector.shape_cast %swap3A_921 : vector<1x16xi32> to vector<16xi32>
        %swap3A_923 = vector.shape_cast %and3A_917 : vector<16xi32> to vector<1x16xi32>
        tpu.vector_store %arg6[%swap3A_919, %swap3A_920], %swap3A_923 {strides = array<i32>} : memref<6x40xi32, #tpu.memory_space<vmem>>, vector<1x16xi32>,
        %shift_right_logical3A_924 = arith.constant 14 : i32
        %shift_right_logical3A_925 = vector.broadcast %shift_right_logical3A_924 : i32 to vector<16xi32>
        %shift_right_logical3A_926 = arith.shrui %get3A_914, %shift_right_logical3A_925 : vector<16xi32>
        %swap3A_927 = arith.constant 0 : i32
        %swap3A_928 = arith.index_cast %swap3A_927 : i32 to index
        %swap3A_929 = arith.constant 16 : index
        %swap3A_930 = tpu.vector_load %arg7[%swap3A_928, %swap3A_929] {strides = array<i32>} : memref<6x40xi32, #tpu.memory_space<vmem>>, vector<1x16xi32>,
        %swap3A_931 = vector.shape_cast %swap3A_930 : vector<1x16xi32> to vector<16xi32>
        %swap3A_932 = vector.shape_cast %shift_right_logical3A_926 : vector<16xi32> to vector<1x16xi32>
        tpu.vector_store %arg7[%swap3A_928, %swap3A_929], %swap3A_932 {strides = array<i32>} : memref<6x40xi32, #tpu.memory_space<vmem>>, vector<1x16xi32>,
        %mul3A_933 = arith.constant 40 : i32
        %mul3A_934 = arith.muli %add3A_882, %mul3A_933 : i32
        %add3A_935 = arith.constant 24 : i32
        %add3A_936 = arith.addi %mul3A_934, %add3A_935 : i32
        %get3A_937 = arith.index_cast %add3A_936 : i32 to index
        %get3A_938 = tpu.vector_load %arg5[%get3A_937] {strides = array<i32>} : memref<10000xi32, #tpu.memory_space<vmem>>, vector<16xi32>,
        %get3A_939 = vector.shape_cast %get3A_938 : vector<16xi32> to vector<16xi32>
        %and3A_940 = arith.constant 16383 : i32
        %and3A_941 = vector.broadcast %and3A_940 : i32 to vector<16xi32>
        %and3A_942 = arith.andi %get3A_939, %and3A_941 : vector<16xi32>
        %swap3A_943 = arith.constant 0 : i32
        %swap3A_944 = arith.index_cast %swap3A_943 : i32 to index
        %swap3A_945 = arith.constant 24 : index
        %swap3A_946 = tpu.vector_load %arg6[%swap3A_944, %swap3A_945] {strides = array<i32>} : memref<6x40xi32, #tpu.memory_space<vmem>>, vector<1x16xi32>,
        %swap3A_947 = vector.shape_cast %swap3A_946 : vector<1x16xi32> to vector<16xi32>
        %swap3A_948 = vector.shape_cast %and3A_942 : vector<16xi32> to vector<1x16xi32>
        tpu.vector_store %arg6[%swap3A_944, %swap3A_945], %swap3A_948 {strides = array<i32>} : memref<6x40xi32, #tpu.memory_space<vmem>>, vector<1x16xi32>,
        %shift_right_logical3A_949 = arith.constant 14 : i32
        %shift_right_logical3A_950 = vector.broadcast %shift_right_logical3A_949 : i32 to vector<16xi32>
        %shift_right_logical3A_951 = arith.shrui %get3A_939, %shift_right_logical3A_950 : vector<16xi32>
        %swap3A_952 = arith.constant 0 : i32
        %swap3A_953 = arith.index_cast %swap3A_952 : i32 to index
        %swap3A_954 = arith.constant 24 : index
        %swap3A_955 = tpu.vector_load %arg7[%swap3A_953, %swap3A_954] {strides = array<i32>} : memref<6x40xi32, #tpu.memory_space<vmem>>, vector<1x16xi32>,
        %swap3A_956 = vector.shape_cast %swap3A_955 : vector<1x16xi32> to vector<16xi32>
        %swap3A_957 = vector.shape_cast %shift_right_logical3A_951 : vector<16xi32> to vector<1x16xi32>
        tpu.vector_store %arg7[%swap3A_953, %swap3A_954], %swap3A_957 {strides = array<i32>} : memref<6x40xi32, #tpu.memory_space<vmem>>, vector<1x16xi32>,
        %dma_start3A_958 = arith.constant 0 : i32
        %dma_start3A_959 = arith.constant 0 : i32
        %dma_start3A_960 = arith.constant 0 : i32
        %dma_start3A_961 = arith.constant 0 : i32
        %dma_start3A_962 = tpu.memref_slice %arg8[%dma_start3A_959, %dma_start3A_960, %dma_start3A_961] : memref<6x40x128xf32, #tpu.memory_space<vmem>> -> memref<1x40x128xf32, #tpu.memory_space<vmem>>
        %dma_start3A_963 = tpu.memref_squeeze %dma_start3A_962 : memref<1x40x128xf32, #tpu.memory_space<vmem>> -> memref<40x128xf32, #tpu.memory_space<vmem>>
        %dma_start3A_964 = arith.constant 0 : i32
        %dma_start3A_965 = tpu.memref_slice %arg6[%dma_start3A_958, %dma_start3A_964] : memref<6x40xi32, #tpu.memory_space<vmem>> -> memref<1x40xi32, #tpu.memory_space<vmem>>
        %dma_start3A_966 = tpu.memref_squeeze %dma_start3A_965 : memref<1x40xi32, #tpu.memory_space<vmem>> -> memref<40xi32, #tpu.memory_space<vmem>>
        %dma_start3A_967 = arith.constant 0 : i32
        %dma_start3A_968 = arith.constant 0 : i32
        %dma_start3A_969 = tpu.memref_slice %arg2[%dma_start3A_967, %dma_start3A_968] : memref<10000x128xf32, #tpu.memory_space<hbm>> -> memref<10000x128xf32, #tpu.memory_space<hbm>>
        tpu.enqueue_indirect_dma source(%dma_start3A_969 : memref<10000x128xf32, #tpu.memory_space<hbm>>) target(%dma_start3A_963 : memref<40x128xf32, #tpu.memory_space<vmem>>) offsets(%dma_start3A_966 : memref<40xi32, #tpu.memory_space<vmem>>) semaphore(%arg10 : memref<!tpu.dma_semaphore, #tpu.memory_space<semaphore_mem>>)
      } else {
      }
      %dma_wait3A_774 = arith.constant 1 : i32
      %dma_wait3A_775 = arith.constant 1 : i32
      %dma_wait3A_776 = arith.constant 0 : i32
      %dma_wait3A_777 = arith.constant 0 : i32
      %dma_wait3A_778 = tpu.memref_slice %arg8[%dma_wait3A_774, %dma_wait3A_776, %dma_wait3A_777] : memref<6x40x128xf32, #tpu.memory_space<vmem>> -> memref<1x40x128xf32, #tpu.memory_space<vmem>>
      %dma_wait3A_779 = tpu.memref_squeeze %dma_wait3A_778 : memref<1x40x128xf32, #tpu.memory_space<vmem>> -> memref<40x128xf32, #tpu.memory_space<vmem>>
      %dma_wait3A_780 = arith.constant 0 : i32
      %dma_wait3A_781 = tpu.memref_slice %arg7[%dma_wait3A_775, %dma_wait3A_780] : memref<6x40xi32, #tpu.memory_space<vmem>> -> memref<1x40xi32, #tpu.memory_space<vmem>>
      %dma_wait3A_782 = tpu.memref_squeeze %dma_wait3A_781 : memref<1x40xi32, #tpu.memory_space<vmem>> -> memref<40xi32, #tpu.memory_space<vmem>>
      %dma_wait3A_783 = arith.constant 0 : i32
      %dma_wait3A_784 = arith.constant 0 : i32
      %dma_wait3A_785 = tpu.memref_slice %arg9[%dma_wait3A_783, %dma_wait3A_784] : memref<10000x128xf32, #tpu.memory_space<vmem_shared>> -> memref<10000x128xf32, #tpu.memory_space<vmem_shared>>
      tpu.wait_indirect_dma semaphore(%arg17 : memref<!tpu.dma_semaphore, #tpu.memory_space<semaphore_mem>>) src(%dma_wait3A_779 : memref<40x128xf32, #tpu.memory_space<vmem>>) dst(%dma_wait3A_785 : memref<10000x128xf32, #tpu.memory_space<vmem_shared>>)
      %add3A_786 = arith.constant 1 : i32
      %add3A_787 = arith.addi %mul3A_609, %add3A_786 : i32
      %add3A_788 = arith.constant 6 : i32
      %add3A_789 = arith.addi %add3A_787, %add3A_788 : i32
      %lt3A_790 = arith.constant 250 : i32
      %lt3A_791 = arith.cmpi slt, %add3A_789, %lt3A_790 : i32
      %convert_element_type3A_792 = arith.extui %lt3A_791 : i1 to i32
      %cond3A_793 = arith.constant 0 : i32
      %cond3A_794 = arith.cmpi ne, %convert_element_type3A_792, %cond3A_793 : i32
      scf.if %cond3A_794 {
        %add3A_879 = arith.constant 1 : i32
        %add3A_880 = arith.addi %mul3A_609, %add3A_879 : i32
        %add3A_881 = arith.constant 6 : i32
        %add3A_882 = arith.addi %add3A_880, %add3A_881 : i32
        %mul3A_883 = arith.constant 40 : i32
        %mul3A_884 = arith.muli %add3A_882, %mul3A_883 : i32
        %add3A_885 = arith.constant 0 : i32
        %add3A_886 = arith.addi %mul3A_884, %add3A_885 : i32
        %get3A_887 = arith.index_cast %add3A_886 : i32 to index
        %get3A_888 = tpu.vector_load %arg5[%get3A_887] {strides = array<i32>} : memref<10000xi32, #tpu.memory_space<vmem>>, vector<16xi32>,
        %get3A_889 = vector.shape_cast %get3A_888 : vector<16xi32> to vector<16xi32>
        %and3A_890 = arith.constant 16383 : i32
        %and3A_891 = vector.broadcast %and3A_890 : i32 to vector<16xi32>
        %and3A_892 = arith.andi %get3A_889, %and3A_891 : vector<16xi32>
        %swap3A_893 = arith.constant 1 : i32
        %swap3A_894 = arith.index_cast %swap3A_893 : i32 to index
        %swap3A_895 = arith.constant 0 : index
        %swap3A_896 = tpu.vector_load %arg6[%swap3A_894, %swap3A_895] {strides = array<i32>} : memref<6x40xi32, #tpu.memory_space<vmem>>, vector<1x16xi32>,
        %swap3A_897 = vector.shape_cast %swap3A_896 : vector<1x16xi32> to vector<16xi32>
        %swap3A_898 = vector.shape_cast %and3A_892 : vector<16xi32> to vector<1x16xi32>
        tpu.vector_store %arg6[%swap3A_894, %swap3A_895], %swap3A_898 {strides = array<i32>} : memref<6x40xi32, #tpu.memory_space<vmem>>, vector<1x16xi32>,
        %shift_right_logical3A_899 = arith.constant 14 : i32
        %shift_right_logical3A_900 = vector.broadcast %shift_right_logical3A_899 : i32 to vector<16xi32>
        %shift_right_logical3A_901 = arith.shrui %get3A_889, %shift_right_logical3A_900 : vector<16xi32>
        %swap3A_902 = arith.constant 1 : i32
        %swap3A_903 = arith.index_cast %swap3A_902 : i32 to index
        %swap3A_904 = arith.constant 0 : index
        %swap3A_905 = tpu.vector_load %arg7[%swap3A_903, %swap3A_904] {strides = array<i32>} : memref<6x40xi32, #tpu.memory_space<vmem>>, vector<1x16xi32>,
        %swap3A_906 = vector.shape_cast %swap3A_905 : vector<1x16xi32> to vector<16xi32>
        %swap3A_907 = vector.shape_cast %shift_right_logical3A_901 : vector<16xi32> to vector<1x16xi32>
        tpu.vector_store %arg7[%swap3A_903, %swap3A_904], %swap3A_907 {strides = array<i32>} : memref<6x40xi32, #tpu.memory_space<vmem>>, vector<1x16xi32>,
        %mul3A_908 = arith.constant 40 : i32
        %mul3A_909 = arith.muli %add3A_882, %mul3A_908 : i32
        %add3A_910 = arith.constant 16 : i32
        %add3A_911 = arith.addi %mul3A_909, %add3A_910 : i32
        %get3A_912 = arith.index_cast %add3A_911 : i32 to index
        %get3A_913 = tpu.vector_load %arg5[%get3A_912] {strides = array<i32>} : memref<10000xi32, #tpu.memory_space<vmem>>, vector<16xi32>,
        %get3A_914 = vector.shape_cast %get3A_913 : vector<16xi32> to vector<16xi32>
        %and3A_915 = arith.constant 16383 : i32
        %and3A_916 = vector.broadcast %and3A_915 : i32 to vector<16xi32>
        %and3A_917 = arith.andi %get3A_914, %and3A_916 : vector<16xi32>
        %swap3A_918 = arith.constant 1 : i32
        %swap3A_919 = arith.index_cast %swap3A_918 : i32 to index
        %swap3A_920 = arith.constant 16 : index
        %swap3A_921 = tpu.vector_load %arg6[%swap3A_919, %swap3A_920] {strides = array<i32>} : memref<6x40xi32, #tpu.memory_space<vmem>>, vector<1x16xi32>,
        %swap3A_922 = vector.shape_cast %swap3A_921 : vector<1x16xi32> to vector<16xi32>
        %swap3A_923 = vector.shape_cast %and3A_917 : vector<16xi32> to vector<1x16xi32>
        tpu.vector_store %arg6[%swap3A_919, %swap3A_920], %swap3A_923 {strides = array<i32>} : memref<6x40xi32, #tpu.memory_space<vmem>>, vector<1x16xi32>,
        %shift_right_logical3A_924 = arith.constant 14 : i32
        %shift_right_logical3A_925 = vector.broadcast %shift_right_logical3A_924 : i32 to vector<16xi32>
        %shift_right_logical3A_926 = arith.shrui %get3A_914, %shift_right_logical3A_925 : vector<16xi32>
        %swap3A_927 = arith.constant 1 : i32
        %swap3A_928 = arith.index_cast %swap3A_927 : i32 to index
        %swap3A_929 = arith.constant 16 : index
        %swap3A_930 = tpu.vector_load %arg7[%swap3A_928, %swap3A_929] {strides = array<i32>} : memref<6x40xi32, #tpu.memory_space<vmem>>, vector<1x16xi32>,
        %swap3A_931 = vector.shape_cast %swap3A_930 : vector<1x16xi32> to vector<16xi32>
        %swap3A_932 = vector.shape_cast %shift_right_logical3A_926 : vector<16xi32> to vector<1x16xi32>
        tpu.vector_store %arg7[%swap3A_928, %swap3A_929], %swap3A_932 {strides = array<i32>} : memref<6x40xi32, #tpu.memory_space<vmem>>, vector<1x16xi32>,
        %mul3A_933 = arith.constant 40 : i32
        %mul3A_934 = arith.muli %add3A_882, %mul3A_933 : i32
        %add3A_935 = arith.constant 24 : i32
        %add3A_936 = arith.addi %mul3A_934, %add3A_935 : i32
        %get3A_937 = arith.index_cast %add3A_936 : i32 to index
        %get3A_938 = tpu.vector_load %arg5[%get3A_937] {strides = array<i32>} : memref<10000xi32, #tpu.memory_space<vmem>>, vector<16xi32>,
        %get3A_939 = vector.shape_cast %get3A_938 : vector<16xi32> to vector<16xi32>
        %and3A_940 = arith.constant 16383 : i32
        %and3A_941 = vector.broadcast %and3A_940 : i32 to vector<16xi32>
        %and3A_942 = arith.andi %get3A_939, %and3A_941 : vector<16xi32>
        %swap3A_943 = arith.constant 1 : i32
        %swap3A_944 = arith.index_cast %swap3A_943 : i32 to index
        %swap3A_945 = arith.constant 24 : index
        %swap3A_946 = tpu.vector_load %arg6[%swap3A_944, %swap3A_945] {strides = array<i32>} : memref<6x40xi32, #tpu.memory_space<vmem>>, vector<1x16xi32>,
        %swap3A_947 = vector.shape_cast %swap3A_946 : vector<1x16xi32> to vector<16xi32>
        %swap3A_948 = vector.shape_cast %and3A_942 : vector<16xi32> to vector<1x16xi32>
        tpu.vector_store %arg6[%swap3A_944, %swap3A_945], %swap3A_948 {strides = array<i32>} : memref<6x40xi32, #tpu.memory_space<vmem>>, vector<1x16xi32>,
        %shift_right_logical3A_949 = arith.constant 14 : i32
        %shift_right_logical3A_950 = vector.broadcast %shift_right_logical3A_949 : i32 to vector<16xi32>
        %shift_right_logical3A_951 = arith.shrui %get3A_939, %shift_right_logical3A_950 : vector<16xi32>
        %swap3A_952 = arith.constant 1 : i32
        %swap3A_953 = arith.index_cast %swap3A_952 : i32 to index
        %swap3A_954 = arith.constant 24 : index
        %swap3A_955 = tpu.vector_load %arg7[%swap3A_953, %swap3A_954] {strides = array<i32>} : memref<6x40xi32, #tpu.memory_space<vmem>>, vector<1x16xi32>,
        %swap3A_956 = vector.shape_cast %swap3A_955 : vector<1x16xi32> to vector<16xi32>
        %swap3A_957 = vector.shape_cast %shift_right_logical3A_951 : vector<16xi32> to vector<1x16xi32>
        tpu.vector_store %arg7[%swap3A_953, %swap3A_954], %swap3A_957 {strides = array<i32>} : memref<6x40xi32, #tpu.memory_space<vmem>>, vector<1x16xi32>,
        %dma_start3A_958 = arith.constant 1 : i32
        %dma_start3A_959 = arith.constant 1 : i32
        %dma_start3A_960 = arith.constant 0 : i32
        %dma_start3A_961 = arith.constant 0 : i32
        %dma_start3A_962 = tpu.memref_slice %arg8[%dma_start3A_959, %dma_start3A_960, %dma_start3A_961] : memref<6x40x128xf32, #tpu.memory_space<vmem>> -> memref<1x40x128xf32, #tpu.memory_space<vmem>>
        %dma_start3A_963 = tpu.memref_squeeze %dma_start3A_962 : memref<1x40x128xf32, #tpu.memory_space<vmem>> -> memref<40x128xf32, #tpu.memory_space<vmem>>
        %dma_start3A_964 = arith.constant 0 : i32
        %dma_start3A_965 = tpu.memref_slice %arg6[%dma_start3A_958, %dma_start3A_964] : memref<6x40xi32, #tpu.memory_space<vmem>> -> memref<1x40xi32, #tpu.memory_space<vmem>>
        %dma_start3A_966 = tpu.memref_squeeze %dma_start3A_965 : memref<1x40xi32, #tpu.memory_space<vmem>> -> memref<40xi32, #tpu.memory_space<vmem>>
        %dma_start3A_967 = arith.constant 0 : i32
        %dma_start3A_968 = arith.constant 0 : i32
        %dma_start3A_969 = tpu.memref_slice %arg2[%dma_start3A_967, %dma_start3A_968] : memref<10000x128xf32, #tpu.memory_space<hbm>> -> memref<10000x128xf32, #tpu.memory_space<hbm>>
        tpu.enqueue_indirect_dma source(%dma_start3A_969 : memref<10000x128xf32, #tpu.memory_space<hbm>>) target(%dma_start3A_963 : memref<40x128xf32, #tpu.memory_space<vmem>>) offsets(%dma_start3A_966 : memref<40xi32, #tpu.memory_space<vmem>>) semaphore(%arg11 : memref<!tpu.dma_semaphore, #tpu.memory_space<semaphore_mem>>)
      } else {
      }
      %dma_wait3A_795 = arith.constant 2 : i32
      %dma_wait3A_796 = arith.constant 2 : i32
      %dma_wait3A_797 = arith.constant 0 : i32
      %dma_wait3A_798 = arith.constant 0 : i32
      %dma_wait3A_799 = tpu.memref_slice %arg8[%dma_wait3A_795, %dma_wait3A_797, %dma_wait3A_798] : memref<6x40x128xf32, #tpu.memory_space<vmem>> -> memref<1x40x128xf32, #tpu.memory_space<vmem>>
      %dma_wait3A_800 = tpu.memref_squeeze %dma_wait3A_799 : memref<1x40x128xf32, #tpu.memory_space<vmem>> -> memref<40x128xf32, #tpu.memory_space<vmem>>
      %dma_wait3A_801 = arith.constant 0 : i32
      %dma_wait3A_802 = tpu.memref_slice %arg7[%dma_wait3A_796, %dma_wait3A_801] : memref<6x40xi32, #tpu.memory_space<vmem>> -> memref<1x40xi32, #tpu.memory_space<vmem>>
      %dma_wait3A_803 = tpu.memref_squeeze %dma_wait3A_802 : memref<1x40xi32, #tpu.memory_space<vmem>> -> memref<40xi32, #tpu.memory_space<vmem>>
      %dma_wait3A_804 = arith.constant 0 : i32
      %dma_wait3A_805 = arith.constant 0 : i32
      %dma_wait3A_806 = tpu.memref_slice %arg9[%dma_wait3A_804, %dma_wait3A_805] : memref<10000x128xf32, #tpu.memory_space<vmem_shared>> -> memref<10000x128xf32, #tpu.memory_space<vmem_shared>>
      tpu.wait_indirect_dma semaphore(%arg18 : memref<!tpu.dma_semaphore, #tpu.memory_space<semaphore_mem>>) src(%dma_wait3A_800 : memref<40x128xf32, #tpu.memory_space<vmem>>) dst(%dma_wait3A_806 : memref<10000x128xf32, #tpu.memory_space<vmem_shared>>)
      %add3A_807 = arith.constant 2 : i32
      %add3A_808 = arith.addi %mul3A_609, %add3A_807 : i32
      %add3A_809 = arith.constant 6 : i32
      %add3A_810 = arith.addi %add3A_808, %add3A_809 : i32
      %lt3A_811 = arith.constant 250 : i32
      %lt3A_812 = arith.cmpi slt, %add3A_810, %lt3A_811 : i32
      %convert_element_type3A_813 = arith.extui %lt3A_812 : i1 to i32
      %cond3A_814 = arith.constant 0 : i32
      %cond3A_815 = arith.cmpi ne, %convert_element_type3A_813, %cond3A_814 : i32
      scf.if %cond3A_815 {
        %add3A_879 = arith.constant 2 : i32
        %add3A_880 = arith.addi %mul3A_609, %add3A_879 : i32
        %add3A_881 = arith.constant 6 : i32
        %add3A_882 = arith.addi %add3A_880, %add3A_881 : i32
        %mul3A_883 = arith.constant 40 : i32
        %mul3A_884 = arith.muli %add3A_882, %mul3A_883 : i32
        %add3A_885 = arith.constant 0 : i32
        %add3A_886 = arith.addi %mul3A_884, %add3A_885 : i32
        %get3A_887 = arith.index_cast %add3A_886 : i32 to index
        %get3A_888 = tpu.vector_load %arg5[%get3A_887] {strides = array<i32>} : memref<10000xi32, #tpu.memory_space<vmem>>, vector<16xi32>,
        %get3A_889 = vector.shape_cast %get3A_888 : vector<16xi32> to vector<16xi32>
        %and3A_890 = arith.constant 16383 : i32
        %and3A_891 = vector.broadcast %and3A_890 : i32 to vector<16xi32>
        %and3A_892 = arith.andi %get3A_889, %and3A_891 : vector<16xi32>
        %swap3A_893 = arith.constant 2 : i32
        %swap3A_894 = arith.index_cast %swap3A_893 : i32 to index
        %swap3A_895 = arith.constant 0 : index
        %swap3A_896 = tpu.vector_load %arg6[%swap3A_894, %swap3A_895] {strides = array<i32>} : memref<6x40xi32, #tpu.memory_space<vmem>>, vector<1x16xi32>,
        %swap3A_897 = vector.shape_cast %swap3A_896 : vector<1x16xi32> to vector<16xi32>
        %swap3A_898 = vector.shape_cast %and3A_892 : vector<16xi32> to vector<1x16xi32>
        tpu.vector_store %arg6[%swap3A_894, %swap3A_895], %swap3A_898 {strides = array<i32>} : memref<6x40xi32, #tpu.memory_space<vmem>>, vector<1x16xi32>,
        %shift_right_logical3A_899 = arith.constant 14 : i32
        %shift_right_logical3A_900 = vector.broadcast %shift_right_logical3A_899 : i32 to vector<16xi32>
        %shift_right_logical3A_901 = arith.shrui %get3A_889, %shift_right_logical3A_900 : vector<16xi32>
        %swap3A_902 = arith.constant 2 : i32
        %swap3A_903 = arith.index_cast %swap3A_902 : i32 to index
        %swap3A_904 = arith.constant 0 : index
        %swap3A_905 = tpu.vector_load %arg7[%swap3A_903, %swap3A_904] {strides = array<i32>} : memref<6x40xi32, #tpu.memory_space<vmem>>, vector<1x16xi32>,
        %swap3A_906 = vector.shape_cast %swap3A_905 : vector<1x16xi32> to vector<16xi32>
        %swap3A_907 = vector.shape_cast %shift_right_logical3A_901 : vector<16xi32> to vector<1x16xi32>
        tpu.vector_store %arg7[%swap3A_903, %swap3A_904], %swap3A_907 {strides = array<i32>} : memref<6x40xi32, #tpu.memory_space<vmem>>, vector<1x16xi32>,
        %mul3A_908 = arith.constant 40 : i32
        %mul3A_909 = arith.muli %add3A_882, %mul3A_908 : i32
        %add3A_910 = arith.constant 16 : i32
        %add3A_911 = arith.addi %mul3A_909, %add3A_910 : i32
        %get3A_912 = arith.index_cast %add3A_911 : i32 to index
        %get3A_913 = tpu.vector_load %arg5[%get3A_912] {strides = array<i32>} : memref<10000xi32, #tpu.memory_space<vmem>>, vector<16xi32>,
        %get3A_914 = vector.shape_cast %get3A_913 : vector<16xi32> to vector<16xi32>
        %and3A_915 = arith.constant 16383 : i32
        %and3A_916 = vector.broadcast %and3A_915 : i32 to vector<16xi32>
        %and3A_917 = arith.andi %get3A_914, %and3A_916 : vector<16xi32>
        %swap3A_918 = arith.constant 2 : i32
        %swap3A_919 = arith.index_cast %swap3A_918 : i32 to index
        %swap3A_920 = arith.constant 16 : index
        %swap3A_921 = tpu.vector_load %arg6[%swap3A_919, %swap3A_920] {strides = array<i32>} : memref<6x40xi32, #tpu.memory_space<vmem>>, vector<1x16xi32>,
        %swap3A_922 = vector.shape_cast %swap3A_921 : vector<1x16xi32> to vector<16xi32>
        %swap3A_923 = vector.shape_cast %and3A_917 : vector<16xi32> to vector<1x16xi32>
        tpu.vector_store %arg6[%swap3A_919, %swap3A_920], %swap3A_923 {strides = array<i32>} : memref<6x40xi32, #tpu.memory_space<vmem>>, vector<1x16xi32>,
        %shift_right_logical3A_924 = arith.constant 14 : i32
        %shift_right_logical3A_925 = vector.broadcast %shift_right_logical3A_924 : i32 to vector<16xi32>
        %shift_right_logical3A_926 = arith.shrui %get3A_914, %shift_right_logical3A_925 : vector<16xi32>
        %swap3A_927 = arith.constant 2 : i32
        %swap3A_928 = arith.index_cast %swap3A_927 : i32 to index
        %swap3A_929 = arith.constant 16 : index
        %swap3A_930 = tpu.vector_load %arg7[%swap3A_928, %swap3A_929] {strides = array<i32>} : memref<6x40xi32, #tpu.memory_space<vmem>>, vector<1x16xi32>,
        %swap3A_931 = vector.shape_cast %swap3A_930 : vector<1x16xi32> to vector<16xi32>
        %swap3A_932 = vector.shape_cast %shift_right_logical3A_926 : vector<16xi32> to vector<1x16xi32>
        tpu.vector_store %arg7[%swap3A_928, %swap3A_929], %swap3A_932 {strides = array<i32>} : memref<6x40xi32, #tpu.memory_space<vmem>>, vector<1x16xi32>,
        %mul3A_933 = arith.constant 40 : i32
        %mul3A_934 = arith.muli %add3A_882, %mul3A_933 : i32
        %add3A_935 = arith.constant 24 : i32
        %add3A_936 = arith.addi %mul3A_934, %add3A_935 : i32
        %get3A_937 = arith.index_cast %add3A_936 : i32 to index
        %get3A_938 = tpu.vector_load %arg5[%get3A_937] {strides = array<i32>} : memref<10000xi32, #tpu.memory_space<vmem>>, vector<16xi32>,
        %get3A_939 = vector.shape_cast %get3A_938 : vector<16xi32> to vector<16xi32>
        %and3A_940 = arith.constant 16383 : i32
        %and3A_941 = vector.broadcast %and3A_940 : i32 to vector<16xi32>
        %and3A_942 = arith.andi %get3A_939, %and3A_941 : vector<16xi32>
        %swap3A_943 = arith.constant 2 : i32
        %swap3A_944 = arith.index_cast %swap3A_943 : i32 to index
        %swap3A_945 = arith.constant 24 : index
        %swap3A_946 = tpu.vector_load %arg6[%swap3A_944, %swap3A_945] {strides = array<i32>} : memref<6x40xi32, #tpu.memory_space<vmem>>, vector<1x16xi32>,
        %swap3A_947 = vector.shape_cast %swap3A_946 : vector<1x16xi32> to vector<16xi32>
        %swap3A_948 = vector.shape_cast %and3A_942 : vector<16xi32> to vector<1x16xi32>
        tpu.vector_store %arg6[%swap3A_944, %swap3A_945], %swap3A_948 {strides = array<i32>} : memref<6x40xi32, #tpu.memory_space<vmem>>, vector<1x16xi32>,
        %shift_right_logical3A_949 = arith.constant 14 : i32
        %shift_right_logical3A_950 = vector.broadcast %shift_right_logical3A_949 : i32 to vector<16xi32>
        %shift_right_logical3A_951 = arith.shrui %get3A_939, %shift_right_logical3A_950 : vector<16xi32>
        %swap3A_952 = arith.constant 2 : i32
        %swap3A_953 = arith.index_cast %swap3A_952 : i32 to index
        %swap3A_954 = arith.constant 24 : index
        %swap3A_955 = tpu.vector_load %arg7[%swap3A_953, %swap3A_954] {strides = array<i32>} : memref<6x40xi32, #tpu.memory_space<vmem>>, vector<1x16xi32>,
        %swap3A_956 = vector.shape_cast %swap3A_955 : vector<1x16xi32> to vector<16xi32>
        %swap3A_957 = vector.shape_cast %shift_right_logical3A_951 : vector<16xi32> to vector<1x16xi32>
        tpu.vector_store %arg7[%swap3A_953, %swap3A_954], %swap3A_957 {strides = array<i32>} : memref<6x40xi32, #tpu.memory_space<vmem>>, vector<1x16xi32>,
        %dma_start3A_958 = arith.constant 2 : i32
        %dma_start3A_959 = arith.constant 2 : i32
        %dma_start3A_960 = arith.constant 0 : i32
        %dma_start3A_961 = arith.constant 0 : i32
        %dma_start3A_962 = tpu.memref_slice %arg8[%dma_start3A_959, %dma_start3A_960, %dma_start3A_961] : memref<6x40x128xf32, #tpu.memory_space<vmem>> -> memref<1x40x128xf32, #tpu.memory_space<vmem>>
        %dma_start3A_963 = tpu.memref_squeeze %dma_start3A_962 : memref<1x40x128xf32, #tpu.memory_space<vmem>> -> memref<40x128xf32, #tpu.memory_space<vmem>>
        %dma_start3A_964 = arith.constant 0 : i32
        %dma_start3A_965 = tpu.memref_slice %arg6[%dma_start3A_958, %dma_start3A_964] : memref<6x40xi32, #tpu.memory_space<vmem>> -> memref<1x40xi32, #tpu.memory_space<vmem>>
        %dma_start3A_966 = tpu.memref_squeeze %dma_start3A_965 : memref<1x40xi32, #tpu.memory_space<vmem>> -> memref<40xi32, #tpu.memory_space<vmem>>
        %dma_start3A_967 = arith.constant 0 : i32
        %dma_start3A_968 = arith.constant 0 : i32
        %dma_start3A_969 = tpu.memref_slice %arg2[%dma_start3A_967, %dma_start3A_968] : memref<10000x128xf32, #tpu.memory_space<hbm>> -> memref<10000x128xf32, #tpu.memory_space<hbm>>
        tpu.enqueue_indirect_dma source(%dma_start3A_969 : memref<10000x128xf32, #tpu.memory_space<hbm>>) target(%dma_start3A_963 : memref<40x128xf32, #tpu.memory_space<vmem>>) offsets(%dma_start3A_966 : memref<40xi32, #tpu.memory_space<vmem>>) semaphore(%arg12 : memref<!tpu.dma_semaphore, #tpu.memory_space<semaphore_mem>>)
      } else {
      }
      %dma_wait3A_816 = arith.constant 3 : i32
      %dma_wait3A_817 = arith.constant 3 : i32
      %dma_wait3A_818 = arith.constant 0 : i32
      %dma_wait3A_819 = arith.constant 0 : i32
      %dma_wait3A_820 = tpu.memref_slice %arg8[%dma_wait3A_816, %dma_wait3A_818, %dma_wait3A_819] : memref<6x40x128xf32, #tpu.memory_space<vmem>> -> memref<1x40x128xf32, #tpu.memory_space<vmem>>
      %dma_wait3A_821 = tpu.memref_squeeze %dma_wait3A_820 : memref<1x40x128xf32, #tpu.memory_space<vmem>> -> memref<40x128xf32, #tpu.memory_space<vmem>>
      %dma_wait3A_822 = arith.constant 0 : i32
      %dma_wait3A_823 = tpu.memref_slice %arg7[%dma_wait3A_817, %dma_wait3A_822] : memref<6x40xi32, #tpu.memory_space<vmem>> -> memref<1x40xi32, #tpu.memory_space<vmem>>
      %dma_wait3A_824 = tpu.memref_squeeze %dma_wait3A_823 : memref<1x40xi32, #tpu.memory_space<vmem>> -> memref<40xi32, #tpu.memory_space<vmem>>
      %dma_wait3A_825 = arith.constant 0 : i32
      %dma_wait3A_826 = arith.constant 0 : i32
      %dma_wait3A_827 = tpu.memref_slice %arg9[%dma_wait3A_825, %dma_wait3A_826] : memref<10000x128xf32, #tpu.memory_space<vmem_shared>> -> memref<10000x128xf32, #tpu.memory_space<vmem_shared>>
      tpu.wait_indirect_dma semaphore(%arg19 : memref<!tpu.dma_semaphore, #tpu.memory_space<semaphore_mem>>) src(%dma_wait3A_821 : memref<40x128xf32, #tpu.memory_space<vmem>>) dst(%dma_wait3A_827 : memref<10000x128xf32, #tpu.memory_space<vmem_shared>>)
      %add3A_828 = arith.constant 3 : i32
      %add3A_829 = arith.addi %mul3A_609, %add3A_828 : i32
      %add3A_830 = arith.constant 6 : i32
      %add3A_831 = arith.addi %add3A_829, %add3A_830 : i32
      %lt3A_832 = arith.constant 250 : i32
      %lt3A_833 = arith.cmpi slt, %add3A_831, %lt3A_832 : i32
      %convert_element_type3A_834 = arith.extui %lt3A_833 : i1 to i32
      %cond3A_835 = arith.constant 0 : i32
      %cond3A_836 = arith.cmpi ne, %convert_element_type3A_834, %cond3A_835 : i32
      scf.if %cond3A_836 {
        %add3A_879 = arith.constant 3 : i32
        %add3A_880 = arith.addi %mul3A_609, %add3A_879 : i32
        %add3A_881 = arith.constant 6 : i32
        %add3A_882 = arith.addi %add3A_880, %add3A_881 : i32
        %mul3A_883 = arith.constant 40 : i32
        %mul3A_884 = arith.muli %add3A_882, %mul3A_883 : i32
        %add3A_885 = arith.constant 0 : i32
        %add3A_886 = arith.addi %mul3A_884, %add3A_885 : i32
        %get3A_887 = arith.index_cast %add3A_886 : i32 to index
        %get3A_888 = tpu.vector_load %arg5[%get3A_887] {strides = array<i32>} : memref<10000xi32, #tpu.memory_space<vmem>>, vector<16xi32>,
        %get3A_889 = vector.shape_cast %get3A_888 : vector<16xi32> to vector<16xi32>
        %and3A_890 = arith.constant 16383 : i32
        %and3A_891 = vector.broadcast %and3A_890 : i32 to vector<16xi32>
        %and3A_892 = arith.andi %get3A_889, %and3A_891 : vector<16xi32>
        %swap3A_893 = arith.constant 3 : i32
        %swap3A_894 = arith.index_cast %swap3A_893 : i32 to index
        %swap3A_895 = arith.constant 0 : index
        %swap3A_896 = tpu.vector_load %arg6[%swap3A_894, %swap3A_895] {strides = array<i32>} : memref<6x40xi32, #tpu.memory_space<vmem>>, vector<1x16xi32>,
        %swap3A_897 = vector.shape_cast %swap3A_896 : vector<1x16xi32> to vector<16xi32>
        %swap3A_898 = vector.shape_cast %and3A_892 : vector<16xi32> to vector<1x16xi32>
        tpu.vector_store %arg6[%swap3A_894, %swap3A_895], %swap3A_898 {strides = array<i32>} : memref<6x40xi32, #tpu.memory_space<vmem>>, vector<1x16xi32>,
        %shift_right_logical3A_899 = arith.constant 14 : i32
        %shift_right_logical3A_900 = vector.broadcast %shift_right_logical3A_899 : i32 to vector<16xi32>
        %shift_right_logical3A_901 = arith.shrui %get3A_889, %shift_right_logical3A_900 : vector<16xi32>
        %swap3A_902 = arith.constant 3 : i32
        %swap3A_903 = arith.index_cast %swap3A_902 : i32 to index
        %swap3A_904 = arith.constant 0 : index
        %swap3A_905 = tpu.vector_load %arg7[%swap3A_903, %swap3A_904] {strides = array<i32>} : memref<6x40xi32, #tpu.memory_space<vmem>>, vector<1x16xi32>,
        %swap3A_906 = vector.shape_cast %swap3A_905 : vector<1x16xi32> to vector<16xi32>
        %swap3A_907 = vector.shape_cast %shift_right_logical3A_901 : vector<16xi32> to vector<1x16xi32>
        tpu.vector_store %arg7[%swap3A_903, %swap3A_904], %swap3A_907 {strides = array<i32>} : memref<6x40xi32, #tpu.memory_space<vmem>>, vector<1x16xi32>,
        %mul3A_908 = arith.constant 40 : i32
        %mul3A_909 = arith.muli %add3A_882, %mul3A_908 : i32
        %add3A_910 = arith.constant 16 : i32
        %add3A_911 = arith.addi %mul3A_909, %add3A_910 : i32
        %get3A_912 = arith.index_cast %add3A_911 : i32 to index
        %get3A_913 = tpu.vector_load %arg5[%get3A_912] {strides = array<i32>} : memref<10000xi32, #tpu.memory_space<vmem>>, vector<16xi32>,
        %get3A_914 = vector.shape_cast %get3A_913 : vector<16xi32> to vector<16xi32>
        %and3A_915 = arith.constant 16383 : i32
        %and3A_916 = vector.broadcast %and3A_915 : i32 to vector<16xi32>
        %and3A_917 = arith.andi %get3A_914, %and3A_916 : vector<16xi32>
        %swap3A_918 = arith.constant 3 : i32
        %swap3A_919 = arith.index_cast %swap3A_918 : i32 to index
        %swap3A_920 = arith.constant 16 : index
        %swap3A_921 = tpu.vector_load %arg6[%swap3A_919, %swap3A_920] {strides = array<i32>} : memref<6x40xi32, #tpu.memory_space<vmem>>, vector<1x16xi32>,
        %swap3A_922 = vector.shape_cast %swap3A_921 : vector<1x16xi32> to vector<16xi32>
        %swap3A_923 = vector.shape_cast %and3A_917 : vector<16xi32> to vector<1x16xi32>
        tpu.vector_store %arg6[%swap3A_919, %swap3A_920], %swap3A_923 {strides = array<i32>} : memref<6x40xi32, #tpu.memory_space<vmem>>, vector<1x16xi32>,
        %shift_right_logical3A_924 = arith.constant 14 : i32
        %shift_right_logical3A_925 = vector.broadcast %shift_right_logical3A_924 : i32 to vector<16xi32>
        %shift_right_logical3A_926 = arith.shrui %get3A_914, %shift_right_logical3A_925 : vector<16xi32>
        %swap3A_927 = arith.constant 3 : i32
        %swap3A_928 = arith.index_cast %swap3A_927 : i32 to index
        %swap3A_929 = arith.constant 16 : index
        %swap3A_930 = tpu.vector_load %arg7[%swap3A_928, %swap3A_929] {strides = array<i32>} : memref<6x40xi32, #tpu.memory_space<vmem>>, vector<1x16xi32>,
        %swap3A_931 = vector.shape_cast %swap3A_930 : vector<1x16xi32> to vector<16xi32>
        %swap3A_932 = vector.shape_cast %shift_right_logical3A_926 : vector<16xi32> to vector<1x16xi32>
        tpu.vector_store %arg7[%swap3A_928, %swap3A_929], %swap3A_932 {strides = array<i32>} : memref<6x40xi32, #tpu.memory_space<vmem>>, vector<1x16xi32>,
        %mul3A_933 = arith.constant 40 : i32
        %mul3A_934 = arith.muli %add3A_882, %mul3A_933 : i32
        %add3A_935 = arith.constant 24 : i32
        %add3A_936 = arith.addi %mul3A_934, %add3A_935 : i32
        %get3A_937 = arith.index_cast %add3A_936 : i32 to index
        %get3A_938 = tpu.vector_load %arg5[%get3A_937] {strides = array<i32>} : memref<10000xi32, #tpu.memory_space<vmem>>, vector<16xi32>,
        %get3A_939 = vector.shape_cast %get3A_938 : vector<16xi32> to vector<16xi32>
        %and3A_940 = arith.constant 16383 : i32
        %and3A_941 = vector.broadcast %and3A_940 : i32 to vector<16xi32>
        %and3A_942 = arith.andi %get3A_939, %and3A_941 : vector<16xi32>
        %swap3A_943 = arith.constant 3 : i32
        %swap3A_944 = arith.index_cast %swap3A_943 : i32 to index
        %swap3A_945 = arith.constant 24 : index
        %swap3A_946 = tpu.vector_load %arg6[%swap3A_944, %swap3A_945] {strides = array<i32>} : memref<6x40xi32, #tpu.memory_space<vmem>>, vector<1x16xi32>,
        %swap3A_947 = vector.shape_cast %swap3A_946 : vector<1x16xi32> to vector<16xi32>
        %swap3A_948 = vector.shape_cast %and3A_942 : vector<16xi32> to vector<1x16xi32>
        tpu.vector_store %arg6[%swap3A_944, %swap3A_945], %swap3A_948 {strides = array<i32>} : memref<6x40xi32, #tpu.memory_space<vmem>>, vector<1x16xi32>,
        %shift_right_logical3A_949 = arith.constant 14 : i32
        %shift_right_logical3A_950 = vector.broadcast %shift_right_logical3A_949 : i32 to vector<16xi32>
        %shift_right_logical3A_951 = arith.shrui %get3A_939, %shift_right_logical3A_950 : vector<16xi32>
        %swap3A_952 = arith.constant 3 : i32
        %swap3A_953 = arith.index_cast %swap3A_952 : i32 to index
        %swap3A_954 = arith.constant 24 : index
        %swap3A_955 = tpu.vector_load %arg7[%swap3A_953, %swap3A_954] {strides = array<i32>} : memref<6x40xi32, #tpu.memory_space<vmem>>, vector<1x16xi32>,
        %swap3A_956 = vector.shape_cast %swap3A_955 : vector<1x16xi32> to vector<16xi32>
        %swap3A_957 = vector.shape_cast %shift_right_logical3A_951 : vector<16xi32> to vector<1x16xi32>
        tpu.vector_store %arg7[%swap3A_953, %swap3A_954], %swap3A_957 {strides = array<i32>} : memref<6x40xi32, #tpu.memory_space<vmem>>, vector<1x16xi32>,
        %dma_start3A_958 = arith.constant 3 : i32
        %dma_start3A_959 = arith.constant 3 : i32
        %dma_start3A_960 = arith.constant 0 : i32
        %dma_start3A_961 = arith.constant 0 : i32
        %dma_start3A_962 = tpu.memref_slice %arg8[%dma_start3A_959, %dma_start3A_960, %dma_start3A_961] : memref<6x40x128xf32, #tpu.memory_space<vmem>> -> memref<1x40x128xf32, #tpu.memory_space<vmem>>
        %dma_start3A_963 = tpu.memref_squeeze %dma_start3A_962 : memref<1x40x128xf32, #tpu.memory_space<vmem>> -> memref<40x128xf32, #tpu.memory_space<vmem>>
        %dma_start3A_964 = arith.constant 0 : i32
        %dma_start3A_965 = tpu.memref_slice %arg6[%dma_start3A_958, %dma_start3A_964] : memref<6x40xi32, #tpu.memory_space<vmem>> -> memref<1x40xi32, #tpu.memory_space<vmem>>
        %dma_start3A_966 = tpu.memref_squeeze %dma_start3A_965 : memref<1x40xi32, #tpu.memory_space<vmem>> -> memref<40xi32, #tpu.memory_space<vmem>>
        %dma_start3A_967 = arith.constant 0 : i32
        %dma_start3A_968 = arith.constant 0 : i32
        %dma_start3A_969 = tpu.memref_slice %arg2[%dma_start3A_967, %dma_start3A_968] : memref<10000x128xf32, #tpu.memory_space<hbm>> -> memref<10000x128xf32, #tpu.memory_space<hbm>>
        tpu.enqueue_indirect_dma source(%dma_start3A_969 : memref<10000x128xf32, #tpu.memory_space<hbm>>) target(%dma_start3A_963 : memref<40x128xf32, #tpu.memory_space<vmem>>) offsets(%dma_start3A_966 : memref<40xi32, #tpu.memory_space<vmem>>) semaphore(%arg13 : memref<!tpu.dma_semaphore, #tpu.memory_space<semaphore_mem>>)
      } else {
      }
      %dma_wait3A_837 = arith.constant 4 : i32
      %dma_wait3A_838 = arith.constant 4 : i32
      %dma_wait3A_839 = arith.constant 0 : i32
      %dma_wait3A_840 = arith.constant 0 : i32
      %dma_wait3A_841 = tpu.memref_slice %arg8[%dma_wait3A_837, %dma_wait3A_839, %dma_wait3A_840] : memref<6x40x128xf32, #tpu.memory_space<vmem>> -> memref<1x40x128xf32, #tpu.memory_space<vmem>>
      %dma_wait3A_842 = tpu.memref_squeeze %dma_wait3A_841 : memref<1x40x128xf32, #tpu.memory_space<vmem>> -> memref<40x128xf32, #tpu.memory_space<vmem>>
      %dma_wait3A_843 = arith.constant 0 : i32
      %dma_wait3A_844 = tpu.memref_slice %arg7[%dma_wait3A_838, %dma_wait3A_843] : memref<6x40xi32, #tpu.memory_space<vmem>> -> memref<1x40xi32, #tpu.memory_space<vmem>>
      %dma_wait3A_845 = tpu.memref_squeeze %dma_wait3A_844 : memref<1x40xi32, #tpu.memory_space<vmem>> -> memref<40xi32, #tpu.memory_space<vmem>>
      %dma_wait3A_846 = arith.constant 0 : i32
      %dma_wait3A_847 = arith.constant 0 : i32
      %dma_wait3A_848 = tpu.memref_slice %arg9[%dma_wait3A_846, %dma_wait3A_847] : memref<10000x128xf32, #tpu.memory_space<vmem_shared>> -> memref<10000x128xf32, #tpu.memory_space<vmem_shared>>
      tpu.wait_indirect_dma semaphore(%arg20 : memref<!tpu.dma_semaphore, #tpu.memory_space<semaphore_mem>>) src(%dma_wait3A_842 : memref<40x128xf32, #tpu.memory_space<vmem>>) dst(%dma_wait3A_848 : memref<10000x128xf32, #tpu.memory_space<vmem_shared>>)
      %add3A_849 = arith.constant 4 : i32
      %add3A_850 = arith.addi %mul3A_609, %add3A_849 : i32
      %add3A_851 = arith.constant 6 : i32
      %add3A_852 = arith.addi %add3A_850, %add3A_851 : i32
      %lt3A_853 = arith.constant 250 : i32
      %lt3A_854 = arith.cmpi slt, %add3A_852, %lt3A_853 : i32
      %convert_element_type3A_855 = arith.extui %lt3A_854 : i1 to i32
      %cond3A_856 = arith.constant 0 : i32
      %cond3A_857 = arith.cmpi ne, %convert_element_type3A_855, %cond3A_856 : i32
      scf.if %cond3A_857 {
        %add3A_879 = arith.constant 4 : i32
        %add3A_880 = arith.addi %mul3A_609, %add3A_879 : i32
        %add3A_881 = arith.constant 6 : i32
        %add3A_882 = arith.addi %add3A_880, %add3A_881 : i32
        %mul3A_883 = arith.constant 40 : i32
        %mul3A_884 = arith.muli %add3A_882, %mul3A_883 : i32
        %add3A_885 = arith.constant 0 : i32
        %add3A_886 = arith.addi %mul3A_884, %add3A_885 : i32
        %get3A_887 = arith.index_cast %add3A_886 : i32 to index
        %get3A_888 = tpu.vector_load %arg5[%get3A_887] {strides = array<i32>} : memref<10000xi32, #tpu.memory_space<vmem>>, vector<16xi32>,
        %get3A_889 = vector.shape_cast %get3A_888 : vector<16xi32> to vector<16xi32>
        %and3A_890 = arith.constant 16383 : i32
        %and3A_891 = vector.broadcast %and3A_890 : i32 to vector<16xi32>
        %and3A_892 = arith.andi %get3A_889, %and3A_891 : vector<16xi32>
        %swap3A_893 = arith.constant 4 : i32
        %swap3A_894 = arith.index_cast %swap3A_893 : i32 to index
        %swap3A_895 = arith.constant 0 : index
        %swap3A_896 = tpu.vector_load %arg6[%swap3A_894, %swap3A_895] {strides = array<i32>} : memref<6x40xi32, #tpu.memory_space<vmem>>, vector<1x16xi32>,
        %swap3A_897 = vector.shape_cast %swap3A_896 : vector<1x16xi32> to vector<16xi32>
        %swap3A_898 = vector.shape_cast %and3A_892 : vector<16xi32> to vector<1x16xi32>
        tpu.vector_store %arg6[%swap3A_894, %swap3A_895], %swap3A_898 {strides = array<i32>} : memref<6x40xi32, #tpu.memory_space<vmem>>, vector<1x16xi32>,
        %shift_right_logical3A_899 = arith.constant 14 : i32
        %shift_right_logical3A_900 = vector.broadcast %shift_right_logical3A_899 : i32 to vector<16xi32>
        %shift_right_logical3A_901 = arith.shrui %get3A_889, %shift_right_logical3A_900 : vector<16xi32>
        %swap3A_902 = arith.constant 4 : i32
        %swap3A_903 = arith.index_cast %swap3A_902 : i32 to index
        %swap3A_904 = arith.constant 0 : index
        %swap3A_905 = tpu.vector_load %arg7[%swap3A_903, %swap3A_904] {strides = array<i32>} : memref<6x40xi32, #tpu.memory_space<vmem>>, vector<1x16xi32>,
        %swap3A_906 = vector.shape_cast %swap3A_905 : vector<1x16xi32> to vector<16xi32>
        %swap3A_907 = vector.shape_cast %shift_right_logical3A_901 : vector<16xi32> to vector<1x16xi32>
        tpu.vector_store %arg7[%swap3A_903, %swap3A_904], %swap3A_907 {strides = array<i32>} : memref<6x40xi32, #tpu.memory_space<vmem>>, vector<1x16xi32>,
        %mul3A_908 = arith.constant 40 : i32
        %mul3A_909 = arith.muli %add3A_882, %mul3A_908 : i32
        %add3A_910 = arith.constant 16 : i32
        %add3A_911 = arith.addi %mul3A_909, %add3A_910 : i32
        %get3A_912 = arith.index_cast %add3A_911 : i32 to index
        %get3A_913 = tpu.vector_load %arg5[%get3A_912] {strides = array<i32>} : memref<10000xi32, #tpu.memory_space<vmem>>, vector<16xi32>,
        %get3A_914 = vector.shape_cast %get3A_913 : vector<16xi32> to vector<16xi32>
        %and3A_915 = arith.constant 16383 : i32
        %and3A_916 = vector.broadcast %and3A_915 : i32 to vector<16xi32>
        %and3A_917 = arith.andi %get3A_914, %and3A_916 : vector<16xi32>
        %swap3A_918 = arith.constant 4 : i32
        %swap3A_919 = arith.index_cast %swap3A_918 : i32 to index
        %swap3A_920 = arith.constant 16 : index
        %swap3A_921 = tpu.vector_load %arg6[%swap3A_919, %swap3A_920] {strides = array<i32>} : memref<6x40xi32, #tpu.memory_space<vmem>>, vector<1x16xi32>,
        %swap3A_922 = vector.shape_cast %swap3A_921 : vector<1x16xi32> to vector<16xi32>
        %swap3A_923 = vector.shape_cast %and3A_917 : vector<16xi32> to vector<1x16xi32>
        tpu.vector_store %arg6[%swap3A_919, %swap3A_920], %swap3A_923 {strides = array<i32>} : memref<6x40xi32, #tpu.memory_space<vmem>>, vector<1x16xi32>,
        %shift_right_logical3A_924 = arith.constant 14 : i32
        %shift_right_logical3A_925 = vector.broadcast %shift_right_logical3A_924 : i32 to vector<16xi32>
        %shift_right_logical3A_926 = arith.shrui %get3A_914, %shift_right_logical3A_925 : vector<16xi32>
        %swap3A_927 = arith.constant 4 : i32
        %swap3A_928 = arith.index_cast %swap3A_927 : i32 to index
        %swap3A_929 = arith.constant 16 : index
        %swap3A_930 = tpu.vector_load %arg7[%swap3A_928, %swap3A_929] {strides = array<i32>} : memref<6x40xi32, #tpu.memory_space<vmem>>, vector<1x16xi32>,
        %swap3A_931 = vector.shape_cast %swap3A_930 : vector<1x16xi32> to vector<16xi32>
        %swap3A_932 = vector.shape_cast %shift_right_logical3A_926 : vector<16xi32> to vector<1x16xi32>
        tpu.vector_store %arg7[%swap3A_928, %swap3A_929], %swap3A_932 {strides = array<i32>} : memref<6x40xi32, #tpu.memory_space<vmem>>, vector<1x16xi32>,
        %mul3A_933 = arith.constant 40 : i32
        %mul3A_934 = arith.muli %add3A_882, %mul3A_933 : i32
        %add3A_935 = arith.constant 24 : i32
        %add3A_936 = arith.addi %mul3A_934, %add3A_935 : i32
        %get3A_937 = arith.index_cast %add3A_936 : i32 to index
        %get3A_938 = tpu.vector_load %arg5[%get3A_937] {strides = array<i32>} : memref<10000xi32, #tpu.memory_space<vmem>>, vector<16xi32>,
        %get3A_939 = vector.shape_cast %get3A_938 : vector<16xi32> to vector<16xi32>
        %and3A_940 = arith.constant 16383 : i32
        %and3A_941 = vector.broadcast %and3A_940 : i32 to vector<16xi32>
        %and3A_942 = arith.andi %get3A_939, %and3A_941 : vector<16xi32>
        %swap3A_943 = arith.constant 4 : i32
        %swap3A_944 = arith.index_cast %swap3A_943 : i32 to index
        %swap3A_945 = arith.constant 24 : index
        %swap3A_946 = tpu.vector_load %arg6[%swap3A_944, %swap3A_945] {strides = array<i32>} : memref<6x40xi32, #tpu.memory_space<vmem>>, vector<1x16xi32>,
        %swap3A_947 = vector.shape_cast %swap3A_946 : vector<1x16xi32> to vector<16xi32>
        %swap3A_948 = vector.shape_cast %and3A_942 : vector<16xi32> to vector<1x16xi32>
        tpu.vector_store %arg6[%swap3A_944, %swap3A_945], %swap3A_948 {strides = array<i32>} : memref<6x40xi32, #tpu.memory_space<vmem>>, vector<1x16xi32>,
        %shift_right_logical3A_949 = arith.constant 14 : i32
        %shift_right_logical3A_950 = vector.broadcast %shift_right_logical3A_949 : i32 to vector<16xi32>
        %shift_right_logical3A_951 = arith.shrui %get3A_939, %shift_right_logical3A_950 : vector<16xi32>
        %swap3A_952 = arith.constant 4 : i32
        %swap3A_953 = arith.index_cast %swap3A_952 : i32 to index
        %swap3A_954 = arith.constant 24 : index
        %swap3A_955 = tpu.vector_load %arg7[%swap3A_953, %swap3A_954] {strides = array<i32>} : memref<6x40xi32, #tpu.memory_space<vmem>>, vector<1x16xi32>,
        %swap3A_956 = vector.shape_cast %swap3A_955 : vector<1x16xi32> to vector<16xi32>
        %swap3A_957 = vector.shape_cast %shift_right_logical3A_951 : vector<16xi32> to vector<1x16xi32>
        tpu.vector_store %arg7[%swap3A_953, %swap3A_954], %swap3A_957 {strides = array<i32>} : memref<6x40xi32, #tpu.memory_space<vmem>>, vector<1x16xi32>,
        %dma_start3A_958 = arith.constant 4 : i32
        %dma_start3A_959 = arith.constant 4 : i32
        %dma_start3A_960 = arith.constant 0 : i32
        %dma_start3A_961 = arith.constant 0 : i32
        %dma_start3A_962 = tpu.memref_slice %arg8[%dma_start3A_959, %dma_start3A_960, %dma_start3A_961] : memref<6x40x128xf32, #tpu.memory_space<vmem>> -> memref<1x40x128xf32, #tpu.memory_space<vmem>>
        %dma_start3A_963 = tpu.memref_squeeze %dma_start3A_962 : memref<1x40x128xf32, #tpu.memory_space<vmem>> -> memref<40x128xf32, #tpu.memory_space<vmem>>
        %dma_start3A_964 = arith.constant 0 : i32
        %dma_start3A_965 = tpu.memref_slice %arg6[%dma_start3A_958, %dma_start3A_964] : memref<6x40xi32, #tpu.memory_space<vmem>> -> memref<1x40xi32, #tpu.memory_space<vmem>>
        %dma_start3A_966 = tpu.memref_squeeze %dma_start3A_965 : memref<1x40xi32, #tpu.memory_space<vmem>> -> memref<40xi32, #tpu.memory_space<vmem>>
        %dma_start3A_967 = arith.constant 0 : i32
        %dma_start3A_968 = arith.constant 0 : i32
        %dma_start3A_969 = tpu.memref_slice %arg2[%dma_start3A_967, %dma_start3A_968] : memref<10000x128xf32, #tpu.memory_space<hbm>> -> memref<10000x128xf32, #tpu.memory_space<hbm>>
        tpu.enqueue_indirect_dma source(%dma_start3A_969 : memref<10000x128xf32, #tpu.memory_space<hbm>>) target(%dma_start3A_963 : memref<40x128xf32, #tpu.memory_space<vmem>>) offsets(%dma_start3A_966 : memref<40xi32, #tpu.memory_space<vmem>>) semaphore(%arg14 : memref<!tpu.dma_semaphore, #tpu.memory_space<semaphore_mem>>)
      } else {
      }
      %dma_wait3A_858 = arith.constant 5 : i32
      %dma_wait3A_859 = arith.constant 5 : i32
      %dma_wait3A_860 = arith.constant 0 : i32
      %dma_wait3A_861 = arith.constant 0 : i32
      %dma_wait3A_862 = tpu.memref_slice %arg8[%dma_wait3A_858, %dma_wait3A_860, %dma_wait3A_861] : memref<6x40x128xf32, #tpu.memory_space<vmem>> -> memref<1x40x128xf32, #tpu.memory_space<vmem>>
      %dma_wait3A_863 = tpu.memref_squeeze %dma_wait3A_862 : memref<1x40x128xf32, #tpu.memory_space<vmem>> -> memref<40x128xf32, #tpu.memory_space<vmem>>
      %dma_wait3A_864 = arith.constant 0 : i32
      %dma_wait3A_865 = tpu.memref_slice %arg7[%dma_wait3A_859, %dma_wait3A_864] : memref<6x40xi32, #tpu.memory_space<vmem>> -> memref<1x40xi32, #tpu.memory_space<vmem>>
      %dma_wait3A_866 = tpu.memref_squeeze %dma_wait3A_865 : memref<1x40xi32, #tpu.memory_space<vmem>> -> memref<40xi32, #tpu.memory_space<vmem>>
      %dma_wait3A_867 = arith.constant 0 : i32
      %dma_wait3A_868 = arith.constant 0 : i32
      %dma_wait3A_869 = tpu.memref_slice %arg9[%dma_wait3A_867, %dma_wait3A_868] : memref<10000x128xf32, #tpu.memory_space<vmem_shared>> -> memref<10000x128xf32, #tpu.memory_space<vmem_shared>>
      tpu.wait_indirect_dma semaphore(%arg21 : memref<!tpu.dma_semaphore, #tpu.memory_space<semaphore_mem>>) src(%dma_wait3A_863 : memref<40x128xf32, #tpu.memory_space<vmem>>) dst(%dma_wait3A_869 : memref<10000x128xf32, #tpu.memory_space<vmem_shared>>)
      %add3A_870 = arith.constant 5 : i32
      %add3A_871 = arith.addi %mul3A_609, %add3A_870 : i32
      %add3A_872 = arith.constant 6 : i32
      %add3A_873 = arith.addi %add3A_871, %add3A_872 : i32
      %lt3A_874 = arith.constant 250 : i32
      %lt3A_875 = arith.cmpi slt, %add3A_873, %lt3A_874 : i32
      %convert_element_type3A_876 = arith.extui %lt3A_875 : i1 to i32
      %cond3A_877 = arith.constant 0 : i32
      %cond3A_878 = arith.cmpi ne, %convert_element_type3A_876, %cond3A_877 : i32
      scf.if %cond3A_878 {
        %add3A_879 = arith.constant 5 : i32
        %add3A_880 = arith.addi %mul3A_609, %add3A_879 : i32
        %add3A_881 = arith.constant 6 : i32
        %add3A_882 = arith.addi %add3A_880, %add3A_881 : i32
        %mul3A_883 = arith.constant 40 : i32
        %mul3A_884 = arith.muli %add3A_882, %mul3A_883 : i32
        %add3A_885 = arith.constant 0 : i32
        %add3A_886 = arith.addi %mul3A_884, %add3A_885 : i32
        %get3A_887 = arith.index_cast %add3A_886 : i32 to index
        %get3A_888 = tpu.vector_load %arg5[%get3A_887] {strides = array<i32>} : memref<10000xi32, #tpu.memory_space<vmem>>, vector<16xi32>,
        %get3A_889 = vector.shape_cast %get3A_888 : vector<16xi32> to vector<16xi32>
        %and3A_890 = arith.constant 16383 : i32
        %and3A_891 = vector.broadcast %and3A_890 : i32 to vector<16xi32>
        %and3A_892 = arith.andi %get3A_889, %and3A_891 : vector<16xi32>
        %swap3A_893 = arith.constant 5 : i32
        %swap3A_894 = arith.index_cast %swap3A_893 : i32 to index
        %swap3A_895 = arith.constant 0 : index
        %swap3A_896 = tpu.vector_load %arg6[%swap3A_894, %swap3A_895] {strides = array<i32>} : memref<6x40xi32, #tpu.memory_space<vmem>>, vector<1x16xi32>,
        %swap3A_897 = vector.shape_cast %swap3A_896 : vector<1x16xi32> to vector<16xi32>
        %swap3A_898 = vector.shape_cast %and3A_892 : vector<16xi32> to vector<1x16xi32>
        tpu.vector_store %arg6[%swap3A_894, %swap3A_895], %swap3A_898 {strides = array<i32>} : memref<6x40xi32, #tpu.memory_space<vmem>>, vector<1x16xi32>,
        %shift_right_logical3A_899 = arith.constant 14 : i32
        %shift_right_logical3A_900 = vector.broadcast %shift_right_logical3A_899 : i32 to vector<16xi32>
        %shift_right_logical3A_901 = arith.shrui %get3A_889, %shift_right_logical3A_900 : vector<16xi32>
        %swap3A_902 = arith.constant 5 : i32
        %swap3A_903 = arith.index_cast %swap3A_902 : i32 to index
        %swap3A_904 = arith.constant 0 : index
        %swap3A_905 = tpu.vector_load %arg7[%swap3A_903, %swap3A_904] {strides = array<i32>} : memref<6x40xi32, #tpu.memory_space<vmem>>, vector<1x16xi32>,
        %swap3A_906 = vector.shape_cast %swap3A_905 : vector<1x16xi32> to vector<16xi32>
        %swap3A_907 = vector.shape_cast %shift_right_logical3A_901 : vector<16xi32> to vector<1x16xi32>
        tpu.vector_store %arg7[%swap3A_903, %swap3A_904], %swap3A_907 {strides = array<i32>} : memref<6x40xi32, #tpu.memory_space<vmem>>, vector<1x16xi32>,
        %mul3A_908 = arith.constant 40 : i32
        %mul3A_909 = arith.muli %add3A_882, %mul3A_908 : i32
        %add3A_910 = arith.constant 16 : i32
        %add3A_911 = arith.addi %mul3A_909, %add3A_910 : i32
        %get3A_912 = arith.index_cast %add3A_911 : i32 to index
        %get3A_913 = tpu.vector_load %arg5[%get3A_912] {strides = array<i32>} : memref<10000xi32, #tpu.memory_space<vmem>>, vector<16xi32>,
        %get3A_914 = vector.shape_cast %get3A_913 : vector<16xi32> to vector<16xi32>
        %and3A_915 = arith.constant 16383 : i32
        %and3A_916 = vector.broadcast %and3A_915 : i32 to vector<16xi32>
        %and3A_917 = arith.andi %get3A_914, %and3A_916 : vector<16xi32>
        %swap3A_918 = arith.constant 5 : i32
        %swap3A_919 = arith.index_cast %swap3A_918 : i32 to index
        %swap3A_920 = arith.constant 16 : index
        %swap3A_921 = tpu.vector_load %arg6[%swap3A_919, %swap3A_920] {strides = array<i32>} : memref<6x40xi32, #tpu.memory_space<vmem>>, vector<1x16xi32>,
        %swap3A_922 = vector.shape_cast %swap3A_921 : vector<1x16xi32> to vector<16xi32>
        %swap3A_923 = vector.shape_cast %and3A_917 : vector<16xi32> to vector<1x16xi32>
        tpu.vector_store %arg6[%swap3A_919, %swap3A_920], %swap3A_923 {strides = array<i32>} : memref<6x40xi32, #tpu.memory_space<vmem>>, vector<1x16xi32>,
        %shift_right_logical3A_924 = arith.constant 14 : i32
        %shift_right_logical3A_925 = vector.broadcast %shift_right_logical3A_924 : i32 to vector<16xi32>
        %shift_right_logical3A_926 = arith.shrui %get3A_914, %shift_right_logical3A_925 : vector<16xi32>
        %swap3A_927 = arith.constant 5 : i32
        %swap3A_928 = arith.index_cast %swap3A_927 : i32 to index
        %swap3A_929 = arith.constant 16 : index
        %swap3A_930 = tpu.vector_load %arg7[%swap3A_928, %swap3A_929] {strides = array<i32>} : memref<6x40xi32, #tpu.memory_space<vmem>>, vector<1x16xi32>,
        %swap3A_931 = vector.shape_cast %swap3A_930 : vector<1x16xi32> to vector<16xi32>
        %swap3A_932 = vector.shape_cast %shift_right_logical3A_926 : vector<16xi32> to vector<1x16xi32>
        tpu.vector_store %arg7[%swap3A_928, %swap3A_929], %swap3A_932 {strides = array<i32>} : memref<6x40xi32, #tpu.memory_space<vmem>>, vector<1x16xi32>,
        %mul3A_933 = arith.constant 40 : i32
        %mul3A_934 = arith.muli %add3A_882, %mul3A_933 : i32
        %add3A_935 = arith.constant 24 : i32
        %add3A_936 = arith.addi %mul3A_934, %add3A_935 : i32
        %get3A_937 = arith.index_cast %add3A_936 : i32 to index
        %get3A_938 = tpu.vector_load %arg5[%get3A_937] {strides = array<i32>} : memref<10000xi32, #tpu.memory_space<vmem>>, vector<16xi32>,
        %get3A_939 = vector.shape_cast %get3A_938 : vector<16xi32> to vector<16xi32>
        %and3A_940 = arith.constant 16383 : i32
        %and3A_941 = vector.broadcast %and3A_940 : i32 to vector<16xi32>
        %and3A_942 = arith.andi %get3A_939, %and3A_941 : vector<16xi32>
        %swap3A_943 = arith.constant 5 : i32
        %swap3A_944 = arith.index_cast %swap3A_943 : i32 to index
        %swap3A_945 = arith.constant 24 : index
        %swap3A_946 = tpu.vector_load %arg6[%swap3A_944, %swap3A_945] {strides = array<i32>} : memref<6x40xi32, #tpu.memory_space<vmem>>, vector<1x16xi32>,
        %swap3A_947 = vector.shape_cast %swap3A_946 : vector<1x16xi32> to vector<16xi32>
        %swap3A_948 = vector.shape_cast %and3A_942 : vector<16xi32> to vector<1x16xi32>
        tpu.vector_store %arg6[%swap3A_944, %swap3A_945], %swap3A_948 {strides = array<i32>} : memref<6x40xi32, #tpu.memory_space<vmem>>, vector<1x16xi32>,
        %shift_right_logical3A_949 = arith.constant 14 : i32
        %shift_right_logical3A_950 = vector.broadcast %shift_right_logical3A_949 : i32 to vector<16xi32>
        %shift_right_logical3A_951 = arith.shrui %get3A_939, %shift_right_logical3A_950 : vector<16xi32>
        %swap3A_952 = arith.constant 5 : i32
        %swap3A_953 = arith.index_cast %swap3A_952 : i32 to index
        %swap3A_954 = arith.constant 24 : index
        %swap3A_955 = tpu.vector_load %arg7[%swap3A_953, %swap3A_954] {strides = array<i32>} : memref<6x40xi32, #tpu.memory_space<vmem>>, vector<1x16xi32>,
        %swap3A_956 = vector.shape_cast %swap3A_955 : vector<1x16xi32> to vector<16xi32>
        %swap3A_957 = vector.shape_cast %shift_right_logical3A_951 : vector<16xi32> to vector<1x16xi32>
        tpu.vector_store %arg7[%swap3A_953, %swap3A_954], %swap3A_957 {strides = array<i32>} : memref<6x40xi32, #tpu.memory_space<vmem>>, vector<1x16xi32>,
        %dma_start3A_958 = arith.constant 5 : i32
        %dma_start3A_959 = arith.constant 5 : i32
        %dma_start3A_960 = arith.constant 0 : i32
        %dma_start3A_961 = arith.constant 0 : i32
        %dma_start3A_962 = tpu.memref_slice %arg8[%dma_start3A_959, %dma_start3A_960, %dma_start3A_961] : memref<6x40x128xf32, #tpu.memory_space<vmem>> -> memref<1x40x128xf32, #tpu.memory_space<vmem>>
        %dma_start3A_963 = tpu.memref_squeeze %dma_start3A_962 : memref<1x40x128xf32, #tpu.memory_space<vmem>> -> memref<40x128xf32, #tpu.memory_space<vmem>>
        %dma_start3A_964 = arith.constant 0 : i32
        %dma_start3A_965 = tpu.memref_slice %arg6[%dma_start3A_958, %dma_start3A_964] : memref<6x40xi32, #tpu.memory_space<vmem>> -> memref<1x40xi32, #tpu.memory_space<vmem>>
        %dma_start3A_966 = tpu.memref_squeeze %dma_start3A_965 : memref<1x40xi32, #tpu.memory_space<vmem>> -> memref<40xi32, #tpu.memory_space<vmem>>
        %dma_start3A_967 = arith.constant 0 : i32
        %dma_start3A_968 = arith.constant 0 : i32
        %dma_start3A_969 = tpu.memref_slice %arg2[%dma_start3A_967, %dma_start3A_968] : memref<10000x128xf32, #tpu.memory_space<hbm>> -> memref<10000x128xf32, #tpu.memory_space<hbm>>
        tpu.enqueue_indirect_dma source(%dma_start3A_969 : memref<10000x128xf32, #tpu.memory_space<hbm>>) target(%dma_start3A_963 : memref<40x128xf32, #tpu.memory_space<vmem>>) offsets(%dma_start3A_966 : memref<40xi32, #tpu.memory_space<vmem>>) semaphore(%arg15 : memref<!tpu.dma_semaphore, #tpu.memory_space<semaphore_mem>>)
      } else {
      }
    }
    %scan3A_457 = arith.constant 41 : i32
    %dma_wait3A = arith.constant 0 : i32
    %dma_wait3A_458 = arith.constant 0 : i32
    %dma_wait3A_459 = arith.constant 0 : i32
    %dma_wait3A_460 = arith.constant 0 : i32
    %dma_wait3A_461 = tpu.memref_slice %arg8[%dma_wait3A_458, %dma_wait3A_459, %dma_wait3A_460] : memref<6x40x128xf32, #tpu.memory_space<vmem>> -> memref<1x40x128xf32, #tpu.memory_space<vmem>>
    %dma_wait3A_462 = tpu.memref_squeeze %dma_wait3A_461 : memref<1x40x128xf32, #tpu.memory_space<vmem>> -> memref<40x128xf32, #tpu.memory_space<vmem>>
    %dma_wait3A_463 = arith.constant 0 : i32
    %dma_wait3A_464 = tpu.memref_slice %arg6[%dma_wait3A, %dma_wait3A_463] : memref<6x40xi32, #tpu.memory_space<vmem>> -> memref<1x40xi32, #tpu.memory_space<vmem>>
    %dma_wait3A_465 = tpu.memref_squeeze %dma_wait3A_464 : memref<1x40xi32, #tpu.memory_space<vmem>> -> memref<40xi32, #tpu.memory_space<vmem>>
    %dma_wait3A_466 = arith.constant 0 : i32
    %dma_wait3A_467 = arith.constant 0 : i32
    %dma_wait3A_468 = tpu.memref_slice %arg2[%dma_wait3A_466, %dma_wait3A_467] : memref<10000x128xf32, #tpu.memory_space<hbm>> -> memref<10000x128xf32, #tpu.memory_space<hbm>>
    tpu.wait_indirect_dma semaphore(%arg10 : memref<!tpu.dma_semaphore, #tpu.memory_space<semaphore_mem>>) src(%dma_wait3A_468 : memref<10000x128xf32, #tpu.memory_space<hbm>>) dst(%dma_wait3A_462 : memref<40x128xf32, #tpu.memory_space<vmem>>)
    %dma_start3A_469 = arith.constant 0 : i32
    %dma_start3A_470 = arith.constant 0 : i32
    %dma_start3A_471 = arith.constant 0 : i32
    %dma_start3A_472 = arith.constant 0 : i32
    %dma_start3A_473 = tpu.memref_slice %arg8[%dma_start3A_469, %dma_start3A_471, %dma_start3A_472] : memref<6x40x128xf32, #tpu.memory_space<vmem>> -> memref<1x40x128xf32, #tpu.memory_space<vmem>>
    %dma_start3A_474 = tpu.memref_squeeze %dma_start3A_473 : memref<1x40x128xf32, #tpu.memory_space<vmem>> -> memref<40x128xf32, #tpu.memory_space<vmem>>
    %dma_start3A_475 = arith.constant 0 : i32
    %dma_start3A_476 = tpu.memref_slice %arg7[%dma_start3A_470, %dma_start3A_475] : memref<6x40xi32, #tpu.memory_space<vmem>> -> memref<1x40xi32, #tpu.memory_space<vmem>>
    %dma_start3A_477 = tpu.memref_squeeze %dma_start3A_476 : memref<1x40xi32, #tpu.memory_space<vmem>> -> memref<40xi32, #tpu.memory_space<vmem>>
    %dma_start3A_478 = arith.constant 0 : i32
    %dma_start3A_479 = arith.constant 0 : i32
    %dma_start3A_480 = tpu.memref_slice %arg9[%dma_start3A_478, %dma_start3A_479] : memref<10000x128xf32, #tpu.memory_space<vmem_shared>> -> memref<10000x128xf32, #tpu.memory_space<vmem_shared>>
    tpu.enqueue_indirect_dma source(%dma_start3A_474 : memref<40x128xf32, #tpu.memory_space<vmem>>) target(%dma_start3A_480 : memref<10000x128xf32, #tpu.memory_space<vmem_shared>>) offsets(%dma_start3A_477 : memref<40xi32, #tpu.memory_space<vmem>>) semaphore(%arg16 : memref<!tpu.dma_semaphore, #tpu.memory_space<semaphore_mem>>) {add = true}
    %dma_wait3A_481 = arith.constant 1 : i32
    %dma_wait3A_482 = arith.constant 1 : i32
    %dma_wait3A_483 = arith.constant 0 : i32
    %dma_wait3A_484 = arith.constant 0 : i32
    %dma_wait3A_485 = tpu.memref_slice %arg8[%dma_wait3A_482, %dma_wait3A_483, %dma_wait3A_484] : memref<6x40x128xf32, #tpu.memory_space<vmem>> -> memref<1x40x128xf32, #tpu.memory_space<vmem>>
    %dma_wait3A_486 = tpu.memref_squeeze %dma_wait3A_485 : memref<1x40x128xf32, #tpu.memory_space<vmem>> -> memref<40x128xf32, #tpu.memory_space<vmem>>
    %dma_wait3A_487 = arith.constant 0 : i32
    %dma_wait3A_488 = tpu.memref_slice %arg6[%dma_wait3A_481, %dma_wait3A_487] : memref<6x40xi32, #tpu.memory_space<vmem>> -> memref<1x40xi32, #tpu.memory_space<vmem>>
    %dma_wait3A_489 = tpu.memref_squeeze %dma_wait3A_488 : memref<1x40xi32, #tpu.memory_space<vmem>> -> memref<40xi32, #tpu.memory_space<vmem>>
    %dma_wait3A_490 = arith.constant 0 : i32
    %dma_wait3A_491 = arith.constant 0 : i32
    %dma_wait3A_492 = tpu.memref_slice %arg2[%dma_wait3A_490, %dma_wait3A_491] : memref<10000x128xf32, #tpu.memory_space<hbm>> -> memref<10000x128xf32, #tpu.memory_space<hbm>>
    tpu.wait_indirect_dma semaphore(%arg11 : memref<!tpu.dma_semaphore, #tpu.memory_space<semaphore_mem>>) src(%dma_wait3A_492 : memref<10000x128xf32, #tpu.memory_space<hbm>>) dst(%dma_wait3A_486 : memref<40x128xf32, #tpu.memory_space<vmem>>)
    %dma_start3A_493 = arith.constant 1 : i32
    %dma_start3A_494 = arith.constant 1 : i32
    %dma_start3A_495 = arith.constant 0 : i32
    %dma_start3A_496 = arith.constant 0 : i32
    %dma_start3A_497 = tpu.memref_slice %arg8[%dma_start3A_493, %dma_start3A_495, %dma_start3A_496] : memref<6x40x128xf32, #tpu.memory_space<vmem>> -> memref<1x40x128xf32, #tpu.memory_space<vmem>>
    %dma_start3A_498 = tpu.memref_squeeze %dma_start3A_497 : memref<1x40x128xf32, #tpu.memory_space<vmem>> -> memref<40x128xf32, #tpu.memory_space<vmem>>
    %dma_start3A_499 = arith.constant 0 : i32
    %dma_start3A_500 = tpu.memref_slice %arg7[%dma_start3A_494, %dma_start3A_499] : memref<6x40xi32, #tpu.memory_space<vmem>> -> memref<1x40xi32, #tpu.memory_space<vmem>>
    %dma_start3A_501 = tpu.memref_squeeze %dma_start3A_500 : memref<1x40xi32, #tpu.memory_space<vmem>> -> memref<40xi32, #tpu.memory_space<vmem>>
    %dma_start3A_502 = arith.constant 0 : i32
    %dma_start3A_503 = arith.constant 0 : i32
    %dma_start3A_504 = tpu.memref_slice %arg9[%dma_start3A_502, %dma_start3A_503] : memref<10000x128xf32, #tpu.memory_space<vmem_shared>> -> memref<10000x128xf32, #tpu.memory_space<vmem_shared>>
    tpu.enqueue_indirect_dma source(%dma_start3A_498 : memref<40x128xf32, #tpu.memory_space<vmem>>) target(%dma_start3A_504 : memref<10000x128xf32, #tpu.memory_space<vmem_shared>>) offsets(%dma_start3A_501 : memref<40xi32, #tpu.memory_space<vmem>>) semaphore(%arg17 : memref<!tpu.dma_semaphore, #tpu.memory_space<semaphore_mem>>) {add = true}
    %dma_wait3A_505 = arith.constant 2 : i32
    %dma_wait3A_506 = arith.constant 2 : i32
    %dma_wait3A_507 = arith.constant 0 : i32
    %dma_wait3A_508 = arith.constant 0 : i32
    %dma_wait3A_509 = tpu.memref_slice %arg8[%dma_wait3A_506, %dma_wait3A_507, %dma_wait3A_508] : memref<6x40x128xf32, #tpu.memory_space<vmem>> -> memref<1x40x128xf32, #tpu.memory_space<vmem>>
    %dma_wait3A_510 = tpu.memref_squeeze %dma_wait3A_509 : memref<1x40x128xf32, #tpu.memory_space<vmem>> -> memref<40x128xf32, #tpu.memory_space<vmem>>
    %dma_wait3A_511 = arith.constant 0 : i32
    %dma_wait3A_512 = tpu.memref_slice %arg6[%dma_wait3A_505, %dma_wait3A_511] : memref<6x40xi32, #tpu.memory_space<vmem>> -> memref<1x40xi32, #tpu.memory_space<vmem>>
    %dma_wait3A_513 = tpu.memref_squeeze %dma_wait3A_512 : memref<1x40xi32, #tpu.memory_space<vmem>> -> memref<40xi32, #tpu.memory_space<vmem>>
    %dma_wait3A_514 = arith.constant 0 : i32
    %dma_wait3A_515 = arith.constant 0 : i32
    %dma_wait3A_516 = tpu.memref_slice %arg2[%dma_wait3A_514, %dma_wait3A_515] : memref<10000x128xf32, #tpu.memory_space<hbm>> -> memref<10000x128xf32, #tpu.memory_space<hbm>>
    tpu.wait_indirect_dma semaphore(%arg12 : memref<!tpu.dma_semaphore, #tpu.memory_space<semaphore_mem>>) src(%dma_wait3A_516 : memref<10000x128xf32, #tpu.memory_space<hbm>>) dst(%dma_wait3A_510 : memref<40x128xf32, #tpu.memory_space<vmem>>)
    %dma_start3A_517 = arith.constant 2 : i32
    %dma_start3A_518 = arith.constant 2 : i32
    %dma_start3A_519 = arith.constant 0 : i32
    %dma_start3A_520 = arith.constant 0 : i32
    %dma_start3A_521 = tpu.memref_slice %arg8[%dma_start3A_517, %dma_start3A_519, %dma_start3A_520] : memref<6x40x128xf32, #tpu.memory_space<vmem>> -> memref<1x40x128xf32, #tpu.memory_space<vmem>>
    %dma_start3A_522 = tpu.memref_squeeze %dma_start3A_521 : memref<1x40x128xf32, #tpu.memory_space<vmem>> -> memref<40x128xf32, #tpu.memory_space<vmem>>
    %dma_start3A_523 = arith.constant 0 : i32
    %dma_start3A_524 = tpu.memref_slice %arg7[%dma_start3A_518, %dma_start3A_523] : memref<6x40xi32, #tpu.memory_space<vmem>> -> memref<1x40xi32, #tpu.memory_space<vmem>>
    %dma_start3A_525 = tpu.memref_squeeze %dma_start3A_524 : memref<1x40xi32, #tpu.memory_space<vmem>> -> memref<40xi32, #tpu.memory_space<vmem>>
    %dma_start3A_526 = arith.constant 0 : i32
    %dma_start3A_527 = arith.constant 0 : i32
    %dma_start3A_528 = tpu.memref_slice %arg9[%dma_start3A_526, %dma_start3A_527] : memref<10000x128xf32, #tpu.memory_space<vmem_shared>> -> memref<10000x128xf32, #tpu.memory_space<vmem_shared>>
    tpu.enqueue_indirect_dma source(%dma_start3A_522 : memref<40x128xf32, #tpu.memory_space<vmem>>) target(%dma_start3A_528 : memref<10000x128xf32, #tpu.memory_space<vmem_shared>>) offsets(%dma_start3A_525 : memref<40xi32, #tpu.memory_space<vmem>>) semaphore(%arg18 : memref<!tpu.dma_semaphore, #tpu.memory_space<semaphore_mem>>) {add = true}
    %dma_wait3A_529 = arith.constant 3 : i32
    %dma_wait3A_530 = arith.constant 3 : i32
    %dma_wait3A_531 = arith.constant 0 : i32
    %dma_wait3A_532 = arith.constant 0 : i32
    %dma_wait3A_533 = tpu.memref_slice %arg8[%dma_wait3A_530, %dma_wait3A_531, %dma_wait3A_532] : memref<6x40x128xf32, #tpu.memory_space<vmem>> -> memref<1x40x128xf32, #tpu.memory_space<vmem>>
    %dma_wait3A_534 = tpu.memref_squeeze %dma_wait3A_533 : memref<1x40x128xf32, #tpu.memory_space<vmem>> -> memref<40x128xf32, #tpu.memory_space<vmem>>
    %dma_wait3A_535 = arith.constant 0 : i32
    %dma_wait3A_536 = tpu.memref_slice %arg6[%dma_wait3A_529, %dma_wait3A_535] : memref<6x40xi32, #tpu.memory_space<vmem>> -> memref<1x40xi32, #tpu.memory_space<vmem>>
    %dma_wait3A_537 = tpu.memref_squeeze %dma_wait3A_536 : memref<1x40xi32, #tpu.memory_space<vmem>> -> memref<40xi32, #tpu.memory_space<vmem>>
    %dma_wait3A_538 = arith.constant 0 : i32
    %dma_wait3A_539 = arith.constant 0 : i32
    %dma_wait3A_540 = tpu.memref_slice %arg2[%dma_wait3A_538, %dma_wait3A_539] : memref<10000x128xf32, #tpu.memory_space<hbm>> -> memref<10000x128xf32, #tpu.memory_space<hbm>>
    tpu.wait_indirect_dma semaphore(%arg13 : memref<!tpu.dma_semaphore, #tpu.memory_space<semaphore_mem>>) src(%dma_wait3A_540 : memref<10000x128xf32, #tpu.memory_space<hbm>>) dst(%dma_wait3A_534 : memref<40x128xf32, #tpu.memory_space<vmem>>)
    %dma_start3A_541 = arith.constant 3 : i32
    %dma_start3A_542 = arith.constant 3 : i32
    %dma_start3A_543 = arith.constant 0 : i32
    %dma_start3A_544 = arith.constant 0 : i32
    %dma_start3A_545 = tpu.memref_slice %arg8[%dma_start3A_541, %dma_start3A_543, %dma_start3A_544] : memref<6x40x128xf32, #tpu.memory_space<vmem>> -> memref<1x40x128xf32, #tpu.memory_space<vmem>>
    %dma_start3A_546 = tpu.memref_squeeze %dma_start3A_545 : memref<1x40x128xf32, #tpu.memory_space<vmem>> -> memref<40x128xf32, #tpu.memory_space<vmem>>
    %dma_start3A_547 = arith.constant 0 : i32
    %dma_start3A_548 = tpu.memref_slice %arg7[%dma_start3A_542, %dma_start3A_547] : memref<6x40xi32, #tpu.memory_space<vmem>> -> memref<1x40xi32, #tpu.memory_space<vmem>>
    %dma_start3A_549 = tpu.memref_squeeze %dma_start3A_548 : memref<1x40xi32, #tpu.memory_space<vmem>> -> memref<40xi32, #tpu.memory_space<vmem>>
    %dma_start3A_550 = arith.constant 0 : i32
    %dma_start3A_551 = arith.constant 0 : i32
    %dma_start3A_552 = tpu.memref_slice %arg9[%dma_start3A_550, %dma_start3A_551] : memref<10000x128xf32, #tpu.memory_space<vmem_shared>> -> memref<10000x128xf32, #tpu.memory_space<vmem_shared>>
    tpu.enqueue_indirect_dma source(%dma_start3A_546 : memref<40x128xf32, #tpu.memory_space<vmem>>) target(%dma_start3A_552 : memref<10000x128xf32, #tpu.memory_space<vmem_shared>>) offsets(%dma_start3A_549 : memref<40xi32, #tpu.memory_space<vmem>>) semaphore(%arg19 : memref<!tpu.dma_semaphore, #tpu.memory_space<semaphore_mem>>) {add = true}
    %dma_wait3A_553 = arith.constant 0 : i32
    %dma_wait3A_554 = arith.constant 0 : i32
    %dma_wait3A_555 = arith.constant 0 : i32
    %dma_wait3A_556 = arith.constant 0 : i32
    %dma_wait3A_557 = tpu.memref_slice %arg8[%dma_wait3A_553, %dma_wait3A_555, %dma_wait3A_556] : memref<6x40x128xf32, #tpu.memory_space<vmem>> -> memref<1x40x128xf32, #tpu.memory_space<vmem>>
    %dma_wait3A_558 = tpu.memref_squeeze %dma_wait3A_557 : memref<1x40x128xf32, #tpu.memory_space<vmem>> -> memref<40x128xf32, #tpu.memory_space<vmem>>
    %dma_wait3A_559 = arith.constant 0 : i32
    %dma_wait3A_560 = tpu.memref_slice %arg7[%dma_wait3A_554, %dma_wait3A_559] : memref<6x40xi32, #tpu.memory_space<vmem>> -> memref<1x40xi32, #tpu.memory_space<vmem>>
    %dma_wait3A_561 = tpu.memref_squeeze %dma_wait3A_560 : memref<1x40xi32, #tpu.memory_space<vmem>> -> memref<40xi32, #tpu.memory_space<vmem>>
    %dma_wait3A_562 = arith.constant 0 : i32
    %dma_wait3A_563 = arith.constant 0 : i32
    %dma_wait3A_564 = tpu.memref_slice %arg9[%dma_wait3A_562, %dma_wait3A_563] : memref<10000x128xf32, #tpu.memory_space<vmem_shared>> -> memref<10000x128xf32, #tpu.memory_space<vmem_shared>>
    tpu.wait_indirect_dma semaphore(%arg16 : memref<!tpu.dma_semaphore, #tpu.memory_space<semaphore_mem>>) src(%dma_wait3A_558 : memref<40x128xf32, #tpu.memory_space<vmem>>) dst(%dma_wait3A_564 : memref<10000x128xf32, #tpu.memory_space<vmem_shared>>)
    %dma_wait3A_565 = arith.constant 1 : i32
    %dma_wait3A_566 = arith.constant 1 : i32
    %dma_wait3A_567 = arith.constant 0 : i32
    %dma_wait3A_568 = arith.constant 0 : i32
    %dma_wait3A_569 = tpu.memref_slice %arg8[%dma_wait3A_565, %dma_wait3A_567, %dma_wait3A_568] : memref<6x40x128xf32, #tpu.memory_space<vmem>> -> memref<1x40x128xf32, #tpu.memory_space<vmem>>
    %dma_wait3A_570 = tpu.memref_squeeze %dma_wait3A_569 : memref<1x40x128xf32, #tpu.memory_space<vmem>> -> memref<40x128xf32, #tpu.memory_space<vmem>>
    %dma_wait3A_571 = arith.constant 0 : i32
    %dma_wait3A_572 = tpu.memref_slice %arg7[%dma_wait3A_566, %dma_wait3A_571] : memref<6x40xi32, #tpu.memory_space<vmem>> -> memref<1x40xi32, #tpu.memory_space<vmem>>
    %dma_wait3A_573 = tpu.memref_squeeze %dma_wait3A_572 : memref<1x40xi32, #tpu.memory_space<vmem>> -> memref<40xi32, #tpu.memory_space<vmem>>
    %dma_wait3A_574 = arith.constant 0 : i32
    %dma_wait3A_575 = arith.constant 0 : i32
    %dma_wait3A_576 = tpu.memref_slice %arg9[%dma_wait3A_574, %dma_wait3A_575] : memref<10000x128xf32, #tpu.memory_space<vmem_shared>> -> memref<10000x128xf32, #tpu.memory_space<vmem_shared>>
    tpu.wait_indirect_dma semaphore(%arg17 : memref<!tpu.dma_semaphore, #tpu.memory_space<semaphore_mem>>) src(%dma_wait3A_570 : memref<40x128xf32, #tpu.memory_space<vmem>>) dst(%dma_wait3A_576 : memref<10000x128xf32, #tpu.memory_space<vmem_shared>>)
    %dma_wait3A_577 = arith.constant 2 : i32
    %dma_wait3A_578 = arith.constant 2 : i32
    %dma_wait3A_579 = arith.constant 0 : i32
    %dma_wait3A_580 = arith.constant 0 : i32
    %dma_wait3A_581 = tpu.memref_slice %arg8[%dma_wait3A_577, %dma_wait3A_579, %dma_wait3A_580] : memref<6x40x128xf32, #tpu.memory_space<vmem>> -> memref<1x40x128xf32, #tpu.memory_space<vmem>>
    %dma_wait3A_582 = tpu.memref_squeeze %dma_wait3A_581 : memref<1x40x128xf32, #tpu.memory_space<vmem>> -> memref<40x128xf32, #tpu.memory_space<vmem>>
    %dma_wait3A_583 = arith.constant 0 : i32
    %dma_wait3A_584 = tpu.memref_slice %arg7[%dma_wait3A_578, %dma_wait3A_583] : memref<6x40xi32, #tpu.memory_space<vmem>> -> memref<1x40xi32, #tpu.memory_space<vmem>>
    %dma_wait3A_585 = tpu.memref_squeeze %dma_wait3A_584 : memref<1x40xi32, #tpu.memory_space<vmem>> -> memref<40xi32, #tpu.memory_space<vmem>>
    %dma_wait3A_586 = arith.constant 0 : i32
    %dma_wait3A_587 = arith.constant 0 : i32
    %dma_wait3A_588 = tpu.memref_slice %arg9[%dma_wait3A_586, %dma_wait3A_587] : memref<10000x128xf32, #tpu.memory_space<vmem_shared>> -> memref<10000x128xf32, #tpu.memory_space<vmem_shared>>
    tpu.wait_indirect_dma semaphore(%arg18 : memref<!tpu.dma_semaphore, #tpu.memory_space<semaphore_mem>>) src(%dma_wait3A_582 : memref<40x128xf32, #tpu.memory_space<vmem>>) dst(%dma_wait3A_588 : memref<10000x128xf32, #tpu.memory_space<vmem_shared>>)
    %dma_wait3A_589 = arith.constant 3 : i32
    %dma_wait3A_590 = arith.constant 3 : i32
    %dma_wait3A_591 = arith.constant 0 : i32
    %dma_wait3A_592 = arith.constant 0 : i32
    %dma_wait3A_593 = tpu.memref_slice %arg8[%dma_wait3A_589, %dma_wait3A_591, %dma_wait3A_592] : memref<6x40x128xf32, #tpu.memory_space<vmem>> -> memref<1x40x128xf32, #tpu.memory_space<vmem>>
    %dma_wait3A_594 = tpu.memref_squeeze %dma_wait3A_593 : memref<1x40x128xf32, #tpu.memory_space<vmem>> -> memref<40x128xf32, #tpu.memory_space<vmem>>
    %dma_wait3A_595 = arith.constant 0 : i32
    %dma_wait3A_596 = tpu.memref_slice %arg7[%dma_wait3A_590, %dma_wait3A_595] : memref<6x40xi32, #tpu.memory_space<vmem>> -> memref<1x40xi32, #tpu.memory_space<vmem>>
    %dma_wait3A_597 = tpu.memref_squeeze %dma_wait3A_596 : memref<1x40xi32, #tpu.memory_space<vmem>> -> memref<40xi32, #tpu.memory_space<vmem>>
    %dma_wait3A_598 = arith.constant 0 : i32
    %dma_wait3A_599 = arith.constant 0 : i32
    %dma_wait3A_600 = tpu.memref_slice %arg9[%dma_wait3A_598, %dma_wait3A_599] : memref<10000x128xf32, #tpu.memory_space<vmem_shared>> -> memref<10000x128xf32, #tpu.memory_space<vmem_shared>>
    tpu.wait_indirect_dma semaphore(%arg19 : memref<!tpu.dma_semaphore, #tpu.memory_space<semaphore_mem>>) src(%dma_wait3A_594 : memref<40x128xf32, #tpu.memory_space<vmem>>) dst(%dma_wait3A_600 : memref<10000x128xf32, #tpu.memory_space<vmem_shared>>)
    %barrier3A_601 = arith.constant 0 : index
    tpu.barrier barrier_id(%barrier3A_601)
    "tpu.region"() ({
      %run_scoped3A = tpu.sem_alloc : memref<!tpu.dma_semaphore, #tpu.memory_space<semaphore_mem>>
      %dma_start3A_607 = arith.constant 0 : i32
      %dma_start3A_608 = arith.constant 0 : i32
      %dma_start3A_609 = tpu.memref_slice %arg4[%arg0, %dma_start3A_607, %dma_start3A_608] : memref<2x10000x128xf32, #tpu.memory_space<hbm>> -> memref<1x10000x128xf32, #tpu.memory_space<hbm>>
      %dma_start3A_610 = tpu.memref_squeeze %dma_start3A_609 : memref<1x10000x128xf32, #tpu.memory_space<hbm>> -> memref<10000x128xf32, #tpu.memory_space<hbm>>
      %dma_start3A_611 = arith.constant 0 : i32
      %dma_start3A_612 = tpu.memref_slice %dma_start3A_610[%multiple_of3A_5, %dma_start3A_611] : memref<10000x128xf32, #tpu.memory_space<hbm>> -> memref<624x128xf32, #tpu.memory_space<hbm>>
      %dma_start3A_613 = arith.constant 0 : i32
      %dma_start3A_614 = tpu.memref_slice %arg9[%multiple_of3A_5, %dma_start3A_613] : memref<10000x128xf32, #tpu.memory_space<vmem_shared>> -> memref<624x128xf32, #tpu.memory_space<vmem_shared>>
      tpu.enqueue_dma source(%dma_start3A_614 : memref<624x128xf32, #tpu.memory_space<vmem_shared>>) target(%dma_start3A_612 : memref<624x128xf32, #tpu.memory_space<hbm>>) target_semaphore(%run_scoped3A : memref<!tpu.dma_semaphore, #tpu.memory_space<semaphore_mem>>)
      %dma_wait3A_615 = arith.constant 0 : i32
      %dma_wait3A_616 = arith.constant 0 : i32
      %dma_wait3A_617 = tpu.memref_slice %arg4[%arg0, %dma_wait3A_615, %dma_wait3A_616] : memref<2x10000x128xf32, #tpu.memory_space<hbm>> -> memref<1x10000x128xf32, #tpu.memory_space<hbm>>
      %dma_wait3A_618 = tpu.memref_squeeze %dma_wait3A_617 : memref<1x10000x128xf32, #tpu.memory_space<hbm>> -> memref<10000x128xf32, #tpu.memory_space<hbm>>
      %dma_wait3A_619 = arith.constant 0 : i32
      %dma_wait3A_620 = tpu.memref_slice %dma_wait3A_618[%multiple_of3A_5, %dma_wait3A_619] : memref<10000x128xf32, #tpu.memory_space<hbm>> -> memref<624x128xf32, #tpu.memory_space<hbm>>
      %dma_wait3A_621 = arith.constant 0 : i32
      %dma_wait3A_622 = tpu.memref_slice %arg9[%multiple_of3A_5, %dma_wait3A_621] : memref<10000x128xf32, #tpu.memory_space<vmem_shared>> -> memref<624x128xf32, #tpu.memory_space<vmem_shared>>
      tpu.wait_dma2 semaphore(%run_scoped3A : memref<!tpu.dma_semaphore, #tpu.memory_space<semaphore_mem>>) src(%dma_wait3A_622 : memref<624x128xf32, #tpu.memory_space<vmem_shared>>) dst(%dma_wait3A_620 : memref<624x128xf32, #tpu.memory_space<hbm>>)
      tpu.yield
    }) : () -> ()
    %eq3A_602 = arith.constant 15 : i32
    %eq3A_603 = arith.cmpi eq, %arg1, %eq3A_602 : i32
    %convert_element_type3A_604 = arith.extui %eq3A_603 : i1 to i32
    %cond3A_605 = arith.constant 0 : i32
    %cond3A_606 = arith.cmpi ne, %convert_element_type3A_604, %cond3A_605 : i32
    scf.if %cond3A_606 {
      "tpu.region"() ({
        %run_scoped3A = tpu.sem_alloc : memref<!tpu.dma_semaphore, #tpu.memory_space<semaphore_mem>>
        %dma_start3A_607 = arith.constant 0 : i32
        %dma_start3A_608 = arith.constant 0 : i32
        %dma_start3A_609 = tpu.memref_slice %arg4[%arg0, %dma_start3A_607, %dma_start3A_608] : memref<2x10000x128xf32, #tpu.memory_space<hbm>> -> memref<1x10000x128xf32, #tpu.memory_space<hbm>>
        %dma_start3A_610 = tpu.memref_squeeze %dma_start3A_609 : memref<1x10000x128xf32, #tpu.memory_space<hbm>> -> memref<10000x128xf32, #tpu.memory_space<hbm>>
        %dma_start3A_611 = arith.constant 9984 : i32
        %dma_start3A_612 = arith.constant 0 : i32
        %dma_start3A_613 = tpu.memref_slice %dma_start3A_610[%dma_start3A_611, %dma_start3A_612] : memref<10000x128xf32, #tpu.memory_space<hbm>> -> memref<16x128xf32, #tpu.memory_space<hbm>>
        %dma_start3A_614 = arith.constant 9984 : i32
        %dma_start3A_615 = arith.constant 0 : i32
        %dma_start3A_616 = tpu.memref_slice %arg9[%dma_start3A_614, %dma_start3A_615] : memref<10000x128xf32, #tpu.memory_space<vmem_shared>> -> memref<16x128xf32, #tpu.memory_space<vmem_shared>>
        tpu.enqueue_dma source(%dma_start3A_616 : memref<16x128xf32, #tpu.memory_space<vmem_shared>>) target(%dma_start3A_613 : memref<16x128xf32, #tpu.memory_space<hbm>>) target_semaphore(%run_scoped3A : memref<!tpu.dma_semaphore, #tpu.memory_space<semaphore_mem>>)
        %dma_wait3A_617 = arith.constant 0 : i32
        %dma_wait3A_618 = arith.constant 0 : i32
        %dma_wait3A_619 = tpu.memref_slice %arg4[%arg0, %dma_wait3A_617, %dma_wait3A_618] : memref<2x10000x128xf32, #tpu.memory_space<hbm>> -> memref<1x10000x128xf32, #tpu.memory_space<hbm>>
        %dma_wait3A_620 = tpu.memref_squeeze %dma_wait3A_619 : memref<1x10000x128xf32, #tpu.memory_space<hbm>> -> memref<10000x128xf32, #tpu.memory_space<hbm>>
        %dma_wait3A_621 = arith.constant 9984 : i32
        %dma_wait3A_622 = arith.constant 0 : i32
        %dma_wait3A_623 = tpu.memref_slice %dma_wait3A_620[%dma_wait3A_621, %dma_wait3A_622] : memref<10000x128xf32, #tpu.memory_space<hbm>> -> memref<16x128xf32, #tpu.memory_space<hbm>>
        %dma_wait3A_624 = arith.constant 9984 : i32
        %dma_wait3A_625 = arith.constant 0 : i32
        %dma_wait3A_626 = tpu.memref_slice %arg9[%dma_wait3A_624, %dma_wait3A_625] : memref<10000x128xf32, #tpu.memory_space<vmem_shared>> -> memref<16x128xf32, #tpu.memory_space<vmem_shared>>
        tpu.wait_dma2 semaphore(%run_scoped3A : memref<!tpu.dma_semaphore, #tpu.memory_space<semaphore_mem>>) src(%dma_wait3A_626 : memref<16x128xf32, #tpu.memory_space<vmem_shared>>) dst(%dma_wait3A_623 : memref<16x128xf32, #tpu.memory_space<hbm>>)
        tpu.yield
      }) : () -> ()
    } else {
    }
    return
  }
}

module attributes {stable_mosaic.version = 14 : i64} {
  func.func @_scale_body(%arg0: memref<10000x128xf32, #tpu.memory_space<vmem>>, %arg1: memref<2x10000xf32, #tpu.memory_space<vmem>>, %arg2: memref<10000x128xf32, #tpu.memory_space<vmem>>) attributes {dimension_semantics = [], scalar_prefetch = 0 : i64, scratch_operands = 0 : i64, tpu.core_type = #tpu.core_type<tc>} {
    %get3A = arith.constant 0 : index
    %get3A_0 = arith.constant 0 : index
    %get3A_1 = vector.load %arg0[%get3A, %get3A_0] : memref<10000x128xf32, #tpu.memory_space<vmem>>, vector<10000x128xf32>
    %get3A_2 = arith.constant 0 : index
    %get3A_3 = arith.constant 0 : index
    %get3A_4 = vector.load %arg1[%get3A_2, %get3A_3] : memref<2x10000xf32, #tpu.memory_space<vmem>>, vector<2x10000xf32>
    %broadcast_in_dim3A = arith.constant 1.000000e+00 : f32
    %broadcast_in_dim3A_5 = vector.broadcast %broadcast_in_dim3A : f32 to vector<2x1xf32>
    %dot_general3A = arith.constant dense<0.000000e+00> : vector<10000x1xf32>
    %dot_general3A_6 = tpu.matmul %get3A_4, %broadcast_in_dim3A_5, %dot_general3A {dimension_numbers = #tpu.dot_dimension_numbers<[0], [0], [1], [1], [0, 1, 1, 1], [], []>, transpose_lhs_hint = false} : vector<2x10000xf32>, vector<2x1xf32>, vector<10000x1xf32> -> vector<10000x1xf32>
    %add3A = arith.constant 1.000000e+00 : f32
    %add3A_7 = vector.broadcast %add3A : f32 to vector<10000x1xf32>
    %add3A_8 = arith.addf %dot_general3A_6, %add3A_7 : vector<10000x1xf32>
    %max3A = arith.constant 1.000000e+00 : f32
    %max3A_9 = vector.broadcast %max3A : f32 to vector<10000x1xf32>
    %max3A_10 = arith.maximumf %add3A_8, %max3A_9 : vector<10000x1xf32>
    %rsqrt3A = math.rsqrt %max3A_10 : vector<10000x1xf32>
    %mul3A = vector.broadcast %rsqrt3A : vector<10000x1xf32> to vector<10000x128xf32>
    %mul3A_11 = arith.mulf %get3A_1, %mul3A : vector<10000x128xf32>
    %swap3A = arith.constant 0 : index
    %swap3A_12 = arith.constant 0 : index
    %swap3A_13 = vector.load %arg2[%swap3A, %swap3A_12] : memref<10000x128xf32, #tpu.memory_space<vmem>>, vector<10000x128xf32>
    tpu.vector_store %arg2[%swap3A, %swap3A_12], %mul3A_11 {strides = array<i32>} : memref<10000x128xf32, #tpu.memory_space<vmem>>, vector<10000x128xf32>,
    return
  }
}

module attributes {stable_mosaic.version = 14 : i64} {
  func.func @_bn_body(%arg0: memref<2x10000x128xf32, #tpu.memory_space<vmem>>, %arg1: memref<10000x128xf32, #tpu.memory_space<vmem>>, %arg2: memref<2x10000xf32, #tpu.memory_space<vmem>>, %arg3: memref<1x128xf32, #tpu.memory_space<vmem>>, %arg4: memref<1x128xf32, #tpu.memory_space<vmem>>, %arg5: memref<1x128xf32, #tpu.memory_space<vmem>>, %arg6: memref<10000x128xf32, #tpu.memory_space<vmem>>) attributes {dimension_semantics = [], scalar_prefetch = 0 : i64, scratch_operands = 0 : i64, tpu.core_type = #tpu.core_type<tc>} {
    %get3A = arith.constant 0 : index
    %get3A_0 = arith.constant 0 : index
    %get3A_1 = vector.load %arg2[%get3A, %get3A_0] : memref<2x10000xf32, #tpu.memory_space<vmem>>, vector<2x10000xf32>
    %broadcast_in_dim3A = arith.constant 1.000000e+00 : f32
    %broadcast_in_dim3A_2 = vector.broadcast %broadcast_in_dim3A : f32 to vector<2x1xf32>
    %dot_general3A = arith.constant dense<0.000000e+00> : vector<10000x1xf32>
    %dot_general3A_3 = tpu.matmul %get3A_1, %broadcast_in_dim3A_2, %dot_general3A {dimension_numbers = #tpu.dot_dimension_numbers<[0], [0], [1], [1], [0, 1, 1, 1], [], []>, transpose_lhs_hint = false} : vector<2x10000xf32>, vector<2x1xf32>, vector<10000x1xf32> -> vector<10000x1xf32>
    %add3A = arith.constant 1.000000e+00 : f32
    %add3A_4 = vector.broadcast %add3A : f32 to vector<10000x1xf32>
    %add3A_5 = arith.addf %dot_general3A_3, %add3A_4 : vector<10000x1xf32>
    %max3A = arith.constant 1.000000e+00 : f32
    %max3A_6 = vector.broadcast %max3A : f32 to vector<10000x1xf32>
    %max3A_7 = arith.maximumf %add3A_5, %max3A_6 : vector<10000x1xf32>
    %rsqrt3A = math.rsqrt %max3A_7 : vector<10000x1xf32>
    %get3A_8 = arith.constant 0 : index
    %get3A_9 = arith.constant 0 : index
    %get3A_10 = arith.constant 0 : index
    %get3A_11 = vector.load %arg0[%get3A_8, %get3A_9, %get3A_10] : memref<2x10000x128xf32, #tpu.memory_space<vmem>>, vector<1x10000x128xf32>
    %get3A_12 = vector.shape_cast %get3A_11 : vector<1x10000x128xf32> to vector<10000x128xf32>
    %get3A_13 = arith.constant 1 : index
    %get3A_14 = arith.constant 0 : index
    %get3A_15 = arith.constant 0 : index
    %get3A_16 = vector.load %arg0[%get3A_13, %get3A_14, %get3A_15] : memref<2x10000x128xf32, #tpu.memory_space<vmem>>, vector<1x10000x128xf32>
    %get3A_17 = vector.shape_cast %get3A_16 : vector<1x10000x128xf32> to vector<10000x128xf32>
    %add3A_18 = arith.addf %get3A_12, %get3A_17 : vector<10000x128xf32>
    %get3A_19 = arith.constant 0 : index
    %get3A_20 = arith.constant 0 : index
    %get3A_21 = vector.load %arg1[%get3A_19, %get3A_20] : memref<10000x128xf32, #tpu.memory_space<vmem>>, vector<10000x128xf32>
    %sub3A = arith.subf %add3A_18, %get3A_21 : vector<10000x128xf32>
    %mul3A = vector.broadcast %rsqrt3A : vector<10000x1xf32> to vector<10000x128xf32>
    %mul3A_22 = arith.mulf %sub3A, %mul3A : vector<10000x128xf32>
    %get3A_23 = arith.constant 0 : index
    %get3A_24 = arith.constant 0 : index
    %get3A_25 = vector.load %arg3[%get3A_23, %get3A_24] : memref<1x128xf32, #tpu.memory_space<vmem>>, vector<1x128xf32>
    %add3A_26 = vector.broadcast %get3A_25 : vector<1x128xf32> to vector<10000x128xf32>
    %add3A_27 = arith.addf %mul3A_22, %add3A_26 : vector<10000x128xf32>
    %max3A_28 = arith.constant 0.000000e+00 : f32
    %max3A_29 = vector.broadcast %max3A_28 : f32 to vector<10000x128xf32>
    %max3A_30 = arith.maximumf %add3A_27, %max3A_29 : vector<10000x128xf32>
    %reduce_sum3A = arith.constant dense<0.000000e+00> : vector<128xf32>
    %reduce_sum3A_31 = vector.multi_reduction <add>, %max3A_30, %reduce_sum3A [0] : vector<10000x128xf32> to vector<128xf32>
    %broadcast_in_dim3A_32 = vector.shape_cast %reduce_sum3A_31 : vector<128xf32> to vector<1x128xf32>
    %div3A = arith.constant 1.000000e+04 : f32
    %div3A_33 = vector.broadcast %div3A : f32 to vector<1x128xf32>
    %div3A_34 = arith.divf %broadcast_in_dim3A_32, %div3A_33 : vector<1x128xf32>
    %sub3A_35 = vector.broadcast %div3A_34 : vector<1x128xf32> to vector<10000x128xf32>
    %sub3A_36 = arith.subf %max3A_30, %sub3A_35 : vector<10000x128xf32>
    %mul3A_37 = arith.mulf %sub3A_36, %sub3A_36 : vector<10000x128xf32>
    %reduce_sum3A_38 = arith.constant dense<0.000000e+00> : vector<128xf32>
    %reduce_sum3A_39 = vector.multi_reduction <add>, %mul3A_37, %reduce_sum3A_38 [0] : vector<10000x128xf32> to vector<128xf32>
    %broadcast_in_dim3A_40 = vector.shape_cast %reduce_sum3A_39 : vector<128xf32> to vector<1x128xf32>
    %div3A_41 = arith.constant 1.000000e+04 : f32
    %div3A_42 = vector.broadcast %div3A_41 : f32 to vector<1x128xf32>
    %div3A_43 = arith.divf %broadcast_in_dim3A_40, %div3A_42 : vector<1x128xf32>
    %add3A_44 = arith.constant 9.99999974E-6 : f32
    %add3A_45 = vector.broadcast %add3A_44 : f32 to vector<1x128xf32>
    %add3A_46 = arith.addf %div3A_43, %add3A_45 : vector<1x128xf32>
    %rsqrt3A_47 = math.rsqrt %add3A_46 : vector<1x128xf32>
    %mul3A_48 = vector.broadcast %rsqrt3A_47 : vector<1x128xf32> to vector<10000x128xf32>
    %mul3A_49 = arith.mulf %sub3A_36, %mul3A_48 : vector<10000x128xf32>
    %get3A_50 = arith.constant 0 : index
    %get3A_51 = arith.constant 0 : index
    %get3A_52 = vector.load %arg4[%get3A_50, %get3A_51] : memref<1x128xf32, #tpu.memory_space<vmem>>, vector<1x128xf32>
    %mul3A_53 = vector.broadcast %get3A_52 : vector<1x128xf32> to vector<10000x128xf32>
    %mul3A_54 = arith.mulf %mul3A_49, %mul3A_53 : vector<10000x128xf32>
    %get3A_55 = arith.constant 0 : index
    %get3A_56 = arith.constant 0 : index
    %get3A_57 = vector.load %arg5[%get3A_55, %get3A_56] : memref<1x128xf32, #tpu.memory_space<vmem>>, vector<1x128xf32>
    %add3A_58 = vector.broadcast %get3A_57 : vector<1x128xf32> to vector<10000x128xf32>
    %add3A_59 = arith.addf %mul3A_54, %add3A_58 : vector<10000x128xf32>
    %swap3A = arith.constant 0 : index
    %swap3A_60 = arith.constant 0 : index
    %swap3A_61 = vector.load %arg6[%swap3A, %swap3A_60] : memref<10000x128xf32, #tpu.memory_space<vmem>>, vector<10000x128xf32>
    tpu.vector_store %arg6[%swap3A, %swap3A_60], %add3A_59 {strides = array<i32>} : memref<10000x128xf32, #tpu.memory_space<vmem>>, vector<10000x128xf32>,
    return
  }
}

module attributes {stable_mosaic.version = 14 : i64} {
  func.func @_prep_body(%arg0: memref<10000x128xf32, #tpu.memory_space<vmem>>, %arg1: memref<128x128xf32, #tpu.memory_space<vmem>>, %arg2: memref<2x320000xi32, #tpu.memory_space<vmem>>, %arg3: memref<10000x128xf32, #tpu.memory_space<vmem>>, %arg4: memref<320000xi32, #tpu.memory_space<vmem>>) attributes {dimension_semantics = [], scalar_prefetch = 0 : i64, scratch_operands = 0 : i64, tpu.core_type = #tpu.core_type<tc>} {
    %get3A = arith.constant 0 : index
    %get3A_0 = arith.constant 0 : index
    %get3A_1 = vector.load %arg0[%get3A, %get3A_0] : memref<10000x128xf32, #tpu.memory_space<vmem>>, vector<10000x128xf32>
    %get3A_2 = arith.constant 0 : index
    %get3A_3 = arith.constant 0 : index
    %get3A_4 = vector.load %arg1[%get3A_2, %get3A_3] : memref<128x128xf32, #tpu.memory_space<vmem>>, vector<128x128xf32>
    %dot_general3A = arith.constant dense<0.000000e+00> : vector<10000x128xf32>
    %dot_general3A_5 = tpu.matmul %get3A_1, %get3A_4, %dot_general3A {dimension_numbers = #tpu.dot_dimension_numbers<[1], [0], [0], [1], [0, 0, 1, 1], [], []>, transpose_lhs_hint = false} : vector<10000x128xf32>, vector<128x128xf32>, vector<10000x128xf32> -> vector<10000x128xf32>
    %swap3A = arith.constant 0 : index
    %swap3A_6 = arith.constant 0 : index
    %swap3A_7 = vector.load %arg3[%swap3A, %swap3A_6] : memref<10000x128xf32, #tpu.memory_space<vmem>>, vector<10000x128xf32>
    tpu.vector_store %arg3[%swap3A, %swap3A_6], %dot_general3A_5 {strides = array<i32>} : memref<10000x128xf32, #tpu.memory_space<vmem>>, vector<10000x128xf32>,
    %get3A_8 = arith.constant 1 : index
    %get3A_9 = arith.constant 0 : index
    %get3A_10 = vector.load %arg2[%get3A_8, %get3A_9] : memref<2x320000xi32, #tpu.memory_space<vmem>>, vector<1x320000xi32>
    %get3A_11 = vector.shape_cast %get3A_10 : vector<1x320000xi32> to vector<320000xi32>
    %shift_left3A = arith.constant 14 : i32
    %shift_left3A_12 = vector.broadcast %shift_left3A : i32 to vector<320000xi32>
    %shift_left3A_13 = arith.shli %get3A_11, %shift_left3A_12 : vector<320000xi32>
    %get3A_14 = arith.constant 0 : index
    %get3A_15 = arith.constant 0 : index
    %get3A_16 = vector.load %arg2[%get3A_14, %get3A_15] : memref<2x320000xi32, #tpu.memory_space<vmem>>, vector<1x320000xi32>
    %get3A_17 = vector.shape_cast %get3A_16 : vector<1x320000xi32> to vector<320000xi32>
    %or3A = arith.ori %shift_left3A_13, %get3A_17 : vector<320000xi32>
    %swap3A_18 = arith.constant 0 : index
    %swap3A_19 = vector.load %arg4[%swap3A_18] : memref<320000xi32, #tpu.memory_space<vmem>>, vector<320000xi32>
    tpu.vector_store %arg4[%swap3A_18], %or3A {strides = array<i32>} : memref<320000xi32, #tpu.memory_space<vmem>>, vector<320000xi32>,
    return
  }
}

</mosaic_0001>

<sc_bundles>
// kernel: kernel.10.cloned.1.call-start
scs
__scs_entry_jumppad:
0x0: {  	(pc) =	sbr.rel $0x88, $3  }
0x1: {  	(tag) =	ssettag $0x0;
	lr =	simm.s32 $0x1  }
0x2: {  	[smem:$0x3F9B] =	sst lr;
	_ =	strace $0xD0000000  }
0x3: {  	_ = 	snop  }
0x4: {  	_ = 	snop  }
0x5: {  	_ = 	snop  }
0x6: {  	_ = 	snop  }
0x7: {  	_ = 	snop  }
__scs_overlays_trampoline_lowered:
0x8: {  	[smem:$0x3FAA] =	sst s0  }
0x9: {  	[smem:$0x3FAB] =	sst s1  }
0xa: {  	[smem:$0x3FAC] =	sst s2  }
0xb: {  	[smem:$0x3FAD] =	sst s3  }
0xc: {  	[smem:$0x3FAE] =	sst s4  }
0xd: {  	[smem:$0x3FAF] =	sst s5  }
0xe: {  	[smem:$0x3FB0] =	sst s6  }
0xf: {  	[smem:$0x3FB1] =	sst s7  }
0x10: {  	[smem:$0x3FB2] =	sst s8  }
0x11: {  	[smem:$0x3FB3] =	sst s9;
	s0 =	simm.s32 @!p0 $0x0  }
0x12: {  	s1 =	sld [smem:$0x3F99];
	s0 =	simm.s32 @p0 $0x1  }
0x13: {  	[smem:$0x3FB4] =	sst s0;
	s0 =	simm.s32 @!p1 $0x0  }
0x14: {  	s2 =	sld [smem:$0x3F98];
	s0 =	simm.s32 @p1 $0x1  }
0x15: {  	[smem:$0x3FB5] =	sst s0;
	s0 =	simm.s32 @!p2 $0x0  }
0x16: {  	s3 =	sld [smem:$0x3FDB];
	s0 =	simm.s32 @p2 $0x1  }
0x17: {  	s4 =	simm.s32 $0x1BF5;
	[smem:$0x3FB7] =	sst s0  }
0x18: {  	s0 =	sld [smem:$0x3F9A];
	_ =	swait.ge [sflag:s4], $0x0  }
0x19: {  	s7 =	sld [smem:$0x3F9B]  }
0x1a: {  	s8 =	sadd.s32 $0xFFFFE003, lr  }
0x1b: {  	s9 =	sadd.s32 $0xFFFFFEF7, lr;
	s5 =	simm.s32 $0xFFFFFFFF;
	p2 =	slt.u32 s8, $0xFFFFF086  }
0x1c: {  	p1 =	slt.u32 s9, $0xF7A;
	s5 =	simm.s32 @!p2 $0x0  }
0x1d: {  	s5 =	simm.s32 @p1 $0x1;
	p0 =	seq.s32 s7, s2  }
0x1e: {  	s7 =	smul.u32 @!p0 $0xF7A, s2;
	p2 =	seq.s32 @!p0 s5, $0x0  }
0x1f: {  	s9 =	smul.u32 $0xF7A, s1;
	s8 =	simm.s32 @!p0 $0x1BF5;
	p2 =	por !p2, p0  }
0x20: {  	[sflag:s8] =	ssyncset.s32 @!p0 $0xFFFFF086;
	s6 =	sadd.s32 @!p0 s3, s7;
	s7 =	simm.s32 @!p0 $0x108  }
0x21: {  	s3 =	sadd.s32 s3, s9;
	s6 =	sadd.s32 @!p0 $0x88, s6;
	s7 =	simm.s32 @p2 $0x1082  }
0x22: {  	[simem:s7], [sflag:s8] =	dma.local @!p0 [hbm:s6], $0xF7A  }
0x23: {  	s9 =	sor.u32 $0xD0000000, s2;
	s6 =	simm.s32 $0x108;
	_ =	swait.ge @!p0 [sflag:s8], $0x0  }
0x24: {  	s3 =	sadd.s32 $0x88, s3;
	s6 =	simm.s32 @!p1 $0x1082;
	[sflag:s4] =	ssyncset.s32 $0xFFFFF086  }
0x25: {  	[simem:s6], [sflag:s4] =	dma.local [hbm:s3], $0xF7A  }
0x26: {  	[smem:$0x3F9B] =	sst s1;
	(tag) =	ssettag s2;
	_ =	strace s9  }
0x27: {  	s1 =	sld [smem:$0x3FAB]  }
0x28: {  	s2 =	sld [smem:$0x3FAC]  }
0x29: {  	s4 =	sld [smem:$0x3FAE]  }
0x2a: {  	p0 =	seq.s32 s5, $0x0;
	s5 =	sld [smem:$0x3FAF]  }
0x2b: {  	s6 =	sld [smem:$0x3FB0]  }
0x2c: {  	s7 =	sld [smem:$0x3FB1]  }
0x2d: {  	s3 =	simm.s32 $0x108;
	s8 =	sld [smem:$0x3FB2]  }
0x2e: {  	s3 =	simm.s32 @!p0 $0x1082;
	s9 =	sld [smem:$0x3FB3]  }
0x2f: {  	lr =	sadd.s32 s0, s3;
	s0 =	sld [smem:$0x3FAA]  }
0x30: {  	s3 =	sld [smem:$0x3FAD]  }
0x31: {  	[smem:$0x3FB6] =	sst s10  }
0x32: {  	s10 =	sld [smem:$0x3FB4];
	_ =	sdelay $0x3  }
0x33: {  	p0 =	seq.s32 s10, $0x1;
	s10 =	sld [smem:$0x3FB6];
	_ =	sdelay $0x3  }
0x34: {  	[smem:$0x3FB6] =	sst s10  }
0x35: {  	s10 =	sld [smem:$0x3FB5];
	_ =	sdelay $0x3  }
0x36: {  	p1 =	seq.s32 s10, $0x1;
	s10 =	sld [smem:$0x3FB6];
	_ =	sdelay $0x3  }
0x37: {  	[smem:$0x3FB6] =	sst s10  }
0x38: {  	s10 =	sld [smem:$0x3FB7]  }
0x39: {  	_ = 	snop;
	(pc) =	sbr.ind lr, $3  }
0x3a: {  	_ = 	snop  }
0x3b: {  	_ = 	snop  }
0x3c: {  	p2 =	seq.s32 s10, $0x1;
	s10 =	sld [smem:$0x3FB6]  }
0x3d: {  	_ =	shalt  }
0x3e: {  	_ =	shalt  }
0x3f: {  	_ =	shalt  }
0x40: {  	_ =	shalt  }
0x41: {  	_ =	shalt  }
0x42: {  	_ =	shalt  }
0x43: {  	_ =	shalt  }
0x44: {  	_ =	shalt  }
0x45: {  	_ =	shalt  }
0x46: {  	_ =	shalt  }
0x47: {  	_ =	shalt  }
0x48: {  	_ =	shalt  }
0x49: {  	_ =	shalt  }
0x4a: {  	_ =	shalt  }
0x4b: {  	_ =	shalt  }
0x4c: {  	_ =	shalt  }
0x4d: {  	_ =	shalt  }
0x4e: {  	_ =	shalt  }
0x4f: {  	_ =	shalt  }
0x50: {  	_ =	shalt  }
0x51: {  	_ =	shalt  }
0x52: {  	_ =	shalt  }
0x53: {  	_ =	shalt  }
0x54: {  	_ =	shalt  }
0x55: {  	_ =	shalt  }
0x56: {  	_ =	shalt  }
0x57: {  	_ =	shalt  }
0x58: {  	_ =	shalt  }
0x59: {  	_ =	shalt  }
0x5a: {  	_ =	shalt  }
0x5b: {  	_ =	shalt  }
0x5c: {  	_ =	shalt  }
0x5d: {  	_ =	shalt  }
0x5e: {  	_ =	shalt  }
0x5f: {  	_ =	shalt  }
0x60: {  	_ =	shalt  }
0x61: {  	_ =	shalt  }
0x62: {  	_ =	shalt  }
0x63: {  	_ =	shalt  }
0x64: {  	_ =	shalt  }
0x65: {  	_ =	shalt  }
0x66: {  	_ =	shalt  }
0x67: {  	_ =	shalt  }
0x68: {  	_ =	shalt  }
0x69: {  	_ =	shalt  }
0x6a: {  	_ =	shalt  }
0x6b: {  	_ =	shalt  }
0x6c: {  	_ =	shalt  }
0x6d: {  	_ =	shalt  }
0x6e: {  	_ =	shalt  }
0x6f: {  	_ =	shalt  }
0x70: {  	_ =	shalt  }
0x71: {  	_ =	shalt  }
0x72: {  	_ =	shalt  }
0x73: {  	_ =	shalt  }
0x74: {  	_ =	shalt  }
0x75: {  	_ =	shalt  }
0x76: {  	_ =	shalt  }
0x77: {  	_ =	shalt  }
0x78: {  	_ =	shalt  }
0x79: {  	_ =	shalt  }
0x7a: {  	_ =	shalt  }
0x7b: {  	_ =	shalt  }
0x7c: {  	_ =	shalt  }
0x7d: {  	_ =	shalt  }
0x7e: {  	_ =	shalt  }
0x7f: {  	_ =	shalt  }
0x80: {  	_ =	shalt  }
0x81: {  	_ =	shalt  }
0x82: {  	_ =	shalt  }
0x83: {  	_ =	shalt  }
0x84: {  	_ =	shalt  }
0x85: {  	_ =	shalt  }
0x86: {  	_ =	shalt  }
0x87: {  	_ =	shalt  }
.Lfunc_end0:
.L_simem_size_0:
called_computation.1_lowered:
.L_overlay_start_0:
0x88: {  	s2 =	sld [smem:$0x3FD9]  }
0x89: {  	s3 =	sld [smem:$0x3FFE];
	_ =	sdelay $0x1  }
0x8a: {  	s1 =	srdreg.scid  }
0x8b: {  	s0 =	sand.u32 $0x1, s1  }
0x8c: {  	s17 =	sshll.u32 s0, $0xA;
	s2 =	sadd.s32 s3, s2  }
0x8d: {  	s2 =	sadd.s32 s2, s17  }
0x8e: {  	[smem:$0x3FC2] =	sst s2  }
0x8f: {  	_ = 	snop  }
0x90: {  	s2 =	sld [smem:$0x3FD0];
	(tm) =	ssettm $0x1  }
0x91: {  	s18 =	sld [smem:$0x3FFB];
	_ =	sdelay $0x3  }
0x92: {  	_ =	strace s18  }
0x93: {  	s3 =	sld [smem:$0x3FFC];
	_ =	sdelay $0x3  }
0x94: {  	_ =	strace s3  }
0x95: {  	s3 =	sld [smem:$0x3FFD];
	_ =	sdelay $0x3  }
0x96: {  	_ =	strace s3  }
0x97: {  	_ =	strace $0x8FFFFFFF  }
0x98: {  	s19 =	sld [smem:$0x3FDB];
	_ =	sdelay $0x1  }
0x99: {  	s4 =	simm.s32 $_scs_section_size  }
0x9a: {  	s5 =	simm.s32 $_size__tile_overlayer_lowered;
	s6 =	simm.s32 $_tile_overlayer_lowered  }
0x9b: {  	s22 =	simm.s32 $0x1BFF;
	s21 =	sshll.u32 s6, $0x1;
	s3 =	sadd.s32 s4, s19  }
0x9c: {  	s7 =	simm.s32 $0x0;
	s20 =	sshll.u32 s5, $0x1;
	s5 =	sadd.s32 s21, s3  }
0x9d: {  	[timem:s7], [sflag:s22] =	dma.local [hbm:s5], s20  }
0x9e: {  	_ =	swait.ge [sflag:s22], s20  }
0x9f: {  	s4 =	ssub.s32 $0x0, s20;
	[sflag:s22] =	ssyncset.done $0x0  }
0xa0: {  	[sflag:s22] =	ssyncadd.s32 s4;
	_ =	sdelay $0x1  }
0xa1: {  	s23 =	simm.s32 $0x1B8B  }
0xa2: {  	_ =	swait.ge [sflag:s23], $0x1  }
0xa3: {  	[sflag:s23] =	ssyncset.done $0x0  }
0xa4: {  	s25 =	simm.s32 $0x1B8E;
	s24 =	sld [smem:$0x3FFE];
	[sflag:s23] =	ssyncadd.s32 $0xFFFFFFFF  }
0xa5: {  	s26 =	simm.s32 $execute0_lowered;
	[smem:$0x3FD2] =	sst s25  }
0xa6: {  	s5 =	sshll.u32 s26, $0x1;
	_ =	strace $0x80000049;
	[dreg:$0x1] =	wrdreg $0xFFFFFFFF  }
0xa7: {  	s28 =	simm.s32 $_size_execute0_lowered;
	s3 =	sadd.s32 s3, s5;
	[dreg:$0x0] =	wrdreg $0x0  }
0xa8: {  	s5 =	sshll.u32 s28, $0x1;
	[dreg:$0x2] =	wrdreg s3  }
0xa9: {  	[dreg:$0x3] =	wrdreg s5  }
0xaa: {  	[dreg:$0x4] =	wrdreg $0xC0  }
0xab: {  	_ =	task [dreg:s7], $0x5FFFF  }
0xac: {  	[dreg:$0x1] =	wrdreg $0xFFFFFFFF  }
0xad: {  	[dreg:$0x0] =	wrdreg $0x60  }
0xae: {  	[dreg:$0x2] =	wrdreg s2  }
0xaf: {  	[dreg:$0x3] =	wrdreg s24  }
0xb0: {  	[dreg:$0x4] =	wrdreg $0xA7800  }
0xb1: {  	[dreg:$0x5] =	wrdreg $0x9  }
0xb2: {  	_ =	task.clear_ibuf [dreg:s7], $0x6FFFF;
	_ =	strace $0x90000049  }
0xb3: {  	s29 =	simm.s32 $0x9;
	_ =	strace $0x8000004B  }
0xb4: {  	_ =	swait.ge [sflag:s29], $0x1  }
0xb5: {  	[sflag:s29] =	ssyncadd.s32 $0xFFFFFFFF  }
0xb6: {  	_ =	strace $0x9000004B  }
0xb7: {  	_ =	sfence  }
0xb8: {  	s30 =	sld [smem:$0x0];
	_ =	sdelay $0x2  }
0xb9: {  	s31 =	sshll.u32 s1, $0xD;
	s1 =	sshrl.u32 s1, $0x2  }
0xba: {  	s3 =	sand.u32 $0x4000, s31;
	s1 =	sadd.s32 s1, s30  }
0xbb: {  	s0 =	sor.u32 s3, s0;
	s1 =	sshll.u32 s1, $0x11  }
0xbc: {  	s0 =	sor.u32 s1, s0  }
0xbd: {  	s0 =	sadd.s32 $0x8F2B, s0  }
0xbe: {  	[sflag:s0] =	ssyncadd.remote.s32 $0x1  }
0xbf: {  	_ =	sfence.sel $0xFFFF  }
0xc0: {  	[dreg:$0x0] =	wrdreg $0xFFFFFFFF;
	(pc) =	sbr.abs _section_cstart, $3  }
0xc1: {  	[dreg:$0x1] =	wrdreg $0xFFFFFFFF  }
0xc2: {  	_ =	task.clear_ibuf [dreg:s7], $0x2FFFF;
	_ =	strace $0x9FFFFFFF  }
0xc3: {  	(tm) =	ssettm $0x7FFFFFFF  }
tec
execute0_lowered:
.L_overlay_start_1:
0x0: {  	(tag) =	ssettag $0x1  }
0x1: {  	s0 =	srdreg.scid;
	s1 =	rddreg [dreg:$0x0]  }
0x2: {  	s2 =	rddreg [dreg:$0x1];
	s8 =	stileid.u32  }
0x3: {  	s3 =	rddreg [dreg:$0x2];
	s5 =	simm.s32 $0x0;
	s20 =	simm.s32 $0xD  }
0x4: {  	s15 =	simm.s32 $0x28;
	s17 =	simm.s32 $0x2F80;
	s19 =	simm.s32 $0x4380  }
0x5: {  	s21 =	simm.s32 $0x5780;
	s28 =	simm.s32 $0x9380;
	s29 =	simm.s32 $0x1  }
0x6: {  	s31 =	simm.s32 $0x2;
	s10 =	simm.s32 $0x2D80;
	s13 =	simm.s32 $0x7  }
0x7: {  	s14 =	simm.s32 $0x8;
	s12 =	simm.s32 $0x9;
	s11 =	simm.s32 $0xA  }
0x8: {  	s16 =	simm.s32 $0x0;
	s0 =	sand.u32 $0x1, s0;
	s6 =	smul.u32 $0x4E000, s8  }
0x9: {  	[smem:$0x7FF] =	sst s5;
	s9 =	smul.u32 $0x2700, s8;
	s5 =	sadd.s32 $0x138000, s3  }
0xa: {  	s26 =	sadd.s32 $0x27000, s1;
	p0 =	sne.s32 s8, $0xF;
	s30 =	sshll.u32 s8, $0x6  }
0xb: {  	s4 =	sshll.u32 s0, $0x4;
	s22 =	smul.u32 $0x27100, s0;
	_ =	strace $0x8000004A  }
0xc: {  	s0 =	ssub.s32 $0x2, s0;
	[dreg:$0x7] =	wrdreg s26;
	s26 =	simm.s32 $0xC  }
0xd: {  	[dreg:$0xb] =	wrdreg s16;
	s4 =	sor.u32 s8, s4;
	s7 =	sshrl.u32 s0, $0x1  }
0xe: {  	s23 =	sshrl.u32 s6, $0x2;
	[dreg:$0x4] =	wrdreg s9;
	s25 =	sadd.s32 s1, s9  }
0xf: {  	s9 =	sor.u32 $0x1C0D, s30;
	s6 =	simm.s32 $0x4;
	s8 =	simm.s32 $0x5  }
0x10: {  	s4 =	smul.u32 $0x4E2, s4;
	s0 =	ssub.s32 s0, s7;
	s24 =	sadd.s32 s23, s3  }
0x11: {  	[dreg:$0x6] =	wrdreg s25;
	s23 =	simm.s32 $0x6B80;
	s25 =	simm.s32 $0x7F80  }
0x12: {  	s0 =	smax.u32 s0, $0x1;
	s4 =	sadd.s32 s4, s2;
	s2 =	sadd.s32 s22, s2  }
.Ltmp0:
0x13: {  	[dreg:$0x9] =	wrdreg s0;
	s22 =	sshrl.u32 s24, $0x3;
	(pc) =	sbr.rel .LBB2_1-.Ltmp0, $4  }
0x14: {  	s7 =	simm.s32 $0x2D00;
	s4 =	sadd.s32 $0x2000, s4;
	[dreg:$0xa] =	wrdreg s22  }
0x15: {  	s0 =	simm.s32 $0x3;
	s2 =	sadd.s32 $0xBE00, s2;
	[dreg:$0x5] =	wrdreg s4  }
0x16: {  	s24 =	simm.s32 $0xB;
	[dreg:$0x8] =	wrdreg s2;
	s2 =	sshrl.u32 @!p0 s5, $0x3  }
0x17: {  	s4 =	simm.s32 $0x2C80;
	s5 =	simm.s32 $0x6;
	[dreg:$0xc] =	wrdreg s2  }
.LBB2_4:
0x18: {  	_ =	swait.ge [sflag:s26], $0x1400  }
0x19: {  	[sflag:s26] =	ssyncset.done $0x0  }
0x1a: {  	[sflag:s26] =	ssyncadd.s32 $0xFFFFEC00  }
0x1b: {  	_ =	swait.ge [sflag:s29], $0x1400  }
0x1c: {  	[sflag:s29] =	ssyncset.done $0x0  }
0x1d: {  	[sflag:s29] =	ssyncadd.s32 $0xFFFFEC00  }
0x1e: {  	[spmem:s3] =	stream.indirect.scatter.add.f32 [tilespmem:s17], [sflag:$0x7], $0x80, s2, s15, $0xb8;
	[tilespmem:$0x1E000] =	vst v63  }
0x1f: {  	_ =	swait.ge [sflag:s31], $0x1400  }
0x20: {  	[sflag:s31] =	ssyncset.done $0x0  }
0x21: {  	[sflag:s31] =	ssyncadd.s32 $0xFFFFEC00  }
0x22: {  	[spmem:s3] =	stream.indirect.scatter.add.f32 [tilespmem:s19], [sflag:$0x8], $0x80, s30, s15, $0xb8;
	[tilespmem:$0x1E000] =	vst v63  }
0x23: {  	_ =	swait.ge [sflag:s0], $0x1400  }
0x24: {  	[sflag:s0] =	ssyncset.done $0x0  }
0x25: {  	[sflag:s0] =	ssyncadd.s32 $0xFFFFEC00  }
0x26: {  	[spmem:s3] =	stream.indirect.scatter.add.f32 [tilespmem:s21], [sflag:$0x9], $0x80, s4, s15, $0xb8;
	[tilespmem:$0x1E000] =	vst v63  }
0x27: {  	_ =	swait.ge [sflag:s6], $0x1400  }
0x28: {  	[sflag:s6] =	ssyncset.done $0x0  }
0x29: {  	[sflag:s6] =	ssyncadd.s32 $0xFFFFEC00  }
0x2a: {  	[spmem:s3] =	stream.indirect.scatter.add.f32 [tilespmem:s23], [sflag:$0xA], $0x80, s7, s15, $0xb8;
	[tilespmem:$0x1E000] =	vst v63  }
0x2b: {  	_ =	swait.ge [sflag:s13], $0x1400  }
0x2c: {  	[sflag:s13] =	ssyncset.done $0x0  }
0x2d: {  	[sflag:s13] =	ssyncadd.s32 $0xFFFFEC00  }
0x2e: {  	_ =	swait.ge [sflag:s14], $0x1400  }
0x2f: {  	[sflag:s14] =	ssyncset.done $0x0  }
0x30: {  	[sflag:s14] =	ssyncadd.s32 $0xFFFFEC00  }
0x31: {  	_ =	swait.ge [sflag:s12], $0x1400  }
0x32: {  	[sflag:s12] =	ssyncset.done $0x0  }
0x33: {  	[sflag:s12] =	ssyncadd.s32 $0xFFFFEC00  }
0x34: {  	_ =	swait.ge [sflag:s11], $0x1400  }
0x35: {  	[sflag:s11] =	ssyncset.done $0x0  }
0x36: {  	[sflag:s11] =	ssyncadd.s32 $0xFFFFEC00  }
0x37: {  	[bflag:$0x0] =	sbarrier.arrive $0xFFFF  }
0x38: {  	s16 =	rddreg [dreg:$0x4]  }
0x39: {  	s18 =	rddreg [dreg:$0x8]  }
0x3a: {  	s30 =	rddreg [dreg:$0xc]  }
0x3b: {  	s22 =	rddreg [dreg:$0xa];
	s16 =	sadd.s32 s16, s18  }
0x3c: {  	[hbm:s16], [sflag:s20] =	dma.local [spmem:s22], $0x2700  }
0x3d: {  	s10 =	smov.u32 s20;
	s20 =	simm.s32 $0xD  }
0x3e: {  	_ =	swait.ge [sflag:s20], $0x2700  }
0x3f: {  	[sflag:s20] =	ssyncset.done $0x0  }
0x40: {  	s16 =	sadd.s32 @!p0 $0x27000, s18;
	[sflag:s20] =	ssyncadd.s32 $0xFFFFD900  }
0x41: {  	[hbm:s16], [sflag:s10] =	dma.local @!p0 [spmem:s30], $0x100  }
0x42: {  	s16 =	simm.s32 @!p0 $0xD  }
0x43: {  	_ =	swait.ge @!p0 [sflag:s16], $0x100  }
0x44: {  	s9 =	smov.u32 s10;
	s18 =	rddreg [dreg:$0xb]  }
0x45: {  	s2 =	smov.u32 s30;
	s30 =	rddreg [dreg:$0x9];
	s10 =	sadd.s32 $0x1, s18  }
0x46: {  	p1 =	sne.s32 s10, s30  }
.Ltmp1:
0x47: {  	_ = 	snop;
	(pc) =	sbr.rel @!p1 .LBB2_5-.Ltmp1, $3  }
0x48: {  	_ =	sdelay $0x1  }
0x49: {  	[sflag:s16] =	ssyncset.done @!p0 $0x0  }
0x4a: {  	[sflag:s16] =	ssyncadd.s32 @!p0 $0xFFFFFF00;
	[dreg:$0xb] =	wrdreg s10;
	s10 =	simm.s32 $0x2D80  }
.LBB2_1:
0x4b: {  	s16 =	simm.s32 $0x0;
	s18 =	rddreg [dreg:$0x5]  }
0x4c: {  	[tilespmem:s16], [sflag:$0xD] =	stream.linear.gather [hbm4b:s18+s16], $0x2710, $0x38;
	[tilespmem:$0x1E000] =	vst v63  }
0x4d: {  	_ =	swait.ge [sflag:s20], $0x2710  }
0x4e: {  	[sflag:s20] =	ssyncset.done $0x0  }
0x4f: {  	s18 =	rddreg [dreg:$0x6];
	[sflag:s20] =	ssyncadd.s32 $0xFFFFD8F0  }
0x50: {  	[spmem:s22], [sflag:s9] =	dma.local [hbm:s18], $0x2700  }
0x51: {  	_ =	swait.ge [sflag:s20], $0x2700  }
0x52: {  	[sflag:s20] =	ssyncset.done $0x0  }
0x53: {  	s16 =	rddreg [dreg:$0x7];
	[sflag:s20] =	ssyncadd.s32 $0xFFFFD900  }
0x54: {  	[spmem:s2], [sflag:s9] =	dma.local @!p0 [hbm:s16], $0x100  }
0x55: {  	s16 =	simm.s32 @!p0 $0xD  }
0x56: {  	_ =	swait.ge @!p0 [sflag:s16], $0x100  }
0x57: {  	[sflag:s16] =	ssyncset.done @!p0 $0x0  }
0x58: {  	[sflag:s16] =	ssyncadd.s32 @!p0 $0xFFFFFF00  }
0x59: {  	[bflag:$0x0] =	sbarrier.arrive $0xFFFF  }
0x5a: {  	v0 =	vld [tilespmem:$0x0];
	_ =	sdelay $0x1  }
0x5b: {  	v1 =	vld [tilespmem:$0x10];
	_ =	sdelay $0x1  }
0x5c: {  	v2 =	vld [tilespmem:$0x18]  }
0x5d: {  	v3 =	vand.u32 $0x3FFF, v0  }
0x5e: {  	v0 =	vshrl.u32 v0, $0xE;
	[tilespmem:$0x2780] =	vst v3  }
0x5f: {  	v20 =	vand.u32 $0x3FFF, v1;
	[tilespmem:$0x2B80] =	vst v0  }
0x60: {  	v21 =	vshrl.u32 v1, $0xE;
	[tilespmem:$0x2790] =	vst v20  }
0x61: {  	v22 =	vand.u32 $0x3FFF, v2;
	[tilespmem:$0x2B90] =	vst v21  }
0x62: {  	v23 =	vshrl.u32 v2, $0xE;
	[tilespmem:$0x2798] =	vst v22  }
0x63: {  	s20 =	simm.s32 $0x2780;
	[tilespmem:$0x2B98] =	vst v23  }
0x64: {  	[tilespmem:s17], [sflag:$0x1] =	stream.indirect.gather [hbm4b:s1+s15], $0x80, s20, s15, $0xb8;
	[tilespmem:$0x1E000] =	vst v63  }
0x65: {  	v24 =	vld [tilespmem:$0x28];
	_ =	sdelay $0x1  }
0x66: {  	v25 =	vld [tilespmem:$0x38];
	_ =	sdelay $0x1  }
0x67: {  	v26 =	vld [tilespmem:$0x40]  }
0x68: {  	v27 =	vand.u32 $0x3FFF, v24  }
0x69: {  	v0 =	vshrl.u32 v24, $0xE;
	[tilespmem:$0x2800] =	vst v27  }
0x6a: {  	v28 =	vand.u32 $0x3FFF, v25;
	[tilespmem:$0x2C00] =	vst v0  }
0x6b: {  	v29 =	vshrl.u32 v25, $0xE;
	[tilespmem:$0x2810] =	vst v28  }
0x6c: {  	v30 =	vand.u32 $0x3FFF, v26;
	[tilespmem:$0x2C10] =	vst v29  }
0x6d: {  	v31 =	vshrl.u32 v26, $0xE;
	[tilespmem:$0x2818] =	vst v30  }
0x6e: {  	s22 =	simm.s32 $0x2800;
	[tilespmem:$0x2C18] =	vst v31  }
0x6f: {  	[tilespmem:s19], [sflag:$0x2] =	stream.indirect.gather [hbm4b:s1+s15], $0x80, s22, s15, $0xb8;
	[tilespmem:$0x1E000] =	vst v63  }
0x70: {  	v32 =	vld [tilespmem:$0x50];
	_ =	sdelay $0x1  }
0x71: {  	v33 =	vld [tilespmem:$0x60];
	_ =	sdelay $0x1  }
0x72: {  	v34 =	vld [tilespmem:$0x68]  }
0x73: {  	v35 =	vand.u32 $0x3FFF, v32  }
0x74: {  	v0 =	vshrl.u32 v32, $0xE;
	[tilespmem:$0x2880] =	vst v35  }
0x75: {  	v36 =	vand.u32 $0x3FFF, v33;
	[tilespmem:$0x2C80] =	vst v0  }
0x76: {  	v37 =	vshrl.u32 v33, $0xE;
	[tilespmem:$0x2890] =	vst v36  }
0x77: {  	v38 =	vand.u32 $0x3FFF, v34;
	[tilespmem:$0x2C90] =	vst v37  }
0x78: {  	v39 =	vshrl.u32 v34, $0xE;
	[tilespmem:$0x2898] =	vst v38  }
0x79: {  	s2 =	simm.s32 $0x2880;
	[tilespmem:$0x2C98] =	vst v39  }
0x7a: {  	[tilespmem:s21], [sflag:$0x3] =	stream.indirect.gather [hbm4b:s1+s15], $0x80, s2, s15, $0xb8;
	[tilespmem:$0x1E000] =	vst v63  }
0x7b: {  	v40 =	vld [tilespmem:$0x78];
	_ =	sdelay $0x1  }
0x7c: {  	v41 =	vld [tilespmem:$0x88];
	_ =	sdelay $0x1  }
0x7d: {  	v42 =	vld [tilespmem:$0x90]  }
0x7e: {  	v43 =	vand.u32 $0x3FFF, v40  }
0x7f: {  	v0 =	vshrl.u32 v40, $0xE;
	[tilespmem:$0x2900] =	vst v43  }
0x80: {  	v44 =	vand.u32 $0x3FFF, v41;
	[tilespmem:$0x2D00] =	vst v0  }
0x81: {  	v45 =	vshrl.u32 v41, $0xE;
	[tilespmem:$0x2910] =	vst v44  }
0x82: {  	v46 =	vand.u32 $0x3FFF, v42;
	[tilespmem:$0x2D10] =	vst v45  }
0x83: {  	v47 =	vshrl.u32 v42, $0xE;
	[tilespmem:$0x2918] =	vst v46  }
0x84: {  	s18 =	simm.s32 $0x2900;
	[tilespmem:$0x2D18] =	vst v47  }
0x85: {  	[tilespmem:s23], [sflag:$0x4] =	stream.indirect.gather [hbm4b:s1+s15], $0x80, s18, s15, $0xb8;
	[tilespmem:$0x1E000] =	vst v63  }
0x86: {  	v48 =	vld [tilespmem:$0xA0];
	_ =	sdelay $0x1  }
0x87: {  	v49 =	vld [tilespmem:$0xB0];
	_ =	sdelay $0x1  }
0x88: {  	v50 =	vld [tilespmem:$0xB8]  }
0x89: {  	v51 =	vand.u32 $0x3FFF, v48  }
0x8a: {  	v0 =	vshrl.u32 v48, $0xE;
	[tilespmem:$0x2980] =	vst v51  }
0x8b: {  	v52 =	vand.u32 $0x3FFF, v49;
	[tilespmem:$0x2D80] =	vst v0  }
0x8c: {  	v53 =	vshrl.u32 v49, $0xE;
	[tilespmem:$0x2990] =	vst v52  }
0x8d: {  	v54 =	vand.u32 $0x3FFF, v50;
	[tilespmem:$0x2D90] =	vst v53  }
0x8e: {  	v55 =	vshrl.u32 v50, $0xE;
	[tilespmem:$0x2998] =	vst v54  }
0x8f: {  	s20 =	simm.s32 $0x2980;
	[tilespmem:$0x2D98] =	vst v55  }
0x90: {  	[tilespmem:s25], [sflag:$0x5] =	stream.indirect.gather [hbm4b:s1+s15], $0x80, s20, s15, $0xb8;
	[tilespmem:$0x1E000] =	vst v63  }
0x91: {  	v56 =	vld [tilespmem:$0xC8];
	_ =	sdelay $0x1  }
0x92: {  	v57 =	vld [tilespmem:$0xD8];
	_ =	sdelay $0x1  }
0x93: {  	v58 =	vld [tilespmem:$0xE0]  }
0x94: {  	v59 =	vand.u32 $0x3FFF, v56  }
0x95: {  	v0 =	vshrl.u32 v56, $0xE;
	[tilespmem:$0x2A00] =	vst v59  }
0x96: {  	v60 =	vand.u32 $0x3FFF, v57;
	[tilespmem:$0x2E00] =	vst v0  }
0x97: {  	v61 =	vshrl.u32 v57, $0xE;
	[tilespmem:$0x2A10] =	vst v60  }
0x98: {  	v62 =	vand.u32 $0x3FFF, v58;
	[tilespmem:$0x2E10] =	vst v61  }
0x99: {  	s30 =	simm.s32 $0x2C00;
	s16 =	simm.s32 $0x740;
	s22 =	simm.s32 $0x2A00;
	v63 =	vshrl.u32 v58, $0xE;
	[tilespmem:$0x2A18] =	vst v62  }
0x9a: {  	s2 =	simm.s32 $0x2B80;
	s20 =	smov.u32 s9;
	s9 =	simm.s32 $0x2E00;
	[tilespmem:$0x2E18] =	vst v63  }
0x9b: {  	[tilespmem:s28], [sflag:$0x6] =	stream.indirect.gather [hbm4b:s1+s15], $0x80, s22, s15, $0xb8;
	[tilespmem:$0x1E000] =	vst v63  }
.LBB2_2:
0x9c: {  	_ =	swait.ge [sflag:s29], $0x1400  }
0x9d: {  	[sflag:s29] =	ssyncset.done $0x0  }
0x9e: {  	[sflag:s29] =	ssyncadd.s32 $0xFFFFEC00  }
0x9f: {  	[spmem:s3] =	stream.indirect.scatter.add.f32 [tilespmem:s17], [sflag:$0x7], $0x80, s2, s15, $0xb8;
	[tilespmem:$0x1E000] =	vst v63  }
0xa0: {  	_ =	swait.ge [sflag:s31], $0x1400  }
0xa1: {  	[sflag:s31] =	ssyncset.done $0x0  }
0xa2: {  	[sflag:s31] =	ssyncadd.s32 $0xFFFFEC00  }
0xa3: {  	[spmem:s3] =	stream.indirect.scatter.add.f32 [tilespmem:s19], [sflag:$0x8], $0x80, s30, s15, $0xb8;
	[tilespmem:$0x1E000] =	vst v63  }
0xa4: {  	_ =	swait.ge [sflag:s0], $0x1400  }
0xa5: {  	[sflag:s0] =	ssyncset.done $0x0  }
0xa6: {  	[sflag:s0] =	ssyncadd.s32 $0xFFFFEC00  }
0xa7: {  	[spmem:s3] =	stream.indirect.scatter.add.f32 [tilespmem:s21], [sflag:$0x9], $0x80, s4, s15, $0xb8;
	[tilespmem:$0x1E000] =	vst v63  }
0xa8: {  	_ =	swait.ge [sflag:s6], $0x1400  }
0xa9: {  	[sflag:s6] =	ssyncset.done $0x0  }
0xaa: {  	[sflag:s6] =	ssyncadd.s32 $0xFFFFEC00  }
0xab: {  	[spmem:s3] =	stream.indirect.scatter.add.f32 [tilespmem:s23], [sflag:$0xA], $0x80, s7, s15, $0xb8;
	[tilespmem:$0x1E000] =	vst v63  }
0xac: {  	_ =	swait.ge [sflag:s8], $0x1400  }
0xad: {  	[sflag:s8] =	ssyncset.done $0x0  }
0xae: {  	[sflag:s8] =	ssyncadd.s32 $0xFFFFEC00  }
0xaf: {  	[spmem:s3] =	stream.indirect.scatter.add.f32 [tilespmem:s25], [sflag:$0xB], $0x80, s10, s15, $0xb8;
	[tilespmem:$0x1E000] =	vst v63  }
0xb0: {  	_ =	swait.ge [sflag:s5], $0x1400  }
0xb1: {  	[sflag:s5] =	ssyncset.done $0x0  }
0xb2: {  	[sflag:s5] =	ssyncadd.s32 $0xFFFFEC00  }
0xb3: {  	[spmem:s3] =	stream.indirect.scatter.add.f32 [tilespmem:s28], [sflag:$0xC], $0x80, s9, s15, $0xb8;
	[tilespmem:$0x1E000] =	vst v63  }
0xb4: {  	_ =	swait.ge [sflag:s13], $0x1400  }
0xb5: {  	[sflag:s13] =	ssyncset.done $0x0  }
0xb6: {  	s18 =	sshra.s32 s16, $0x2;
	[sflag:s13] =	ssyncadd.s32 $0xFFFFEC00  }
0xb7: {  	v0 =	vld [tilespmem:s18+$0xFFFFFF20];
	_ =	sdelay $0x4  }
0xb8: {  	v1 =	vand.u32 $0x3FFF, v0  }
0xb9: {  	v0 =	vshrl.u32 v0, $0xE;
	[tilespmem:$0x2780] =	vst v1  }
0xba: {  	[tilespmem:$0x2B80] =	vst v0  }
0xbb: {  	v0 =	vld [tilespmem:s18+$0xFFFFFF30];
	_ =	sdelay $0x4  }
0xbc: {  	v50 =	vand.u32 $0x3FFF, v0  }
0xbd: {  	v0 =	vshrl.u32 v0, $0xE;
	[tilespmem:$0x2790] =	vst v50  }
0xbe: {  	[tilespmem:$0x2B90] =	vst v0  }
0xbf: {  	v0 =	vld [tilespmem:s18+$0xFFFFFF38];
	_ =	sdelay $0x4  }
0xc0: {  	v51 =	vand.u32 $0x3FFF, v0  }
0xc1: {  	v0 =	vshrl.u32 v0, $0xE;
	[tilespmem:$0x2798] =	vst v51  }
0xc2: {  	s22 =	simm.s32 $0x2780;
	[tilespmem:$0x2B98] =	vst v0  }
0xc3: {  	[tilespmem:s17], [sflag:$0x1] =	stream.indirect.gather [hbm4b:s1+s15], $0x80, s22, s15, $0xb8;
	[tilespmem:$0x1E000] =	vst v63  }
0xc4: {  	_ =	swait.ge [sflag:s14], $0x1400  }
0xc5: {  	[sflag:s14] =	ssyncset.done $0x0  }
0xc6: {  	[sflag:s14] =	ssyncadd.s32 $0xFFFFEC00  }
0xc7: {  	v52 =	vld [tilespmem:s18+$0xFFFFFF48];
	_ =	sdelay $0x4  }
0xc8: {  	v53 =	vand.u32 $0x3FFF, v52  }
0xc9: {  	v0 =	vshrl.u32 v52, $0xE;
	[tilespmem:$0x2800] =	vst v53  }
0xca: {  	[tilespmem:$0x2C00] =	vst v0  }
0xcb: {  	v0 =	vld [tilespmem:s18+$0xFFFFFF58];
	_ =	sdelay $0x4  }
0xcc: {  	v54 =	vand.u32 $0x3FFF, v0  }
0xcd: {  	v0 =	vshrl.u32 v0, $0xE;
	[tilespmem:$0x2810] =	vst v54  }
0xce: {  	[tilespmem:$0x2C10] =	vst v0  }
0xcf: {  	v0 =	vld [tilespmem:s18+$0xFFFFFF60];
	_ =	sdelay $0x4  }
0xd0: {  	v55 =	vand.u32 $0x3FFF, v0  }
0xd1: {  	v0 =	vshrl.u32 v0, $0xE;
	[tilespmem:$0x2818] =	vst v55  }
0xd2: {  	s22 =	simm.s32 $0x2800;
	[tilespmem:$0x2C18] =	vst v0  }
0xd3: {  	[tilespmem:s19], [sflag:$0x2] =	stream.indirect.gather [hbm4b:s1+s15], $0x80, s22, s15, $0xb8;
	[tilespmem:$0x1E000] =	vst v63  }
0xd4: {  	_ =	swait.ge [sflag:s12], $0x1400  }
0xd5: {  	[sflag:s12] =	ssyncset.done $0x0  }
0xd6: {  	[sflag:s12] =	ssyncadd.s32 $0xFFFFEC00  }
0xd7: {  	v56 =	vld [tilespmem:s18+$0xFFFFFF70];
	_ =	sdelay $0x4  }
0xd8: {  	v57 =	vand.u32 $0x3FFF, v56  }
0xd9: {  	v0 =	vshrl.u32 v56, $0xE;
	[tilespmem:$0x2880] =	vst v57  }
0xda: {  	[tilespmem:$0x2C80] =	vst v0  }
0xdb: {  	v0 =	vld [tilespmem:s18+$0xFFFFFF80];
	_ =	sdelay $0x4  }
0xdc: {  	v58 =	vand.u32 $0x3FFF, v0  }
0xdd: {  	v0 =	vshrl.u32 v0, $0xE;
	[tilespmem:$0x2890] =	vst v58  }
0xde: {  	[tilespmem:$0x2C90] =	vst v0  }
0xdf: {  	v0 =	vld [tilespmem:s18+$0xFFFFFF88];
	_ =	sdelay $0x4  }
0xe0: {  	v59 =	vand.u32 $0x3FFF, v0  }
0xe1: {  	v0 =	vshrl.u32 v0, $0xE;
	[tilespmem:$0x2898] =	vst v59  }
0xe2: {  	s22 =	simm.s32 $0x2880;
	[tilespmem:$0x2C98] =	vst v0  }
0xe3: {  	[tilespmem:s21], [sflag:$0x3] =	stream.indirect.gather [hbm4b:s1+s15], $0x80, s22, s15, $0xb8;
	[tilespmem:$0x1E000] =	vst v63  }
0xe4: {  	_ =	swait.ge [sflag:s11], $0x1400  }
0xe5: {  	[sflag:s11] =	ssyncset.done $0x0  }
0xe6: {  	[sflag:s11] =	ssyncadd.s32 $0xFFFFEC00  }
0xe7: {  	v60 =	vld [tilespmem:s18+$0xFFFFFF98];
	_ =	sdelay $0x4  }
0xe8: {  	v61 =	vand.u32 $0x3FFF, v60  }
0xe9: {  	v0 =	vshrl.u32 v60, $0xE;
	[tilespmem:$0x2900] =	vst v61  }
0xea: {  	[tilespmem:$0x2D00] =	vst v0  }
0xeb: {  	v0 =	vld [tilespmem:s18+$0xFFFFFFA8];
	_ =	sdelay $0x4  }
0xec: {  	v62 =	vand.u32 $0x3FFF, v0  }
0xed: {  	v0 =	vshrl.u32 v0, $0xE;
	[tilespmem:$0x2910] =	vst v62  }
0xee: {  	[tilespmem:$0x2D10] =	vst v0  }
0xef: {  	v0 =	vld [tilespmem:s18+$0xFFFFFFB0];
	_ =	sdelay $0x4  }
0xf0: {  	v63 =	vand.u32 $0x3FFF, v0  }
0xf1: {  	p1 =	seq.s32 s16, $0x9D40;
	v0 =	vshrl.u32 v0, $0xE;
	[tilespmem:$0x2918] =	vst v63  }
.Ltmp2:
0xf2: {  	s22 =	simm.s32 $0x2900;
	[tilespmem:$0x2D18] =	vst v0;
	(pc) =	sbr.rel @p1 .LBB2_4-.Ltmp2, $4  }
0xf3: {  	[tilespmem:s23], [sflag:$0x4] =	stream.indirect.gather [hbm4b:s1+s15], $0x80, s22, s15, $0xb8;
	[tilespmem:$0x1E000] =	vst v63  }
0xf4: {  	_ =	swait.ge [sflag:s24], $0x1400  }
0xf5: {  	[sflag:s24] =	ssyncset.done $0x0  }
0xf6: {  	[sflag:s24] =	ssyncadd.s32 $0xFFFFEC00  }
0xf7: {  	v0 =	vld [tilespmem:s18+$0xFFFFFFC0];
	_ =	sdelay $0x4  }
0xf8: {  	v1 =	vand.u32 $0x3FFF, v0  }
0xf9: {  	v0 =	vshrl.u32 v0, $0xE;
	[tilespmem:$0x2980] =	vst v1  }
0xfa: {  	[tilespmem:$0x2D80] =	vst v0  }
0xfb: {  	v0 =	vld [tilespmem:s18+$0xFFFFFFD0];
	_ =	sdelay $0x4  }
0xfc: {  	v58 =	vand.u32 $0x3FFF, v0  }
0xfd: {  	v0 =	vshrl.u32 v0, $0xE;
	[tilespmem:$0x2990] =	vst v58  }
0xfe: {  	[tilespmem:$0x2D90] =	vst v0  }
0xff: {  	v0 =	vld [tilespmem:s18+$0xFFFFFFD8];
	_ =	sdelay $0x4  }
0x100: {  	v59 =	vand.u32 $0x3FFF, v0  }
0x101: {  	v0 =	vshrl.u32 v0, $0xE;
	[tilespmem:$0x2998] =	vst v59  }
0x102: {  	s22 =	simm.s32 $0x2980;
	[tilespmem:$0x2D98] =	vst v0  }
0x103: {  	[tilespmem:s25], [sflag:$0x5] =	stream.indirect.gather [hbm4b:s1+s15], $0x80, s22, s15, $0xb8;
	[tilespmem:$0x1E000] =	vst v63  }
0x104: {  	_ =	swait.ge [sflag:s26], $0x1400  }
0x105: {  	[sflag:s26] =	ssyncset.done $0x0  }
0x106: {  	[sflag:s26] =	ssyncadd.s32 $0xFFFFEC00  }
0x107: {  	v60 =	vld [tilespmem:s18+$0xFFFFFFE8];
	_ =	sdelay $0x4  }
0x108: {  	v61 =	vand.u32 $0x3FFF, v60  }
0x109: {  	v0 =	vshrl.u32 v60, $0xE;
	[tilespmem:$0x2A00] =	vst v61  }
0x10a: {  	[tilespmem:$0x2E00] =	vst v0  }
0x10b: {  	v0 =	vld [tilespmem:s18+$0xFFFFFFF8];
	_ =	sdelay $0x4  }
0x10c: {  	v62 =	vand.u32 $0x3FFF, v0  }
0x10d: {  	v0 =	vshrl.u32 v0, $0xE;
	[tilespmem:$0x2A10] =	vst v62  }
0x10e: {  	[tilespmem:$0x2E10] =	vst v0  }
0x10f: {  	v0 =	vld [tilespmem:s18+$0x0];
	_ =	sdelay $0x3  }
.Ltmp3:
0x110: {  	_ = 	snop;
	(pc) =	sbr.rel .LBB2_2-.Ltmp3, $4  }
0x111: {  	v63 =	vand.u32 $0x3FFF, v0  }
0x112: {  	v0 =	vshrl.u32 v0, $0xE;
	[tilespmem:$0x2A18] =	vst v63  }
0x113: {  	s16 =	sadd.s32 $0x3C0, s16;
	s22 =	simm.s32 $0x2A00;
	[tilespmem:$0x2E18] =	vst v0  }
0x114: {  	[tilespmem:s28], [sflag:$0x6] =	stream.indirect.gather [hbm4b:s1+s15], $0x80, s22, s15, $0xb8;
	[tilespmem:$0x1E000] =	vst v63  }
.LBB2_5:
0x115: {  	_ =	sfence.sel $0x180000  }
0x116: {  	[bflag:$0x0] =	sbarrier.arrive $0xFFFF  }
0x117: {  	_ =	strace $0x9000004A  }
0x118: {  	s0 =	stileid.u32;
	[bflag:$0x2] =	sbarrier.arrive $0xFFFF  }
0x119: {  	p0 =	sne.s32 s0, $0x0;
	s0 =	rddreg [dreg:$0x3]  }
0x11a: {  	s0 =	sadd.s32 @!p0 $0x100000, s0  }
0x11b: {  	[sflag:s0] =	ssyncadd.tile.s32 @!p0 $0x1;
	_ =	shalt  }
.Lfunc_end2:
_tile_overlayer_lowered:
.L_overlay_start_2:
0x11c: {  	(tag) =	ssettag $0x2  }
0x11d: {  	s0 =	rddreg [dreg:$0x0];
	s2 =	stileid.u32  }
0x11e: {  	s1 =	rddreg [dreg:$0x1];
	p0 =	sne.s32 s2, $0x0  }
0x11f: {  	s3 =	rddreg [dreg:$0x2];
	[bflag:$0x3] =	sbarrier.arrive $0xFFFF;
	s2 =	simm.s32 @!p0 $0x1C0D  }
0x120: {  	[timem:s3], [sflag:s2] =	dma.local @!p0 [hbm:s0], s1  }
0x121: {  	s0 =	simm.s32 @!p0 $0xD  }
0x122: {  	_ =	swait.ge @!p0 [sflag:s0], s1  }
0x123: {  	s1 =	ssub.s32 @!p0 $0x0, s1;
	[sflag:s0] =	ssyncset.done @!p0 $0x0  }
0x124: {  	[sflag:s0] =	ssyncadd.s32 @!p0 s1  }
0x125: {  	[bflag:$0x3] =	sbarrier.arrive $0xFFFF  }
0x126: {  	_ =	shalt  }

// kernel: kernel.7.cloned.1.call-start
scs
__scs_entry_jumppad:
0x0: {  	(pc) =	sbr.rel $0x88, $3  }
0x1: {  	(tag) =	ssettag $0x0;
	lr =	simm.s32 $0x1  }
0x2: {  	[smem:$0x3F9B] =	sst lr;
	_ =	strace $0xD0000000  }
0x3: {  	_ = 	snop  }
0x4: {  	_ = 	snop  }
0x5: {  	_ = 	snop  }
0x6: {  	_ = 	snop  }
0x7: {  	_ = 	snop  }
__scs_overlays_trampoline_lowered:
0x8: {  	[smem:$0x3FAA] =	sst s0  }
0x9: {  	[smem:$0x3FAB] =	sst s1  }
0xa: {  	[smem:$0x3FAC] =	sst s2  }
0xb: {  	[smem:$0x3FAD] =	sst s3  }
0xc: {  	[smem:$0x3FAE] =	sst s4  }
0xd: {  	[smem:$0x3FAF] =	sst s5  }
0xe: {  	[smem:$0x3FB0] =	sst s6  }
0xf: {  	[smem:$0x3FB1] =	sst s7  }
0x10: {  	[smem:$0x3FB2] =	sst s8  }
0x11: {  	[smem:$0x3FB3] =	sst s9;
	s0 =	simm.s32 @!p0 $0x0  }
0x12: {  	s1 =	sld [smem:$0x3F99];
	s0 =	simm.s32 @p0 $0x1  }
0x13: {  	[smem:$0x3FB4] =	sst s0;
	s0 =	simm.s32 @!p1 $0x0  }
0x14: {  	s2 =	sld [smem:$0x3F98];
	s0 =	simm.s32 @p1 $0x1  }
0x15: {  	[smem:$0x3FB5] =	sst s0;
	s0 =	simm.s32 @!p2 $0x0  }
0x16: {  	s3 =	sld [smem:$0x3FDB];
	s0 =	simm.s32 @p2 $0x1  }
0x17: {  	s4 =	simm.s32 $0x1BF5;
	[smem:$0x3FB7] =	sst s0  }
0x18: {  	s0 =	sld [smem:$0x3F9A];
	_ =	swait.ge [sflag:s4], $0x0  }
0x19: {  	s7 =	sld [smem:$0x3F9B]  }
0x1a: {  	s8 =	sadd.s32 $0xFFFFE003, lr  }
0x1b: {  	s9 =	sadd.s32 $0xFFFFFEF7, lr;
	s5 =	simm.s32 $0xFFFFFFFF;
	p2 =	slt.u32 s8, $0xFFFFF086  }
0x1c: {  	p1 =	slt.u32 s9, $0xF7A;
	s5 =	simm.s32 @!p2 $0x0  }
0x1d: {  	s5 =	simm.s32 @p1 $0x1;
	p0 =	seq.s32 s7, s2  }
0x1e: {  	s7 =	smul.u32 @!p0 $0xF7A, s2;
	p2 =	seq.s32 @!p0 s5, $0x0  }
0x1f: {  	s9 =	smul.u32 $0xF7A, s1;
	s8 =	simm.s32 @!p0 $0x1BF5;
	p2 =	por !p2, p0  }
0x20: {  	[sflag:s8] =	ssyncset.s32 @!p0 $0xFFFFF086;
	s6 =	sadd.s32 @!p0 s3, s7;
	s7 =	simm.s32 @!p0 $0x108  }
0x21: {  	s3 =	sadd.s32 s3, s9;
	s6 =	sadd.s32 @!p0 $0x88, s6;
	s7 =	simm.s32 @p2 $0x1082  }
0x22: {  	[simem:s7], [sflag:s8] =	dma.local @!p0 [hbm:s6], $0xF7A  }
0x23: {  	s9 =	sor.u32 $0xD0000000, s2;
	s6 =	simm.s32 $0x108;
	_ =	swait.ge @!p0 [sflag:s8], $0x0  }
0x24: {  	s3 =	sadd.s32 $0x88, s3;
	s6 =	simm.s32 @!p1 $0x1082;
	[sflag:s4] =	ssyncset.s32 $0xFFFFF086  }
0x25: {  	[simem:s6], [sflag:s4] =	dma.local [hbm:s3], $0xF7A  }
0x26: {  	[smem:$0x3F9B] =	sst s1;
	(tag) =	ssettag s2;
	_ =	strace s9  }
0x27: {  	s1 =	sld [smem:$0x3FAB]  }
0x28: {  	s2 =	sld [smem:$0x3FAC]  }
0x29: {  	s4 =	sld [smem:$0x3FAE]  }
0x2a: {  	p0 =	seq.s32 s5, $0x0;
	s5 =	sld [smem:$0x3FAF]  }
0x2b: {  	s6 =	sld [smem:$0x3FB0]  }
0x2c: {  	s7 =	sld [smem:$0x3FB1]  }
0x2d: {  	s3 =	simm.s32 $0x108;
	s8 =	sld [smem:$0x3FB2]  }
0x2e: {  	s3 =	simm.s32 @!p0 $0x1082;
	s9 =	sld [smem:$0x3FB3]  }
0x2f: {  	lr =	sadd.s32 s0, s3;
	s0 =	sld [smem:$0x3FAA]  }
0x30: {  	s3 =	sld [smem:$0x3FAD]  }
0x31: {  	[smem:$0x3FB6] =	sst s10  }
0x32: {  	s10 =	sld [smem:$0x3FB4];
	_ =	sdelay $0x3  }
0x33: {  	p0 =	seq.s32 s10, $0x1;
	s10 =	sld [smem:$0x3FB6];
	_ =	sdelay $0x3  }
0x34: {  	[smem:$0x3FB6] =	sst s10  }
0x35: {  	s10 =	sld [smem:$0x3FB5];
	_ =	sdelay $0x3  }
0x36: {  	p1 =	seq.s32 s10, $0x1;
	s10 =	sld [smem:$0x3FB6];
	_ =	sdelay $0x3  }
0x37: {  	[smem:$0x3FB6] =	sst s10  }
0x38: {  	s10 =	sld [smem:$0x3FB7]  }
0x39: {  	_ = 	snop;
	(pc) =	sbr.ind lr, $3  }
0x3a: {  	_ = 	snop  }
0x3b: {  	_ = 	snop  }
0x3c: {  	p2 =	seq.s32 s10, $0x1;
	s10 =	sld [smem:$0x3FB6]  }
0x3d: {  	_ =	shalt  }
0x3e: {  	_ =	shalt  }
0x3f: {  	_ =	shalt  }
0x40: {  	_ =	shalt  }
0x41: {  	_ =	shalt  }
0x42: {  	_ =	shalt  }
0x43: {  	_ =	shalt  }
0x44: {  	_ =	shalt  }
0x45: {  	_ =	shalt  }
0x46: {  	_ =	shalt  }
0x47: {  	_ =	shalt  }
0x48: {  	_ =	shalt  }
0x49: {  	_ =	shalt  }
0x4a: {  	_ =	shalt  }
0x4b: {  	_ =	shalt  }
0x4c: {  	_ =	shalt  }
0x4d: {  	_ =	shalt  }
0x4e: {  	_ =	shalt  }
0x4f: {  	_ =	shalt  }
0x50: {  	_ =	shalt  }
0x51: {  	_ =	shalt  }
0x52: {  	_ =	shalt  }
0x53: {  	_ =	shalt  }
0x54: {  	_ =	shalt  }
0x55: {  	_ =	shalt  }
0x56: {  	_ =	shalt  }
0x57: {  	_ =	shalt  }
0x58: {  	_ =	shalt  }
0x59: {  	_ =	shalt  }
0x5a: {  	_ =	shalt  }
0x5b: {  	_ =	shalt  }
0x5c: {  	_ =	shalt  }
0x5d: {  	_ =	shalt  }
0x5e: {  	_ =	shalt  }
0x5f: {  	_ =	shalt  }
0x60: {  	_ =	shalt  }
0x61: {  	_ =	shalt  }
0x62: {  	_ =	shalt  }
0x63: {  	_ =	shalt  }
0x64: {  	_ =	shalt  }
0x65: {  	_ =	shalt  }
0x66: {  	_ =	shalt  }
0x67: {  	_ =	shalt  }
0x68: {  	_ =	shalt  }
0x69: {  	_ =	shalt  }
0x6a: {  	_ =	shalt  }
0x6b: {  	_ =	shalt  }
0x6c: {  	_ =	shalt  }
0x6d: {  	_ =	shalt  }
0x6e: {  	_ =	shalt  }
0x6f: {  	_ =	shalt  }
0x70: {  	_ =	shalt  }
0x71: {  	_ =	shalt  }
0x72: {  	_ =	shalt  }
0x73: {  	_ =	shalt  }
0x74: {  	_ =	shalt  }
0x75: {  	_ =	shalt  }
0x76: {  	_ =	shalt  }
0x77: {  	_ =	shalt  }
0x78: {  	_ =	shalt  }
0x79: {  	_ =	shalt  }
0x7a: {  	_ =	shalt  }
0x7b: {  	_ =	shalt  }
0x7c: {  	_ =	shalt  }
0x7d: {  	_ =	shalt  }
0x7e: {  	_ =	shalt  }
0x7f: {  	_ =	shalt  }
0x80: {  	_ =	shalt  }
0x81: {  	_ =	shalt  }
0x82: {  	_ =	shalt  }
0x83: {  	_ =	shalt  }
0x84: {  	_ =	shalt  }
0x85: {  	_ =	shalt  }
0x86: {  	_ =	shalt  }
0x87: {  	_ =	shalt  }
.Lfunc_end0:
.L_simem_size_0:
called_computation_lowered:
.L_overlay_start_0:
0x88: {  	s2 =	sld [smem:$0x3FD9]  }
0x89: {  	s3 =	sld [smem:$0x3FFE];
	_ =	sdelay $0x1  }
0x8a: {  	s1 =	srdreg.scid  }
0x8b: {  	s0 =	sand.u32 $0x1, s1  }
0x8c: {  	s17 =	sshll.u32 s0, $0xA;
	s2 =	sadd.s32 s3, s2  }
0x8d: {  	s2 =	sadd.s32 s2, s17  }
0x8e: {  	[smem:$0x3FC2] =	sst s2  }
0x8f: {  	_ = 	snop  }
0x90: {  	s2 =	sld [smem:$0x3FD0];
	(tm) =	ssettm $0x1  }
0x91: {  	s18 =	sld [smem:$0x3FFB];
	_ =	sdelay $0x3  }
0x92: {  	_ =	strace s18  }
0x93: {  	s3 =	sld [smem:$0x3FFC];
	_ =	sdelay $0x3  }
0x94: {  	_ =	strace s3  }
0x95: {  	s3 =	sld [smem:$0x3FFD];
	_ =	sdelay $0x3  }
0x96: {  	_ =	strace s3  }
0x97: {  	_ =	strace $0x8FFFFFFF  }
0x98: {  	s19 =	sld [smem:$0x3FDB];
	_ =	sdelay $0x1  }
0x99: {  	s4 =	simm.s32 $_scs_section_size  }
0x9a: {  	s5 =	simm.s32 $_size__tile_overlayer_lowered;
	s6 =	simm.s32 $_tile_overlayer_lowered  }
0x9b: {  	s22 =	simm.s32 $0x1BFF;
	s21 =	sshll.u32 s6, $0x1;
	s3 =	sadd.s32 s4, s19  }
0x9c: {  	s7 =	simm.s32 $0x0;
	s20 =	sshll.u32 s5, $0x1;
	s5 =	sadd.s32 s21, s3  }
0x9d: {  	[timem:s7], [sflag:s22] =	dma.local [hbm:s5], s20  }
0x9e: {  	_ =	swait.ge [sflag:s22], s20  }
0x9f: {  	s4 =	ssub.s32 $0x0, s20;
	[sflag:s22] =	ssyncset.done $0x0  }
0xa0: {  	[sflag:s22] =	ssyncadd.s32 s4;
	_ =	sdelay $0x1  }
0xa1: {  	s23 =	simm.s32 $0x1B8B  }
0xa2: {  	_ =	swait.ge [sflag:s23], $0x1  }
0xa3: {  	[sflag:s23] =	ssyncset.done $0x0  }
0xa4: {  	s25 =	simm.s32 $0x1B8E;
	s24 =	sld [smem:$0x3FFE];
	[sflag:s23] =	ssyncadd.s32 $0xFFFFFFFF  }
0xa5: {  	s26 =	simm.s32 $execute0_lowered;
	[smem:$0x3FD2] =	sst s25  }
0xa6: {  	s5 =	sshll.u32 s26, $0x1;
	_ =	strace $0x80000046;
	[dreg:$0x1] =	wrdreg $0xFFFFFFFF  }
0xa7: {  	s28 =	simm.s32 $_size_execute0_lowered;
	s3 =	sadd.s32 s3, s5;
	[dreg:$0x0] =	wrdreg $0x0  }
0xa8: {  	s5 =	sshll.u32 s28, $0x1;
	[dreg:$0x2] =	wrdreg s3  }
0xa9: {  	[dreg:$0x3] =	wrdreg s5  }
0xaa: {  	[dreg:$0x4] =	wrdreg $0xC0  }
0xab: {  	_ =	task [dreg:s7], $0x5FFFF  }
0xac: {  	[dreg:$0x1] =	wrdreg $0xFFFFFFFF  }
0xad: {  	[dreg:$0x0] =	wrdreg $0x60  }
0xae: {  	[dreg:$0x2] =	wrdreg s24  }
0xaf: {  	[dreg:$0x3] =	wrdreg s2  }
0xb0: {  	[dreg:$0x4] =	wrdreg $0xA8000  }
0xb1: {  	[dreg:$0x5] =	wrdreg $0x9  }
0xb2: {  	_ =	task.clear_ibuf [dreg:s7], $0x6FFFF;
	_ =	strace $0x90000046  }
0xb3: {  	s29 =	simm.s32 $0x9;
	_ =	strace $0x80000048  }
0xb4: {  	_ =	swait.ge [sflag:s29], $0x1  }
0xb5: {  	[sflag:s29] =	ssyncadd.s32 $0xFFFFFFFF  }
0xb6: {  	_ =	strace $0x90000048  }
0xb7: {  	_ =	sfence  }
0xb8: {  	s30 =	sld [smem:$0x0];
	_ =	sdelay $0x2  }
0xb9: {  	s31 =	sshll.u32 s1, $0xD;
	s1 =	sshrl.u32 s1, $0x2  }
0xba: {  	s3 =	sand.u32 $0x4000, s31;
	s1 =	sadd.s32 s1, s30  }
0xbb: {  	s0 =	sor.u32 s3, s0;
	s1 =	sshll.u32 s1, $0x11  }
0xbc: {  	s0 =	sor.u32 s1, s0  }
0xbd: {  	s0 =	sadd.s32 $0x8F2B, s0  }
0xbe: {  	[sflag:s0] =	ssyncadd.remote.s32 $0x1  }
0xbf: {  	_ =	sfence.sel $0xFFFF  }
0xc0: {  	[dreg:$0x0] =	wrdreg $0xFFFFFFFF;
	(pc) =	sbr.abs _section_cstart, $3  }
0xc1: {  	[dreg:$0x1] =	wrdreg $0xFFFFFFFF  }
0xc2: {  	_ =	task.clear_ibuf [dreg:s7], $0x2FFFF;
	_ =	strace $0x9FFFFFFF  }
0xc3: {  	(tm) =	ssettm $0x7FFFFFFF  }
tec
execute0_lowered:
.L_overlay_start_1:
0x0: {  	(tag) =	ssettag $0x1  }
0x1: {  	s0 =	srdreg.scid;
	s3 =	rddreg [dreg:$0x0]  }
0x2: {  	s5 =	rddreg [dreg:$0x1];
	s7 =	stileid.u32  }
0x3: {  	s1 =	rddreg [dreg:$0x2];
	s2 =	simm.s32 $0x0;
	s10 =	simm.s32 $0xA780  }
0x4: {  	s11 =	simm.s32 $0x1;
	s4 =	sand.u32 $0x1, s0;
	s0 =	rddreg [dreg:$0x3]  }
0x5: {  	s12 =	simm.s32 $0x0;
	[smem:$0x7FF] =	sst s2;
	s6 =	sshll.u32 s4, $0x4  }
0x6: {  	p0 =	sne.s32 s7, $0x0;
	s4 =	ssub.s32 $0x2, s4;
	s8 =	sor.u32 s7, s6  }
0x7: {  	_ =	strace $0x80000047;
	s9 =	sshrl.u32 s4, $0x1;
	s8 =	smul.u32 $0x4E2, s8  }
0x8: {  	s5 =	sadd.s32 s5, s6;
	s7 =	simm.s32 $0x2;
	s9 =	ssub.s32 s4, s9  }
0x9: {  	s6 =	smax.u32 s9, $0x1;
	s9 =	simm.s32 $0x28;
	s8 =	sadd.s32 s8, s3  }
0xa: {  	v0 =	vimm.f32 $1.000000000e+00;
	s3 =	sadd.s32 $0xBE00, s3;
	s4 =	sadd.s32 $0x2000, s8;
	s8 =	sshrl.u32 @!p0 s1, $0x3  }
.LBB2_1:
0xb: {  	[tilespmem:s2], [sflag:$0x2] =	stream.linear.gather [hbm4b:s4+s2], $0x2710, $0x38;
	[tilespmem:$0xAA78] =	vst v63  }
0xc: {  	_ =	swait.ge [sflag:s7], $0x2710  }
0xd: {  	[sflag:s7] =	ssyncset.done $0x0  }
0xe: {  	s14 =	simm.s32 $0x18;
	[sflag:s7] =	ssyncadd.s32 $0xFFFFD8F0  }
0xf: {  	v1 =	vld [tilespmem:s14+$0xFFFFFFE8];
	_ =	sdelay $0x4  }
0x10: {  	s13 =	simm.s32 $0x2798;
	v1 =	vshrl.u32 v1, $0xE  }
0x11: {  	[tilespmem:s13+$0xFFFFFFE8] =	vst v1  }
0x12: {  	v1 =	vld [tilespmem:s14+$0xFFFFFFF8];
	_ =	sdelay $0x4  }
0x13: {  	v1 =	vshrl.u32 v1, $0xE  }
0x14: {  	[tilespmem:s13+$0xFFFFFFF8] =	vst v1  }
0x15: {  	v1 =	vld [tilespmem:s14+$0x0];
	_ =	sdelay $0x4  }
0x16: {  	v1 =	vshrl.u32 v1, $0xE  }
0x17: {  	s15 =	simm.s32 $0x1A0;
	s14 =	simm.s32 $0x40;
	[tilespmem:s13+$0x0] =	vst v1  }
.LBB2_2:
0x18: {  	p1 =	sne.s32 s15, $0x9C00;
	v1 =	vld [tilespmem:s14+$0xFFFFFFE8];
	_ =	sdelay $0x4  }
0x19: {  	s13 =	sadd.s32 $0x80, s13;
	v1 =	vshrl.u32 v1, $0xE  }
0x1a: {  	[tilespmem:s13+$0xFFFFFFE8] =	vst v1  }
0x1b: {  	v1 =	vld [tilespmem:s14+$0xFFFFFFF8];
	_ =	sdelay $0x4  }
0x1c: {  	v1 =	vshrl.u32 v1, $0xE  }
0x1d: {  	[tilespmem:s13+$0xFFFFFFF8] =	vst v1  }
0x1e: {  	v1 =	vld [tilespmem:s14+$0x0];
	_ =	sdelay $0x1  }
.Ltmp0:
0x1f: {  	(pc) =	sbr.rel @p1 .LBB2_2-.Ltmp0, $3  }
0x20: {  	_ =	sdelay $0x1  }
0x21: {  	v1 =	vshrl.u32 v1, $0xE  }
0x22: {  	s14 =	sshra.s32 s15, $0x2;
	s15 =	sadd.s32 $0xA0, s15;
	[tilespmem:s13+$0x0] =	vst v1  }
0x23: {  	v1 =	vld [tilespmem:s14+$0xFFFFFFE8];
	_ =	sdelay $0x4  }
0x24: {  	s13 =	sadd.s32 $0x80, s13;
	v1 =	vshrl.u32 v1, $0xE  }
0x25: {  	[tilespmem:s13+$0xFFFFFFE8] =	vst v1  }
0x26: {  	v1 =	vld [tilespmem:s14+$0xFFFFFFF8];
	_ =	sdelay $0x4  }
0x27: {  	v1 =	vshrl.u32 v1, $0xE  }
0x28: {  	[tilespmem:s13+$0xFFFFFFF8] =	vst v1  }
0x29: {  	v1 =	vld [tilespmem:s14+$0x0];
	_ =	sdelay $0x4  }
0x2a: {  	v1 =	vshrl.u32 v1, $0xE  }
0x2b: {  	[tilespmem:s13+$0x0] =	vst v1  }
0x2c: {  	[tilespmem:$0xA780] =	vst v0  }
0x2d: {  	[tilespmem:$0xA790] =	vst v0  }
0x2e: {  	s13 =	simm.s32 @!p0 $0x1C02;
	[tilespmem:$0xA798] =	vst v0  }
0x2f: {  	[spmem:s8], [sflag:s13] =	dma.local @!p0 [hbm:s3], $0x4F0  }
0x30: {  	s13 =	simm.s32 @!p0 $0x2  }
0x31: {  	_ =	swait.ge @!p0 [sflag:s13], $0x4F0  }
0x32: {  	[sflag:s13] =	ssyncset.done @!p0 $0x0  }
0x33: {  	[sflag:s13] =	ssyncadd.s32 @!p0 $0xFFFFFB10  }
0x34: {  	s13 =	simm.s32 $0x0;
	[bflag:$0x0] =	sbarrier.arrive $0xFFFF  }
.LBB2_4:
0x35: {  	p1 =	sne.s32 s13, $0x1F200  }
.Ltmp1:
0x36: {  	_ = 	snop;
	(pc) =	sbr.rel @p1 .LBB2_4-.Ltmp1, $4  }
0x37: {  	_ = 	snop  }
0x38: {  	s14 =	sshra.s32 s13, $0x2  }
0x39: {  	s13 =	sadd.s32 $0x200, s13;
	s14 =	sadd.s32 $0x2780, s14  }
0x3a: {  	[spmem:s1] =	stream.indirect.scatter.add.f32 [tilespmem:s10], [sflag:$0x1], $0x1, s14, s9, $0xb8;
	[tilespmem:$0xAA78] =	vst v63  }
0x3b: {  	_ =	swait.ge [sflag:s11], $0x28  }
0x3c: {  	s13 =	simm.s32 $0xF9;
	[sflag:s11] =	ssyncset.done $0x0  }
.LBB2_6:
0x3d: {  	p1 =	sne.s32 s13, $0x1;
	s13 =	sadd.s32 $0xFFFFFFFF, s13;
	[sflag:s11] =	ssyncadd.s32 $0xFFFFFFD8  }
.Ltmp2:
0x3e: {  	(pc) =	sbr.rel @p1 .LBB2_6-.Ltmp2, $3  }
0x3f: {  	_ =	sdelay $0x1  }
0x40: {  	_ =	swait.ge [sflag:s11], $0x28  }
0x41: {  	[sflag:s11] =	ssyncset.done $0x0  }
0x42: {  	[sflag:s11] =	ssyncadd.s32 $0xFFFFFFD8;
	s13 =	simm.s32 @!p0 $0x1  }
0x43: {  	s14 =	simm.s32 @!p0 $0x20;
	s15 =	simm.s32 @!p0 $0x10;
	s12 =	sadd.s32 $0x1, s12  }
0x44: {  	s16 =	simm.s32 @!p0 $0x1C02;
	[bflag:$0x0] =	sbarrier.arrive $0xFFFF;
	p1 =	sne.s32 s12, s6  }
0x45: {  	[hbm:s5@s14], [sflag:s16] =	dma.strided @!p0 [spmem:s8@s15], $0x4F0, s13, $0x10   }
.Ltmp3:
0x46: {  	_ = 	snop;
	(pc) =	sbr.rel @p1 .LBB2_1-.Ltmp3, $4  }
0x47: {  	s13 =	simm.s32 @!p0 $0x2  }
0x48: {  	_ =	swait.ge @!p0 [sflag:s13], $0x4F0  }
0x49: {  	[sflag:s13] =	ssyncset.done @!p0 $0x0  }
0x4a: {  	[sflag:s13] =	ssyncadd.s32 @!p0 $0xFFFFFB10  }
0x4b: {  	_ =	sfence.sel $0x180000  }
0x4c: {  	[bflag:$0x0] =	sbarrier.arrive $0xFFFF  }
0x4d: {  	_ =	strace $0x90000047  }
0x4e: {  	s0 =	sadd.s32 @!p0 $0x100000, s0;
	[bflag:$0x2] =	sbarrier.arrive $0xFFFF  }
0x4f: {  	[sflag:s0] =	ssyncadd.tile.s32 @!p0 $0x1;
	_ =	shalt  }
.Lfunc_end2:
_tile_overlayer_lowered:
.L_overlay_start_2:
0x50: {  	(tag) =	ssettag $0x2  }
0x51: {  	s0 =	rddreg [dreg:$0x0];
	s2 =	stileid.u32  }
0x52: {  	s1 =	rddreg [dreg:$0x1];
	p0 =	sne.s32 s2, $0x0  }
0x53: {  	s3 =	rddreg [dreg:$0x2];
	[bflag:$0x3] =	sbarrier.arrive $0xFFFF;
	s2 =	simm.s32 @!p0 $0x1C02  }
0x54: {  	[timem:s3], [sflag:s2] =	dma.local @!p0 [hbm:s0], s1  }
0x55: {  	s0 =	simm.s32 @!p0 $0x2  }
0x56: {  	_ =	swait.ge @!p0 [sflag:s0], s1  }
0x57: {  	s1 =	ssub.s32 @!p0 $0x0, s1;
	[sflag:s0] =	ssyncset.done @!p0 $0x0  }
0x58: {  	[sflag:s0] =	ssyncadd.s32 @!p0 s1  }
0x59: {  	[bflag:$0x3] =	sbarrier.arrive $0xFFFF  }
0x5a: {  	_ =	shalt  }

</sc_bundles>
